<compile_context>
chip_gen: v7x
topology: tpu7x:2x2x1
jax: 0.10.2.dev20260603
libtpu: 0.0.44.dev20260713+nightly
codegen_flags: <defaults>
</compile_context>

<pallas_src>
import functools
import math

import numpy as np
import jax
import jax.numpy as jnp
from jax import lax
from jax.experimental import pallas as pl
from jax.experimental.pallas import tpu as pltpu
from jax.experimental.pallas import tpu_sc as plsc

_VOCAB = 100000
_D = 1024
_B = 4
_L = 2048
_NC, _NS = 2, 16
_NW = _NC * _NS
_PPW = _L // _NW
_ROWS = _B * _L
_CHUNK = 16
_NGROUP = _PPW // _CHUNK
_NCHUNK = _NGROUP * _B
_LANES = 16
_NBUF = 5


_NROT = _L // _CHUNK


def _pe_consts() -> np.ndarray:
    div = np.exp(np.arange(0, _D, 2).astype(np.float32)
                 * (-math.log(10000.0) / _D))
    pos = np.arange(_CHUNK, dtype=np.float32)[:, None]
    pe16 = np.zeros((_CHUNK, _D), dtype=np.float32)
    pe16[:, 0::2] = np.sin(pos * div)
    pe16[:, 1::2] = np.cos(pos * div)
    pe16s = np.zeros_like(pe16)
    pe16s[:, 0::2] = pe16[:, 1::2]
    pe16s[:, 1::2] = pe16[:, 0::2]
    k = (np.arange(_NROT, dtype=np.float32) * _CHUNK)[:, None]
    rot_a = np.zeros((_NROT, _D), dtype=np.float32)
    rot_a[:, 0::2] = np.cos(k * div)
    rot_a[:, 1::2] = rot_a[:, 0::2]
    rot_b = np.zeros((_NROT, _D), dtype=np.float32)
    rot_b[:, 0::2] = np.sin(k * div)
    rot_b[:, 1::2] = -rot_b[:, 0::2]
    return np.concatenate([pe16, pe16s, rot_a, rot_b], axis=0)


_CONSTS = _pe_consts()


def _embed_body(x_hbm, pe_hbm, table_hbm, out_hbm,
                idx_v, pv0, pv1, gb0, gb1, gb2, gb3, gb4,
                psem0, psem1, gsem0, gsem1, gsem2, gsem3, gsem4,
                ssem0, ssem1, ssem2, ssem3, ssem4):
    pe_v = (pv0, pv1)
    gbuf = (gb0, gb1, gb2, gb3, gb4)
    psem = (psem0, psem1)
    gsem = (gsem0, gsem1, gsem2, gsem3, gsem4)
    ssem = (ssem0, ssem1, ssem2, ssem3, ssem4)

    wid = lax.axis_index("s") * _NC + lax.axis_index("c")
    p0 = wid * _PPW

    for b in range(_B):
        pltpu.sync_copy(x_hbm.at[b, pl.ds(p0, _PPW)],
                        idx_v.at[pl.ds(b * _PPW, _PPW)])

    def start_gather(c):
        g, bt = divmod(c, _B)
        return pltpu.async_copy(
            table_hbm.at[idx_v.at[pl.ds(bt * _PPW + g * _CHUNK, _CHUNK)]],
            gbuf[c % _NBUF], gsem[c % _NBUF])

    def start_pe(g):
        return pltpu.async_copy(
            pe_hbm.at[pl.ds(p0 + g * _CHUNK, _CHUNK)], pe_v[g % 2],
            psem[g % 2])

    gathers = {c: start_gather(c) for c in range(_NBUF - 2)}
    pes = {0: start_pe(0), 1: start_pe(1)}
    stores = {}

    for c in range(_NCHUNK):
        g, bt = divmod(c, _B)
        if bt == 0:
            if 1 <= g <= _NGROUP - 2:
                pes[g + 1] = start_pe(g + 1)
            pes.pop(g).wait()
        gathers.pop(c).wait()

        gb, pv = gbuf[c % _NBUF], pe_v[g % 2]

        @plsc.parallel_loop(0, _CHUNK * _D // (2 * _LANES), 1, unroll=4)
        def add_body(i):
            r = lax.shift_right_logical(i, 5)
            c0 = pl.multiple_of(
                lax.bitwise_and(i, _D // (2 * _LANES) - 1) * 2 * _LANES,
                2 * _LANES)
            s1 = pl.ds(c0, _LANES)
            s2 = pl.ds(c0 + _LANES, _LANES)
            plsc.addupdate(gb.at[r, s1], pv[r, s1])
            plsc.addupdate(gb.at[r, s2], pv[r, s2])

        stores[c] = pltpu.async_copy(
            gb, out_hbm.at[pl.ds(bt * _L + p0 + g * _CHUNK, _CHUNK)],
            ssem[c % _NBUF])
        if c + _NBUF - 2 < _NCHUNK:
            if c >= 2:
                stores.pop(c - 2).wait()
            gathers[c + _NBUF - 2] = start_gather(c + _NBUF - 2)

    for c in sorted(stores):
        stores.pop(c).wait()


_KPB = 64


def _pe_tc_body(pe16_ref, pe16s_ref, ra_ref, rb_ref, o_ref):
    o_ref[...] = (pe16_ref[...][None] * ra_ref[...]
                  + pe16s_ref[...][None] * rb_ref[...])


@jax.jit
def _embed(x, table):
    consts = jnp.asarray(_CONSTS)
    pe = pl.pallas_call(
        _pe_tc_body,
        grid=(_NROT // _KPB,),
        in_specs=[
            pl.BlockSpec((_CHUNK, _D), lambda k: (0, 0)),
            pl.BlockSpec((_CHUNK, _D), lambda k: (0, 0)),
            pl.BlockSpec((_KPB, 1, _D), lambda k: (k, 0, 0)),
            pl.BlockSpec((_KPB, 1, _D), lambda k: (k, 0, 0)),
        ],
        out_specs=pl.BlockSpec((_KPB, _CHUNK, _D), lambda k: (k, 0, 0)),
        out_shape=jax.ShapeDtypeStruct((_NROT, _CHUNK, _D), jnp.float32),
    )(consts[0:_CHUNK], consts[_CHUNK:2 * _CHUNK],
      consts[2 * _CHUNK:2 * _CHUNK + _NROT].reshape(_NROT, 1, _D),
      consts[2 * _CHUNK + _NROT:].reshape(_NROT, 1, _D)).reshape(_L, _D)
    mesh = plsc.VectorSubcoreMesh(core_axis_name="c", subcore_axis_name="s")
    f = functools.partial(
        pl.kernel,
        mesh=mesh,
        out_type=jax.ShapeDtypeStruct((_ROWS, _D), jnp.float32),
        scratch_types=[
            pltpu.VMEM((_B * _PPW,), jnp.int32),
            pltpu.VMEM((_CHUNK, _D), jnp.float32),
            pltpu.VMEM((_CHUNK, _D), jnp.float32),
            pltpu.VMEM((_CHUNK, _D), jnp.float32),
            pltpu.VMEM((_CHUNK, _D), jnp.float32),
            pltpu.VMEM((_CHUNK, _D), jnp.float32),
            pltpu.VMEM((_CHUNK, _D), jnp.float32),
            pltpu.VMEM((_CHUNK, _D), jnp.float32),
            pltpu.SemaphoreType.DMA,
            pltpu.SemaphoreType.DMA,
            pltpu.SemaphoreType.DMA,
            pltpu.SemaphoreType.DMA,
            pltpu.SemaphoreType.DMA,
            pltpu.SemaphoreType.DMA,
            pltpu.SemaphoreType.DMA,
            pltpu.SemaphoreType.DMA,
            pltpu.SemaphoreType.DMA,
            pltpu.SemaphoreType.DMA,
            pltpu.SemaphoreType.DMA,
            pltpu.SemaphoreType.DMA,
        ],
    )(_embed_body)
    return f(x, pe, table)


def kernel(x, table):
    return _embed(x, table).reshape(_B, _L, _D)

# --- scband reference (transcript-rebuilt; emitter-appended) ---
"""Pipeline reference for scband-embedder-45689862095083 (READ-ONLY COPY).

The authoritative reference and input builder live on the scoring server;
editing this copy changes nothing except your own understanding.
"""

import jax, jax.numpy as jnp
import numpy as np
import math

VOCAB = 100000
EMBED_DIM = 1024
MAX_CTX = 4096
BATCH = 4
SEQ = 2048


def get_positional_encoding(seq_len, embedding_dim):
    pe = np.zeros((seq_len, embedding_dim), dtype=np.float32)
    position = np.arange(0, seq_len, dtype=np.float32)[:, None]
    div_term = np.exp(np.arange(0, embedding_dim, 2).astype(np.float32) * (-math.log(10000.0) / embedding_dim))
    pe[:, 0::2] = np.sin(position * div_term)
    pe[:, 1::2] = np.cos(position * div_term)
    return jnp.asarray(pe)


def setup_inputs(seed: int = 0) -> dict:
    key = jax.random.key(seed)
    k_idx, k_tab = jax.random.split(key)
    x = jax.random.randint(k_idx, (BATCH, SEQ), 0, VOCAB, dtype=jnp.int32)
    # nn.Embedding default init: N(0, 1)
    table = jax.random.normal(k_tab, (VOCAB, EMBED_DIM), dtype=jnp.float32)
    return {"x": x, "table": table}


def reference(x, table):
    L = x.shape[1]
    pe = get_positional_encoding(MAX_CTX, EMBED_DIM)[:L]
    emb = jnp.take(table, x, axis=0)  # [B, L, D] gather
    return emb + pe[None, :, :]

if __name__ == "__main__":
    import jax
    _d = setup_inputs()
    print(jax.jit(kernel)(*tuple(_d.values())))

</pallas_src>

<mosaic_0001>
#map = affine_map<(d0, d1) -> (0, 0)>
module attributes {stable_mosaic.version = 14 : i64} {
  func.func @_embed_body(%arg0: i32, %arg1: i32, %arg2: memref<4x2048xi32, #tpu.memory_space<hbm>>, %arg3: memref<2048x1024xf32, #tpu.memory_space<hbm>>, %arg4: memref<100000x1024xf32, #tpu.memory_space<hbm>>, %arg5: memref<8192x1024xf32, #tpu.memory_space<hbm>>, %arg6: memref<256xi32, #tpu.memory_space<vmem>>, %arg7: memref<16x1024xf32, #tpu.memory_space<vmem>>, %arg8: memref<16x1024xf32, #tpu.memory_space<vmem>>, %arg9: memref<16x1024xf32, #tpu.memory_space<vmem>>, %arg10: memref<16x1024xf32, #tpu.memory_space<vmem>>, %arg11: memref<16x1024xf32, #tpu.memory_space<vmem>>, %arg12: memref<16x1024xf32, #tpu.memory_space<vmem>>, %arg13: memref<16x1024xf32, #tpu.memory_space<vmem>>, %arg14: memref<!tpu.dma_semaphore, #tpu.memory_space<semaphore_mem>>, %arg15: memref<!tpu.dma_semaphore, #tpu.memory_space<semaphore_mem>>, %arg16: memref<!tpu.dma_semaphore, #tpu.memory_space<semaphore_mem>>, %arg17: memref<!tpu.dma_semaphore, #tpu.memory_space<semaphore_mem>>, %arg18: memref<!tpu.dma_semaphore, #tpu.memory_space<semaphore_mem>>, %arg19: memref<!tpu.dma_semaphore, #tpu.memory_space<semaphore_mem>>, %arg20: memref<!tpu.dma_semaphore, #tpu.memory_space<semaphore_mem>>, %arg21: memref<!tpu.dma_semaphore, #tpu.memory_space<semaphore_mem>>, %arg22: memref<!tpu.dma_semaphore, #tpu.memory_space<semaphore_mem>>, %arg23: memref<!tpu.dma_semaphore, #tpu.memory_space<semaphore_mem>>, %arg24: memref<!tpu.dma_semaphore, #tpu.memory_space<semaphore_mem>>, %arg25: memref<!tpu.dma_semaphore, #tpu.memory_space<semaphore_mem>>) attributes {dimension_semantics = [#tpu.dimension_semantics<core_parallel>, #tpu.dimension_semantics<subcore_parallel>], iteration_bounds = array<i64: 2, 16>, scalar_prefetch = 0 : i64, scratch_operands = 20 : i64, tpu.core_type = #tpu.core_type<sc_vector_subcore>, window_params = [{transform_indices = #map}, {transform_indices = #map}, {transform_indices = #map}, {transform_indices = #map}]} {
    %mul3A = arith.constant 2 : i32
    %mul3A_0 = arith.muli %arg1, %mul3A : i32
    %add3A = arith.addi %mul3A_0, %arg0 : i32
    %mul3A_1 = arith.constant 64 : i32
    %mul3A_2 = arith.muli %add3A, %mul3A_1 : i32
    %run_scoped3A = arith.constant 0 : i32
    "tpu.region"() ({
      %run_scoped3A_443 = tpu.sem_alloc : memref<!tpu.dma_semaphore, #tpu.memory_space<semaphore_mem>>
      %dma_start3A_444 = arith.constant 0 : i32
      %dma_start3A_445 = tpu.memref_slice %arg6[%dma_start3A_444] : memref<256xi32, #tpu.memory_space<vmem>> -> memref<64xi32, #tpu.memory_space<vmem>>
      %dma_start3A_446 = tpu.memref_slice %arg2[%run_scoped3A, %mul3A_2] : memref<4x2048xi32, #tpu.memory_space<hbm>> -> memref<1x64xi32, #tpu.memory_space<hbm>>
      %dma_start3A_447 = tpu.memref_squeeze %dma_start3A_446 : memref<1x64xi32, #tpu.memory_space<hbm>> -> memref<64xi32, #tpu.memory_space<hbm>>
      %dma_start3A_448 = arith.constant 0 : i32
      %dma_start3A_449 = tpu.memref_slice %arg6[%dma_start3A_448] : memref<256xi32, #tpu.memory_space<vmem>> -> memref<64xi32, #tpu.memory_space<vmem>>
      %dma_start3A_450 = tpu.memref_slice %arg2[%run_scoped3A, %mul3A_2] : memref<4x2048xi32, #tpu.memory_space<hbm>> -> memref<1x64xi32, #tpu.memory_space<hbm>>
      %dma_start3A_451 = tpu.memref_squeeze %dma_start3A_450 : memref<1x64xi32, #tpu.memory_space<hbm>> -> memref<64xi32, #tpu.memory_space<hbm>>
      tpu.enqueue_dma source(%dma_start3A_451 : memref<64xi32, #tpu.memory_space<hbm>>) target(%dma_start3A_449 : memref<64xi32, #tpu.memory_space<vmem>>) target_semaphore(%run_scoped3A_443 : memref<!tpu.dma_semaphore, #tpu.memory_space<semaphore_mem>>)
      %dma_wait3A_452 = arith.constant 0 : i32
      %dma_wait3A_453 = tpu.memref_slice %arg6[%dma_wait3A_452] : memref<256xi32, #tpu.memory_space<vmem>> -> memref<64xi32, #tpu.memory_space<vmem>>
      %dma_wait3A_454 = tpu.memref_slice %arg2[%run_scoped3A, %mul3A_2] : memref<4x2048xi32, #tpu.memory_space<hbm>> -> memref<1x64xi32, #tpu.memory_space<hbm>>
      %dma_wait3A_455 = tpu.memref_squeeze %dma_wait3A_454 : memref<1x64xi32, #tpu.memory_space<hbm>> -> memref<64xi32, #tpu.memory_space<hbm>>
      %dma_wait3A_456 = arith.constant 0 : i32
      %dma_wait3A_457 = tpu.memref_slice %arg6[%dma_wait3A_456] : memref<256xi32, #tpu.memory_space<vmem>> -> memref<64xi32, #tpu.memory_space<vmem>>
      %dma_wait3A_458 = tpu.memref_slice %arg2[%run_scoped3A, %mul3A_2] : memref<4x2048xi32, #tpu.memory_space<hbm>> -> memref<1x64xi32, #tpu.memory_space<hbm>>
      %dma_wait3A_459 = tpu.memref_squeeze %dma_wait3A_458 : memref<1x64xi32, #tpu.memory_space<hbm>> -> memref<64xi32, #tpu.memory_space<hbm>>
      tpu.wait_dma2 semaphore(%run_scoped3A_443 : memref<!tpu.dma_semaphore, #tpu.memory_space<semaphore_mem>>) src(%dma_wait3A_459 : memref<64xi32, #tpu.memory_space<hbm>>) dst(%dma_wait3A_457 : memref<64xi32, #tpu.memory_space<vmem>>)
      tpu.yield
    }) : () -> ()
    %run_scoped3A_3 = arith.constant 1 : i32
    "tpu.region"() ({
      %run_scoped3A_443 = tpu.sem_alloc : memref<!tpu.dma_semaphore, #tpu.memory_space<semaphore_mem>>
      %dma_start3A_444 = arith.constant 64 : i32
      %dma_start3A_445 = tpu.memref_slice %arg6[%dma_start3A_444] : memref<256xi32, #tpu.memory_space<vmem>> -> memref<64xi32, #tpu.memory_space<vmem>>
      %dma_start3A_446 = tpu.memref_slice %arg2[%run_scoped3A_3, %mul3A_2] : memref<4x2048xi32, #tpu.memory_space<hbm>> -> memref<1x64xi32, #tpu.memory_space<hbm>>
      %dma_start3A_447 = tpu.memref_squeeze %dma_start3A_446 : memref<1x64xi32, #tpu.memory_space<hbm>> -> memref<64xi32, #tpu.memory_space<hbm>>
      %dma_start3A_448 = arith.constant 64 : i32
      %dma_start3A_449 = tpu.memref_slice %arg6[%dma_start3A_448] : memref<256xi32, #tpu.memory_space<vmem>> -> memref<64xi32, #tpu.memory_space<vmem>>
      %dma_start3A_450 = tpu.memref_slice %arg2[%run_scoped3A_3, %mul3A_2] : memref<4x2048xi32, #tpu.memory_space<hbm>> -> memref<1x64xi32, #tpu.memory_space<hbm>>
      %dma_start3A_451 = tpu.memref_squeeze %dma_start3A_450 : memref<1x64xi32, #tpu.memory_space<hbm>> -> memref<64xi32, #tpu.memory_space<hbm>>
      tpu.enqueue_dma source(%dma_start3A_451 : memref<64xi32, #tpu.memory_space<hbm>>) target(%dma_start3A_449 : memref<64xi32, #tpu.memory_space<vmem>>) target_semaphore(%run_scoped3A_443 : memref<!tpu.dma_semaphore, #tpu.memory_space<semaphore_mem>>)
      %dma_wait3A_452 = arith.constant 64 : i32
      %dma_wait3A_453 = tpu.memref_slice %arg6[%dma_wait3A_452] : memref<256xi32, #tpu.memory_space<vmem>> -> memref<64xi32, #tpu.memory_space<vmem>>
      %dma_wait3A_454 = tpu.memref_slice %arg2[%run_scoped3A_3, %mul3A_2] : memref<4x2048xi32, #tpu.memory_space<hbm>> -> memref<1x64xi32, #tpu.memory_space<hbm>>
      %dma_wait3A_455 = tpu.memref_squeeze %dma_wait3A_454 : memref<1x64xi32, #tpu.memory_space<hbm>> -> memref<64xi32, #tpu.memory_space<hbm>>
      %dma_wait3A_456 = arith.constant 64 : i32
      %dma_wait3A_457 = tpu.memref_slice %arg6[%dma_wait3A_456] : memref<256xi32, #tpu.memory_space<vmem>> -> memref<64xi32, #tpu.memory_space<vmem>>
      %dma_wait3A_458 = tpu.memref_slice %arg2[%run_scoped3A_3, %mul3A_2] : memref<4x2048xi32, #tpu.memory_space<hbm>> -> memref<1x64xi32, #tpu.memory_space<hbm>>
      %dma_wait3A_459 = tpu.memref_squeeze %dma_wait3A_458 : memref<1x64xi32, #tpu.memory_space<hbm>> -> memref<64xi32, #tpu.memory_space<hbm>>
      tpu.wait_dma2 semaphore(%run_scoped3A_443 : memref<!tpu.dma_semaphore, #tpu.memory_space<semaphore_mem>>) src(%dma_wait3A_459 : memref<64xi32, #tpu.memory_space<hbm>>) dst(%dma_wait3A_457 : memref<64xi32, #tpu.memory_space<vmem>>)
      tpu.yield
    }) : () -> ()
    %run_scoped3A_4 = arith.constant 2 : i32
    "tpu.region"() ({
      %run_scoped3A_443 = tpu.sem_alloc : memref<!tpu.dma_semaphore, #tpu.memory_space<semaphore_mem>>
      %dma_start3A_444 = arith.constant 128 : i32
      %dma_start3A_445 = tpu.memref_slice %arg6[%dma_start3A_444] : memref<256xi32, #tpu.memory_space<vmem>> -> memref<64xi32, #tpu.memory_space<vmem>>
      %dma_start3A_446 = tpu.memref_slice %arg2[%run_scoped3A_4, %mul3A_2] : memref<4x2048xi32, #tpu.memory_space<hbm>> -> memref<1x64xi32, #tpu.memory_space<hbm>>
      %dma_start3A_447 = tpu.memref_squeeze %dma_start3A_446 : memref<1x64xi32, #tpu.memory_space<hbm>> -> memref<64xi32, #tpu.memory_space<hbm>>
      %dma_start3A_448 = arith.constant 128 : i32
      %dma_start3A_449 = tpu.memref_slice %arg6[%dma_start3A_448] : memref<256xi32, #tpu.memory_space<vmem>> -> memref<64xi32, #tpu.memory_space<vmem>>
      %dma_start3A_450 = tpu.memref_slice %arg2[%run_scoped3A_4, %mul3A_2] : memref<4x2048xi32, #tpu.memory_space<hbm>> -> memref<1x64xi32, #tpu.memory_space<hbm>>
      %dma_start3A_451 = tpu.memref_squeeze %dma_start3A_450 : memref<1x64xi32, #tpu.memory_space<hbm>> -> memref<64xi32, #tpu.memory_space<hbm>>
      tpu.enqueue_dma source(%dma_start3A_451 : memref<64xi32, #tpu.memory_space<hbm>>) target(%dma_start3A_449 : memref<64xi32, #tpu.memory_space<vmem>>) target_semaphore(%run_scoped3A_443 : memref<!tpu.dma_semaphore, #tpu.memory_space<semaphore_mem>>)
      %dma_wait3A_452 = arith.constant 128 : i32
      %dma_wait3A_453 = tpu.memref_slice %arg6[%dma_wait3A_452] : memref<256xi32, #tpu.memory_space<vmem>> -> memref<64xi32, #tpu.memory_space<vmem>>
      %dma_wait3A_454 = tpu.memref_slice %arg2[%run_scoped3A_4, %mul3A_2] : memref<4x2048xi32, #tpu.memory_space<hbm>> -> memref<1x64xi32, #tpu.memory_space<hbm>>
      %dma_wait3A_455 = tpu.memref_squeeze %dma_wait3A_454 : memref<1x64xi32, #tpu.memory_space<hbm>> -> memref<64xi32, #tpu.memory_space<hbm>>
      %dma_wait3A_456 = arith.constant 128 : i32
      %dma_wait3A_457 = tpu.memref_slice %arg6[%dma_wait3A_456] : memref<256xi32, #tpu.memory_space<vmem>> -> memref<64xi32, #tpu.memory_space<vmem>>
      %dma_wait3A_458 = tpu.memref_slice %arg2[%run_scoped3A_4, %mul3A_2] : memref<4x2048xi32, #tpu.memory_space<hbm>> -> memref<1x64xi32, #tpu.memory_space<hbm>>
      %dma_wait3A_459 = tpu.memref_squeeze %dma_wait3A_458 : memref<1x64xi32, #tpu.memory_space<hbm>> -> memref<64xi32, #tpu.memory_space<hbm>>
      tpu.wait_dma2 semaphore(%run_scoped3A_443 : memref<!tpu.dma_semaphore, #tpu.memory_space<semaphore_mem>>) src(%dma_wait3A_459 : memref<64xi32, #tpu.memory_space<hbm>>) dst(%dma_wait3A_457 : memref<64xi32, #tpu.memory_space<vmem>>)
      tpu.yield
    }) : () -> ()
    %run_scoped3A_5 = arith.constant 3 : i32
    "tpu.region"() ({
      %run_scoped3A_443 = tpu.sem_alloc : memref<!tpu.dma_semaphore, #tpu.memory_space<semaphore_mem>>
      %dma_start3A_444 = arith.constant 192 : i32
      %dma_start3A_445 = tpu.memref_slice %arg6[%dma_start3A_444] : memref<256xi32, #tpu.memory_space<vmem>> -> memref<64xi32, #tpu.memory_space<vmem>>
      %dma_start3A_446 = tpu.memref_slice %arg2[%run_scoped3A_5, %mul3A_2] : memref<4x2048xi32, #tpu.memory_space<hbm>> -> memref<1x64xi32, #tpu.memory_space<hbm>>
      %dma_start3A_447 = tpu.memref_squeeze %dma_start3A_446 : memref<1x64xi32, #tpu.memory_space<hbm>> -> memref<64xi32, #tpu.memory_space<hbm>>
      %dma_start3A_448 = arith.constant 192 : i32
      %dma_start3A_449 = tpu.memref_slice %arg6[%dma_start3A_448] : memref<256xi32, #tpu.memory_space<vmem>> -> memref<64xi32, #tpu.memory_space<vmem>>
      %dma_start3A_450 = tpu.memref_slice %arg2[%run_scoped3A_5, %mul3A_2] : memref<4x2048xi32, #tpu.memory_space<hbm>> -> memref<1x64xi32, #tpu.memory_space<hbm>>
      %dma_start3A_451 = tpu.memref_squeeze %dma_start3A_450 : memref<1x64xi32, #tpu.memory_space<hbm>> -> memref<64xi32, #tpu.memory_space<hbm>>
      tpu.enqueue_dma source(%dma_start3A_451 : memref<64xi32, #tpu.memory_space<hbm>>) target(%dma_start3A_449 : memref<64xi32, #tpu.memory_space<vmem>>) target_semaphore(%run_scoped3A_443 : memref<!tpu.dma_semaphore, #tpu.memory_space<semaphore_mem>>)
      %dma_wait3A_452 = arith.constant 192 : i32
      %dma_wait3A_453 = tpu.memref_slice %arg6[%dma_wait3A_452] : memref<256xi32, #tpu.memory_space<vmem>> -> memref<64xi32, #tpu.memory_space<vmem>>
      %dma_wait3A_454 = tpu.memref_slice %arg2[%run_scoped3A_5, %mul3A_2] : memref<4x2048xi32, #tpu.memory_space<hbm>> -> memref<1x64xi32, #tpu.memory_space<hbm>>
      %dma_wait3A_455 = tpu.memref_squeeze %dma_wait3A_454 : memref<1x64xi32, #tpu.memory_space<hbm>> -> memref<64xi32, #tpu.memory_space<hbm>>
      %dma_wait3A_456 = arith.constant 192 : i32
      %dma_wait3A_457 = tpu.memref_slice %arg6[%dma_wait3A_456] : memref<256xi32, #tpu.memory_space<vmem>> -> memref<64xi32, #tpu.memory_space<vmem>>
      %dma_wait3A_458 = tpu.memref_slice %arg2[%run_scoped3A_5, %mul3A_2] : memref<4x2048xi32, #tpu.memory_space<hbm>> -> memref<1x64xi32, #tpu.memory_space<hbm>>
      %dma_wait3A_459 = tpu.memref_squeeze %dma_wait3A_458 : memref<1x64xi32, #tpu.memory_space<hbm>> -> memref<64xi32, #tpu.memory_space<hbm>>
      tpu.wait_dma2 semaphore(%run_scoped3A_443 : memref<!tpu.dma_semaphore, #tpu.memory_space<semaphore_mem>>) src(%dma_wait3A_459 : memref<64xi32, #tpu.memory_space<hbm>>) dst(%dma_wait3A_457 : memref<64xi32, #tpu.memory_space<vmem>>)
      tpu.yield
    }) : () -> ()
    %dma_start3A = arith.constant 0 : i32
    %dma_start3A_6 = tpu.memref_slice %arg6[%dma_start3A] : memref<256xi32, #tpu.memory_space<vmem>> -> memref<16xi32, #tpu.memory_space<vmem>>
    %dma_start3A_7 = arith.constant 0 : i32
    %dma_start3A_8 = arith.constant 0 : i32
    %dma_start3A_9 = tpu.memref_slice %arg4[%dma_start3A_7, %dma_start3A_8] : memref<100000x1024xf32, #tpu.memory_space<hbm>> -> memref<100000x1024xf32, #tpu.memory_space<hbm>>
    tpu.enqueue_indirect_dma source(%dma_start3A_9 : memref<100000x1024xf32, #tpu.memory_space<hbm>>) target(%arg9 : memref<16x1024xf32, #tpu.memory_space<vmem>>) offsets(%dma_start3A_6 : memref<16xi32, #tpu.memory_space<vmem>>) semaphore(%arg16 : memref<!tpu.dma_semaphore, #tpu.memory_space<semaphore_mem>>)
    %dma_start3A_10 = arith.constant 64 : i32
    %dma_start3A_11 = tpu.memref_slice %arg6[%dma_start3A_10] : memref<256xi32, #tpu.memory_space<vmem>> -> memref<16xi32, #tpu.memory_space<vmem>>
    %dma_start3A_12 = arith.constant 0 : i32
    %dma_start3A_13 = arith.constant 0 : i32
    %dma_start3A_14 = tpu.memref_slice %arg4[%dma_start3A_12, %dma_start3A_13] : memref<100000x1024xf32, #tpu.memory_space<hbm>> -> memref<100000x1024xf32, #tpu.memory_space<hbm>>
    tpu.enqueue_indirect_dma source(%dma_start3A_14 : memref<100000x1024xf32, #tpu.memory_space<hbm>>) target(%arg10 : memref<16x1024xf32, #tpu.memory_space<vmem>>) offsets(%dma_start3A_11 : memref<16xi32, #tpu.memory_space<vmem>>) semaphore(%arg17 : memref<!tpu.dma_semaphore, #tpu.memory_space<semaphore_mem>>)
    %dma_start3A_15 = arith.constant 128 : i32
    %dma_start3A_16 = tpu.memref_slice %arg6[%dma_start3A_15] : memref<256xi32, #tpu.memory_space<vmem>> -> memref<16xi32, #tpu.memory_space<vmem>>
    %dma_start3A_17 = arith.constant 0 : i32
    %dma_start3A_18 = arith.constant 0 : i32
    %dma_start3A_19 = tpu.memref_slice %arg4[%dma_start3A_17, %dma_start3A_18] : memref<100000x1024xf32, #tpu.memory_space<hbm>> -> memref<100000x1024xf32, #tpu.memory_space<hbm>>
    tpu.enqueue_indirect_dma source(%dma_start3A_19 : memref<100000x1024xf32, #tpu.memory_space<hbm>>) target(%arg11 : memref<16x1024xf32, #tpu.memory_space<vmem>>) offsets(%dma_start3A_16 : memref<16xi32, #tpu.memory_space<vmem>>) semaphore(%arg18 : memref<!tpu.dma_semaphore, #tpu.memory_space<semaphore_mem>>)
    %add3A_20 = arith.constant 0 : i32
    %add3A_21 = arith.addi %mul3A_2, %add3A_20 : i32
    %dma_start3A_22 = arith.constant 0 : i32
    %dma_start3A_23 = tpu.memref_slice %arg3[%add3A_21, %dma_start3A_22] : memref<2048x1024xf32, #tpu.memory_space<hbm>> -> memref<16x1024xf32, #tpu.memory_space<hbm>>
    %dma_start3A_24 = arith.constant 0 : i32
    %dma_start3A_25 = tpu.memref_slice %arg3[%add3A_21, %dma_start3A_24] : memref<2048x1024xf32, #tpu.memory_space<hbm>> -> memref<16x1024xf32, #tpu.memory_space<hbm>>
    tpu.enqueue_dma source(%dma_start3A_25 : memref<16x1024xf32, #tpu.memory_space<hbm>>) target(%arg7 : memref<16x1024xf32, #tpu.memory_space<vmem>>) target_semaphore(%arg14 : memref<!tpu.dma_semaphore, #tpu.memory_space<semaphore_mem>>)
    %add3A_26 = arith.constant 16 : i32
    %add3A_27 = arith.addi %mul3A_2, %add3A_26 : i32
    %dma_start3A_28 = arith.constant 0 : i32
    %dma_start3A_29 = tpu.memref_slice %arg3[%add3A_27, %dma_start3A_28] : memref<2048x1024xf32, #tpu.memory_space<hbm>> -> memref<16x1024xf32, #tpu.memory_space<hbm>>
    %dma_start3A_30 = arith.constant 0 : i32
    %dma_start3A_31 = tpu.memref_slice %arg3[%add3A_27, %dma_start3A_30] : memref<2048x1024xf32, #tpu.memory_space<hbm>> -> memref<16x1024xf32, #tpu.memory_space<hbm>>
    tpu.enqueue_dma source(%dma_start3A_31 : memref<16x1024xf32, #tpu.memory_space<hbm>>) target(%arg8 : memref<16x1024xf32, #tpu.memory_space<vmem>>) target_semaphore(%arg15 : memref<!tpu.dma_semaphore, #tpu.memory_space<semaphore_mem>>)
    %dma_wait3A = arith.constant 0 : i32
    %dma_wait3A_32 = tpu.memref_slice %arg3[%add3A_21, %dma_wait3A] : memref<2048x1024xf32, #tpu.memory_space<hbm>> -> memref<16x1024xf32, #tpu.memory_space<hbm>>
    %dma_wait3A_33 = arith.constant 0 : i32
    %dma_wait3A_34 = tpu.memref_slice %arg3[%add3A_21, %dma_wait3A_33] : memref<2048x1024xf32, #tpu.memory_space<hbm>> -> memref<16x1024xf32, #tpu.memory_space<hbm>>
    tpu.wait_dma2 semaphore(%arg14 : memref<!tpu.dma_semaphore, #tpu.memory_space<semaphore_mem>>) src(%dma_wait3A_34 : memref<16x1024xf32, #tpu.memory_space<hbm>>) dst(%arg7 : memref<16x1024xf32, #tpu.memory_space<vmem>>)
    %dma_wait3A_35 = arith.constant 0 : i32
    %dma_wait3A_36 = tpu.memref_slice %arg6[%dma_wait3A_35] : memref<256xi32, #tpu.memory_space<vmem>> -> memref<16xi32, #tpu.memory_space<vmem>>
    %dma_wait3A_37 = arith.constant 0 : i32
    %dma_wait3A_38 = arith.constant 0 : i32
    %dma_wait3A_39 = tpu.memref_slice %arg4[%dma_wait3A_37, %dma_wait3A_38] : memref<100000x1024xf32, #tpu.memory_space<hbm>> -> memref<100000x1024xf32, #tpu.memory_space<hbm>>
    tpu.wait_indirect_dma semaphore(%arg16 : memref<!tpu.dma_semaphore, #tpu.memory_space<semaphore_mem>>) src(%dma_wait3A_39 : memref<100000x1024xf32, #tpu.memory_space<hbm>>) dst(%arg9 : memref<16x1024xf32, #tpu.memory_space<vmem>>)
    %parallel_loop3A = arith.constant 0 : i32
    %parallel_loop3A_40 = arith.constant 512 : i32
    %parallel_loop3A_41 = arith.constant 1 : i32
    scf.for %parallel_loop3A_443 = %parallel_loop3A to %parallel_loop3A_40 step %parallel_loop3A_41  : i32 {
      %parallel_loop3A_444 = arith.constant 5 : i32
      %parallel_loop3A_445 = arith.shrui %parallel_loop3A_443, %parallel_loop3A_444 : i32
      %parallel_loop3A_446 = arith.constant 31 : i32
      %parallel_loop3A_447 = arith.andi %parallel_loop3A_443, %parallel_loop3A_446 : i32
      %parallel_loop3A_448 = arith.constant 2 : i32
      %parallel_loop3A_449 = arith.muli %parallel_loop3A_447, %parallel_loop3A_448 : i32
      %parallel_loop3A_450 = arith.constant 16 : i32
      %parallel_loop3A_451 = arith.muli %parallel_loop3A_449, %parallel_loop3A_450 : i32
      %parallel_loop3A_452 = tpu.assume_multiple %parallel_loop3A_451, 32 : i32
      %parallel_loop3A_453 = arith.constant 16 : i32
      %parallel_loop3A_454 = arith.addi %parallel_loop3A_452, %parallel_loop3A_453 : i32
      %parallel_loop3A_455 = arith.index_cast %parallel_loop3A_445 : i32 to index
      %parallel_loop3A_456 = arith.index_cast %parallel_loop3A_452 : i32 to index
      %parallel_loop3A_457 = tpu.vector_load %arg7[%parallel_loop3A_455, %parallel_loop3A_456] {strides = array<i32>} : memref<16x1024xf32, #tpu.memory_space<vmem>>, vector<1x16xf32>,
      %parallel_loop3A_458 = vector.shape_cast %parallel_loop3A_457 : vector<1x16xf32> to vector<16xf32>
      %parallel_loop3A_459 = arith.index_cast %parallel_loop3A_445 : i32 to index
      %parallel_loop3A_460 = arith.index_cast %parallel_loop3A_452 : i32 to index
      %parallel_loop3A_461 = tpu.vector_load %arg9[%parallel_loop3A_459, %parallel_loop3A_460] {strides = array<i32>} : memref<16x1024xf32, #tpu.memory_space<vmem>>, vector<1x16xf32>,
      %parallel_loop3A_462 = vector.shape_cast %parallel_loop3A_461 : vector<1x16xf32> to vector<16xf32>
      %parallel_loop3A_463 = vector.shape_cast %parallel_loop3A_458 : vector<16xf32> to vector<1x16xf32>
      tpu.vector_store %arg9[%parallel_loop3A_459, %parallel_loop3A_460], %parallel_loop3A_463 {add = true, strides = array<i32>} : memref<16x1024xf32, #tpu.memory_space<vmem>>, vector<1x16xf32>,
      %parallel_loop3A_464 = arith.index_cast %parallel_loop3A_445 : i32 to index
      %parallel_loop3A_465 = arith.index_cast %parallel_loop3A_454 : i32 to index
      %parallel_loop3A_466 = tpu.vector_load %arg7[%parallel_loop3A_464, %parallel_loop3A_465] {strides = array<i32>} : memref<16x1024xf32, #tpu.memory_space<vmem>>, vector<1x16xf32>,
      %parallel_loop3A_467 = vector.shape_cast %parallel_loop3A_466 : vector<1x16xf32> to vector<16xf32>
      %parallel_loop3A_468 = arith.index_cast %parallel_loop3A_445 : i32 to index
      %parallel_loop3A_469 = arith.index_cast %parallel_loop3A_454 : i32 to index
      %parallel_loop3A_470 = tpu.vector_load %arg9[%parallel_loop3A_468, %parallel_loop3A_469] {strides = array<i32>} : memref<16x1024xf32, #tpu.memory_space<vmem>>, vector<1x16xf32>,
      %parallel_loop3A_471 = vector.shape_cast %parallel_loop3A_470 : vector<1x16xf32> to vector<16xf32>
      %parallel_loop3A_472 = vector.shape_cast %parallel_loop3A_467 : vector<16xf32> to vector<1x16xf32>
      tpu.vector_store %arg9[%parallel_loop3A_468, %parallel_loop3A_469], %parallel_loop3A_472 {add = true, strides = array<i32>} : memref<16x1024xf32, #tpu.memory_space<vmem>>, vector<1x16xf32>,
    } {sc.loop_unroll_factor = 4 : i64, sc.parallel_access}
    %add3A_42 = arith.constant 0 : i32
    %add3A_43 = arith.addi %add3A_42, %mul3A_2 : i32
    %add3A_44 = arith.constant 0 : i32
    %add3A_45 = arith.addi %add3A_43, %add3A_44 : i32
    %dma_start3A_46 = arith.constant 0 : i32
    %dma_start3A_47 = tpu.memref_slice %arg5[%add3A_45, %dma_start3A_46] : memref<8192x1024xf32, #tpu.memory_space<hbm>> -> memref<16x1024xf32, #tpu.memory_space<hbm>>
    %dma_start3A_48 = arith.constant 0 : i32
    %dma_start3A_49 = tpu.memref_slice %arg5[%add3A_45, %dma_start3A_48] : memref<8192x1024xf32, #tpu.memory_space<hbm>> -> memref<16x1024xf32, #tpu.memory_space<hbm>>
    tpu.enqueue_dma source(%arg9 : memref<16x1024xf32, #tpu.memory_space<vmem>>) target(%dma_start3A_49 : memref<16x1024xf32, #tpu.memory_space<hbm>>) target_semaphore(%arg21 : memref<!tpu.dma_semaphore, #tpu.memory_space<semaphore_mem>>)
    %dma_start3A_50 = arith.constant 192 : i32
    %dma_start3A_51 = tpu.memref_slice %arg6[%dma_start3A_50] : memref<256xi32, #tpu.memory_space<vmem>> -> memref<16xi32, #tpu.memory_space<vmem>>
    %dma_start3A_52 = arith.constant 0 : i32
    %dma_start3A_53 = arith.constant 0 : i32
    %dma_start3A_54 = tpu.memref_slice %arg4[%dma_start3A_52, %dma_start3A_53] : memref<100000x1024xf32, #tpu.memory_space<hbm>> -> memref<100000x1024xf32, #tpu.memory_space<hbm>>
    tpu.enqueue_indirect_dma source(%dma_start3A_54 : memref<100000x1024xf32, #tpu.memory_space<hbm>>) target(%arg12 : memref<16x1024xf32, #tpu.memory_space<vmem>>) offsets(%dma_start3A_51 : memref<16xi32, #tpu.memory_space<vmem>>) semaphore(%arg19 : memref<!tpu.dma_semaphore, #tpu.memory_space<semaphore_mem>>)
    %dma_wait3A_55 = arith.constant 64 : i32
    %dma_wait3A_56 = tpu.memref_slice %arg6[%dma_wait3A_55] : memref<256xi32, #tpu.memory_space<vmem>> -> memref<16xi32, #tpu.memory_space<vmem>>
    %dma_wait3A_57 = arith.constant 0 : i32
    %dma_wait3A_58 = arith.constant 0 : i32
    %dma_wait3A_59 = tpu.memref_slice %arg4[%dma_wait3A_57, %dma_wait3A_58] : memref<100000x1024xf32, #tpu.memory_space<hbm>> -> memref<100000x1024xf32, #tpu.memory_space<hbm>>
    tpu.wait_indirect_dma semaphore(%arg17 : memref<!tpu.dma_semaphore, #tpu.memory_space<semaphore_mem>>) src(%dma_wait3A_59 : memref<100000x1024xf32, #tpu.memory_space<hbm>>) dst(%arg10 : memref<16x1024xf32, #tpu.memory_space<vmem>>)
    %parallel_loop3A_60 = arith.constant 0 : i32
    %parallel_loop3A_61 = arith.constant 512 : i32
    %parallel_loop3A_62 = arith.constant 1 : i32
    scf.for %parallel_loop3A_443 = %parallel_loop3A_60 to %parallel_loop3A_61 step %parallel_loop3A_62  : i32 {
      %parallel_loop3A_444 = arith.constant 5 : i32
      %parallel_loop3A_445 = arith.shrui %parallel_loop3A_443, %parallel_loop3A_444 : i32
      %parallel_loop3A_446 = arith.constant 31 : i32
      %parallel_loop3A_447 = arith.andi %parallel_loop3A_443, %parallel_loop3A_446 : i32
      %parallel_loop3A_448 = arith.constant 2 : i32
      %parallel_loop3A_449 = arith.muli %parallel_loop3A_447, %parallel_loop3A_448 : i32
      %parallel_loop3A_450 = arith.constant 16 : i32
      %parallel_loop3A_451 = arith.muli %parallel_loop3A_449, %parallel_loop3A_450 : i32
      %parallel_loop3A_452 = tpu.assume_multiple %parallel_loop3A_451, 32 : i32
      %parallel_loop3A_453 = arith.constant 16 : i32
      %parallel_loop3A_454 = arith.addi %parallel_loop3A_452, %parallel_loop3A_453 : i32
      %parallel_loop3A_455 = arith.index_cast %parallel_loop3A_445 : i32 to index
      %parallel_loop3A_456 = arith.index_cast %parallel_loop3A_452 : i32 to index
      %parallel_loop3A_457 = tpu.vector_load %arg7[%parallel_loop3A_455, %parallel_loop3A_456] {strides = array<i32>} : memref<16x1024xf32, #tpu.memory_space<vmem>>, vector<1x16xf32>,
      %parallel_loop3A_458 = vector.shape_cast %parallel_loop3A_457 : vector<1x16xf32> to vector<16xf32>
      %parallel_loop3A_459 = arith.index_cast %parallel_loop3A_445 : i32 to index
      %parallel_loop3A_460 = arith.index_cast %parallel_loop3A_452 : i32 to index
      %parallel_loop3A_461 = tpu.vector_load %arg10[%parallel_loop3A_459, %parallel_loop3A_460] {strides = array<i32>} : memref<16x1024xf32, #tpu.memory_space<vmem>>, vector<1x16xf32>,
      %parallel_loop3A_462 = vector.shape_cast %parallel_loop3A_461 : vector<1x16xf32> to vector<16xf32>
      %parallel_loop3A_463 = vector.shape_cast %parallel_loop3A_458 : vector<16xf32> to vector<1x16xf32>
      tpu.vector_store %arg10[%parallel_loop3A_459, %parallel_loop3A_460], %parallel_loop3A_463 {add = true, strides = array<i32>} : memref<16x1024xf32, #tpu.memory_space<vmem>>, vector<1x16xf32>,
      %parallel_loop3A_464 = arith.index_cast %parallel_loop3A_445 : i32 to index
      %parallel_loop3A_465 = arith.index_cast %parallel_loop3A_454 : i32 to index
      %parallel_loop3A_466 = tpu.vector_load %arg7[%parallel_loop3A_464, %parallel_loop3A_465] {strides = array<i32>} : memref<16x1024xf32, #tpu.memory_space<vmem>>, vector<1x16xf32>,
      %parallel_loop3A_467 = vector.shape_cast %parallel_loop3A_466 : vector<1x16xf32> to vector<16xf32>
      %parallel_loop3A_468 = arith.index_cast %parallel_loop3A_445 : i32 to index
      %parallel_loop3A_469 = arith.index_cast %parallel_loop3A_454 : i32 to index
      %parallel_loop3A_470 = tpu.vector_load %arg10[%parallel_loop3A_468, %parallel_loop3A_469] {strides = array<i32>} : memref<16x1024xf32, #tpu.memory_space<vmem>>, vector<1x16xf32>,
      %parallel_loop3A_471 = vector.shape_cast %parallel_loop3A_470 : vector<1x16xf32> to vector<16xf32>
      %parallel_loop3A_472 = vector.shape_cast %parallel_loop3A_467 : vector<16xf32> to vector<1x16xf32>
      tpu.vector_store %arg10[%parallel_loop3A_468, %parallel_loop3A_469], %parallel_loop3A_472 {add = true, strides = array<i32>} : memref<16x1024xf32, #tpu.memory_space<vmem>>, vector<1x16xf32>,
    } {sc.loop_unroll_factor = 4 : i64, sc.parallel_access}
    %add3A_63 = arith.constant 2048 : i32
    %add3A_64 = arith.addi %add3A_63, %mul3A_2 : i32
    %add3A_65 = arith.constant 0 : i32
    %add3A_66 = arith.addi %add3A_64, %add3A_65 : i32
    %dma_start3A_67 = arith.constant 0 : i32
    %dma_start3A_68 = tpu.memref_slice %arg5[%add3A_66, %dma_start3A_67] : memref<8192x1024xf32, #tpu.memory_space<hbm>> -> memref<16x1024xf32, #tpu.memory_space<hbm>>
    %dma_start3A_69 = arith.constant 0 : i32
    %dma_start3A_70 = tpu.memref_slice %arg5[%add3A_66, %dma_start3A_69] : memref<8192x1024xf32, #tpu.memory_space<hbm>> -> memref<16x1024xf32, #tpu.memory_space<hbm>>
    tpu.enqueue_dma source(%arg10 : memref<16x1024xf32, #tpu.memory_space<vmem>>) target(%dma_start3A_70 : memref<16x1024xf32, #tpu.memory_space<hbm>>) target_semaphore(%arg22 : memref<!tpu.dma_semaphore, #tpu.memory_space<semaphore_mem>>)
    %dma_start3A_71 = arith.constant 16 : i32
    %dma_start3A_72 = tpu.memref_slice %arg6[%dma_start3A_71] : memref<256xi32, #tpu.memory_space<vmem>> -> memref<16xi32, #tpu.memory_space<vmem>>
    %dma_start3A_73 = arith.constant 0 : i32
    %dma_start3A_74 = arith.constant 0 : i32
    %dma_start3A_75 = tpu.memref_slice %arg4[%dma_start3A_73, %dma_start3A_74] : memref<100000x1024xf32, #tpu.memory_space<hbm>> -> memref<100000x1024xf32, #tpu.memory_space<hbm>>
    tpu.enqueue_indirect_dma source(%dma_start3A_75 : memref<100000x1024xf32, #tpu.memory_space<hbm>>) target(%arg13 : memref<16x1024xf32, #tpu.memory_space<vmem>>) offsets(%dma_start3A_72 : memref<16xi32, #tpu.memory_space<vmem>>) semaphore(%arg20 : memref<!tpu.dma_semaphore, #tpu.memory_space<semaphore_mem>>)
    %dma_wait3A_76 = arith.constant 128 : i32
    %dma_wait3A_77 = tpu.memref_slice %arg6[%dma_wait3A_76] : memref<256xi32, #tpu.memory_space<vmem>> -> memref<16xi32, #tpu.memory_space<vmem>>
    %dma_wait3A_78 = arith.constant 0 : i32
    %dma_wait3A_79 = arith.constant 0 : i32
    %dma_wait3A_80 = tpu.memref_slice %arg4[%dma_wait3A_78, %dma_wait3A_79] : memref<100000x1024xf32, #tpu.memory_space<hbm>> -> memref<100000x1024xf32, #tpu.memory_space<hbm>>
    tpu.wait_indirect_dma semaphore(%arg18 : memref<!tpu.dma_semaphore, #tpu.memory_space<semaphore_mem>>) src(%dma_wait3A_80 : memref<100000x1024xf32, #tpu.memory_space<hbm>>) dst(%arg11 : memref<16x1024xf32, #tpu.memory_space<vmem>>)
    %parallel_loop3A_81 = arith.constant 0 : i32
    %parallel_loop3A_82 = arith.constant 512 : i32
    %parallel_loop3A_83 = arith.constant 1 : i32
    scf.for %parallel_loop3A_443 = %parallel_loop3A_81 to %parallel_loop3A_82 step %parallel_loop3A_83  : i32 {
      %parallel_loop3A_444 = arith.constant 5 : i32
      %parallel_loop3A_445 = arith.shrui %parallel_loop3A_443, %parallel_loop3A_444 : i32
      %parallel_loop3A_446 = arith.constant 31 : i32
      %parallel_loop3A_447 = arith.andi %parallel_loop3A_443, %parallel_loop3A_446 : i32
      %parallel_loop3A_448 = arith.constant 2 : i32
      %parallel_loop3A_449 = arith.muli %parallel_loop3A_447, %parallel_loop3A_448 : i32
      %parallel_loop3A_450 = arith.constant 16 : i32
      %parallel_loop3A_451 = arith.muli %parallel_loop3A_449, %parallel_loop3A_450 : i32
      %parallel_loop3A_452 = tpu.assume_multiple %parallel_loop3A_451, 32 : i32
      %parallel_loop3A_453 = arith.constant 16 : i32
      %parallel_loop3A_454 = arith.addi %parallel_loop3A_452, %parallel_loop3A_453 : i32
      %parallel_loop3A_455 = arith.index_cast %parallel_loop3A_445 : i32 to index
      %parallel_loop3A_456 = arith.index_cast %parallel_loop3A_452 : i32 to index
      %parallel_loop3A_457 = tpu.vector_load %arg7[%parallel_loop3A_455, %parallel_loop3A_456] {strides = array<i32>} : memref<16x1024xf32, #tpu.memory_space<vmem>>, vector<1x16xf32>,
      %parallel_loop3A_458 = vector.shape_cast %parallel_loop3A_457 : vector<1x16xf32> to vector<16xf32>
      %parallel_loop3A_459 = arith.index_cast %parallel_loop3A_445 : i32 to index
      %parallel_loop3A_460 = arith.index_cast %parallel_loop3A_452 : i32 to index
      %parallel_loop3A_461 = tpu.vector_load %arg11[%parallel_loop3A_459, %parallel_loop3A_460] {strides = array<i32>} : memref<16x1024xf32, #tpu.memory_space<vmem>>, vector<1x16xf32>,
      %parallel_loop3A_462 = vector.shape_cast %parallel_loop3A_461 : vector<1x16xf32> to vector<16xf32>
      %parallel_loop3A_463 = vector.shape_cast %parallel_loop3A_458 : vector<16xf32> to vector<1x16xf32>
      tpu.vector_store %arg11[%parallel_loop3A_459, %parallel_loop3A_460], %parallel_loop3A_463 {add = true, strides = array<i32>} : memref<16x1024xf32, #tpu.memory_space<vmem>>, vector<1x16xf32>,
      %parallel_loop3A_464 = arith.index_cast %parallel_loop3A_445 : i32 to index
      %parallel_loop3A_465 = arith.index_cast %parallel_loop3A_454 : i32 to index
      %parallel_loop3A_466 = tpu.vector_load %arg7[%parallel_loop3A_464, %parallel_loop3A_465] {strides = array<i32>} : memref<16x1024xf32, #tpu.memory_space<vmem>>, vector<1x16xf32>,
      %parallel_loop3A_467 = vector.shape_cast %parallel_loop3A_466 : vector<1x16xf32> to vector<16xf32>
      %parallel_loop3A_468 = arith.index_cast %parallel_loop3A_445 : i32 to index
      %parallel_loop3A_469 = arith.index_cast %parallel_loop3A_454 : i32 to index
      %parallel_loop3A_470 = tpu.vector_load %arg11[%parallel_loop3A_468, %parallel_loop3A_469] {strides = array<i32>} : memref<16x1024xf32, #tpu.memory_space<vmem>>, vector<1x16xf32>,
      %parallel_loop3A_471 = vector.shape_cast %parallel_loop3A_470 : vector<1x16xf32> to vector<16xf32>
      %parallel_loop3A_472 = vector.shape_cast %parallel_loop3A_467 : vector<16xf32> to vector<1x16xf32>
      tpu.vector_store %arg11[%parallel_loop3A_468, %parallel_loop3A_469], %parallel_loop3A_472 {add = true, strides = array<i32>} : memref<16x1024xf32, #tpu.memory_space<vmem>>, vector<1x16xf32>,
    } {sc.loop_unroll_factor = 4 : i64, sc.parallel_access}
    %add3A_84 = arith.constant 4096 : i32
    %add3A_85 = arith.addi %add3A_84, %mul3A_2 : i32
    %add3A_86 = arith.constant 0 : i32
    %add3A_87 = arith.addi %add3A_85, %add3A_86 : i32
    %dma_start3A_88 = arith.constant 0 : i32
    %dma_start3A_89 = tpu.memref_slice %arg5[%add3A_87, %dma_start3A_88] : memref<8192x1024xf32, #tpu.memory_space<hbm>> -> memref<16x1024xf32, #tpu.memory_space<hbm>>
    %dma_start3A_90 = arith.constant 0 : i32
    %dma_start3A_91 = tpu.memref_slice %arg5[%add3A_87, %dma_start3A_90] : memref<8192x1024xf32, #tpu.memory_space<hbm>> -> memref<16x1024xf32, #tpu.memory_space<hbm>>
    tpu.enqueue_dma source(%arg11 : memref<16x1024xf32, #tpu.memory_space<vmem>>) target(%dma_start3A_91 : memref<16x1024xf32, #tpu.memory_space<hbm>>) target_semaphore(%arg23 : memref<!tpu.dma_semaphore, #tpu.memory_space<semaphore_mem>>)
    %dma_wait3A_92 = arith.constant 0 : i32
    %dma_wait3A_93 = tpu.memref_slice %arg5[%add3A_45, %dma_wait3A_92] : memref<8192x1024xf32, #tpu.memory_space<hbm>> -> memref<16x1024xf32, #tpu.memory_space<hbm>>
    %dma_wait3A_94 = arith.constant 0 : i32
    %dma_wait3A_95 = tpu.memref_slice %arg5[%add3A_45, %dma_wait3A_94] : memref<8192x1024xf32, #tpu.memory_space<hbm>> -> memref<16x1024xf32, #tpu.memory_space<hbm>>
    tpu.wait_dma2 semaphore(%arg21 : memref<!tpu.dma_semaphore, #tpu.memory_space<semaphore_mem>>) src(%arg9 : memref<16x1024xf32, #tpu.memory_space<vmem>>) dst(%dma_wait3A_95 : memref<16x1024xf32, #tpu.memory_space<hbm>>)
    %dma_start3A_96 = arith.constant 80 : i32
    %dma_start3A_97 = tpu.memref_slice %arg6[%dma_start3A_96] : memref<256xi32, #tpu.memory_space<vmem>> -> memref<16xi32, #tpu.memory_space<vmem>>
    %dma_start3A_98 = arith.constant 0 : i32
    %dma_start3A_99 = arith.constant 0 : i32
    %dma_start3A_100 = tpu.memref_slice %arg4[%dma_start3A_98, %dma_start3A_99] : memref<100000x1024xf32, #tpu.memory_space<hbm>> -> memref<100000x1024xf32, #tpu.memory_space<hbm>>
    tpu.enqueue_indirect_dma source(%dma_start3A_100 : memref<100000x1024xf32, #tpu.memory_space<hbm>>) target(%arg9 : memref<16x1024xf32, #tpu.memory_space<vmem>>) offsets(%dma_start3A_97 : memref<16xi32, #tpu.memory_space<vmem>>) semaphore(%arg16 : memref<!tpu.dma_semaphore, #tpu.memory_space<semaphore_mem>>)
    %dma_wait3A_101 = arith.constant 192 : i32
    %dma_wait3A_102 = tpu.memref_slice %arg6[%dma_wait3A_101] : memref<256xi32, #tpu.memory_space<vmem>> -> memref<16xi32, #tpu.memory_space<vmem>>
    %dma_wait3A_103 = arith.constant 0 : i32
    %dma_wait3A_104 = arith.constant 0 : i32
    %dma_wait3A_105 = tpu.memref_slice %arg4[%dma_wait3A_103, %dma_wait3A_104] : memref<100000x1024xf32, #tpu.memory_space<hbm>> -> memref<100000x1024xf32, #tpu.memory_space<hbm>>
    tpu.wait_indirect_dma semaphore(%arg19 : memref<!tpu.dma_semaphore, #tpu.memory_space<semaphore_mem>>) src(%dma_wait3A_105 : memref<100000x1024xf32, #tpu.memory_space<hbm>>) dst(%arg12 : memref<16x1024xf32, #tpu.memory_space<vmem>>)
    %parallel_loop3A_106 = arith.constant 0 : i32
    %parallel_loop3A_107 = arith.constant 512 : i32
    %parallel_loop3A_108 = arith.constant 1 : i32
    scf.for %parallel_loop3A_443 = %parallel_loop3A_106 to %parallel_loop3A_107 step %parallel_loop3A_108  : i32 {
      %parallel_loop3A_444 = arith.constant 5 : i32
      %parallel_loop3A_445 = arith.shrui %parallel_loop3A_443, %parallel_loop3A_444 : i32
      %parallel_loop3A_446 = arith.constant 31 : i32
      %parallel_loop3A_447 = arith.andi %parallel_loop3A_443, %parallel_loop3A_446 : i32
      %parallel_loop3A_448 = arith.constant 2 : i32
      %parallel_loop3A_449 = arith.muli %parallel_loop3A_447, %parallel_loop3A_448 : i32
      %parallel_loop3A_450 = arith.constant 16 : i32
      %parallel_loop3A_451 = arith.muli %parallel_loop3A_449, %parallel_loop3A_450 : i32
      %parallel_loop3A_452 = tpu.assume_multiple %parallel_loop3A_451, 32 : i32
      %parallel_loop3A_453 = arith.constant 16 : i32
      %parallel_loop3A_454 = arith.addi %parallel_loop3A_452, %parallel_loop3A_453 : i32
      %parallel_loop3A_455 = arith.index_cast %parallel_loop3A_445 : i32 to index
      %parallel_loop3A_456 = arith.index_cast %parallel_loop3A_452 : i32 to index
      %parallel_loop3A_457 = tpu.vector_load %arg7[%parallel_loop3A_455, %parallel_loop3A_456] {strides = array<i32>} : memref<16x1024xf32, #tpu.memory_space<vmem>>, vector<1x16xf32>,
      %parallel_loop3A_458 = vector.shape_cast %parallel_loop3A_457 : vector<1x16xf32> to vector<16xf32>
      %parallel_loop3A_459 = arith.index_cast %parallel_loop3A_445 : i32 to index
      %parallel_loop3A_460 = arith.index_cast %parallel_loop3A_452 : i32 to index
      %parallel_loop3A_461 = tpu.vector_load %arg12[%parallel_loop3A_459, %parallel_loop3A_460] {strides = array<i32>} : memref<16x1024xf32, #tpu.memory_space<vmem>>, vector<1x16xf32>,
      %parallel_loop3A_462 = vector.shape_cast %parallel_loop3A_461 : vector<1x16xf32> to vector<16xf32>
      %parallel_loop3A_463 = vector.shape_cast %parallel_loop3A_458 : vector<16xf32> to vector<1x16xf32>
      tpu.vector_store %arg12[%parallel_loop3A_459, %parallel_loop3A_460], %parallel_loop3A_463 {add = true, strides = array<i32>} : memref<16x1024xf32, #tpu.memory_space<vmem>>, vector<1x16xf32>,
      %parallel_loop3A_464 = arith.index_cast %parallel_loop3A_445 : i32 to index
      %parallel_loop3A_465 = arith.index_cast %parallel_loop3A_454 : i32 to index
      %parallel_loop3A_466 = tpu.vector_load %arg7[%parallel_loop3A_464, %parallel_loop3A_465] {strides = array<i32>} : memref<16x1024xf32, #tpu.memory_space<vmem>>, vector<1x16xf32>,
      %parallel_loop3A_467 = vector.shape_cast %parallel_loop3A_466 : vector<1x16xf32> to vector<16xf32>
      %parallel_loop3A_468 = arith.index_cast %parallel_loop3A_445 : i32 to index
      %parallel_loop3A_469 = arith.index_cast %parallel_loop3A_454 : i32 to index
      %parallel_loop3A_470 = tpu.vector_load %arg12[%parallel_loop3A_468, %parallel_loop3A_469] {strides = array<i32>} : memref<16x1024xf32, #tpu.memory_space<vmem>>, vector<1x16xf32>,
      %parallel_loop3A_471 = vector.shape_cast %parallel_loop3A_470 : vector<1x16xf32> to vector<16xf32>
      %parallel_loop3A_472 = vector.shape_cast %parallel_loop3A_467 : vector<16xf32> to vector<1x16xf32>
      tpu.vector_store %arg12[%parallel_loop3A_468, %parallel_loop3A_469], %parallel_loop3A_472 {add = true, strides = array<i32>} : memref<16x1024xf32, #tpu.memory_space<vmem>>, vector<1x16xf32>,
    } {sc.loop_unroll_factor = 4 : i64, sc.parallel_access}
    %add3A_109 = arith.constant 6144 : i32
    %add3A_110 = arith.addi %add3A_109, %mul3A_2 : i32
    %add3A_111 = arith.constant 0 : i32
    %add3A_112 = arith.addi %add3A_110, %add3A_111 : i32
    %dma_start3A_113 = arith.constant 0 : i32
    %dma_start3A_114 = tpu.memref_slice %arg5[%add3A_112, %dma_start3A_113] : memref<8192x1024xf32, #tpu.memory_space<hbm>> -> memref<16x1024xf32, #tpu.memory_space<hbm>>
    %dma_start3A_115 = arith.constant 0 : i32
    %dma_start3A_116 = tpu.memref_slice %arg5[%add3A_112, %dma_start3A_115] : memref<8192x1024xf32, #tpu.memory_space<hbm>> -> memref<16x1024xf32, #tpu.memory_space<hbm>>
    tpu.enqueue_dma source(%arg12 : memref<16x1024xf32, #tpu.memory_space<vmem>>) target(%dma_start3A_116 : memref<16x1024xf32, #tpu.memory_space<hbm>>) target_semaphore(%arg24 : memref<!tpu.dma_semaphore, #tpu.memory_space<semaphore_mem>>)
    %dma_wait3A_117 = arith.constant 0 : i32
    %dma_wait3A_118 = tpu.memref_slice %arg5[%add3A_66, %dma_wait3A_117] : memref<8192x1024xf32, #tpu.memory_space<hbm>> -> memref<16x1024xf32, #tpu.memory_space<hbm>>
    %dma_wait3A_119 = arith.constant 0 : i32
    %dma_wait3A_120 = tpu.memref_slice %arg5[%add3A_66, %dma_wait3A_119] : memref<8192x1024xf32, #tpu.memory_space<hbm>> -> memref<16x1024xf32, #tpu.memory_space<hbm>>
    tpu.wait_dma2 semaphore(%arg22 : memref<!tpu.dma_semaphore, #tpu.memory_space<semaphore_mem>>) src(%arg10 : memref<16x1024xf32, #tpu.memory_space<vmem>>) dst(%dma_wait3A_120 : memref<16x1024xf32, #tpu.memory_space<hbm>>)
    %dma_start3A_121 = arith.constant 144 : i32
    %dma_start3A_122 = tpu.memref_slice %arg6[%dma_start3A_121] : memref<256xi32, #tpu.memory_space<vmem>> -> memref<16xi32, #tpu.memory_space<vmem>>
    %dma_start3A_123 = arith.constant 0 : i32
    %dma_start3A_124 = arith.constant 0 : i32
    %dma_start3A_125 = tpu.memref_slice %arg4[%dma_start3A_123, %dma_start3A_124] : memref<100000x1024xf32, #tpu.memory_space<hbm>> -> memref<100000x1024xf32, #tpu.memory_space<hbm>>
    tpu.enqueue_indirect_dma source(%dma_start3A_125 : memref<100000x1024xf32, #tpu.memory_space<hbm>>) target(%arg10 : memref<16x1024xf32, #tpu.memory_space<vmem>>) offsets(%dma_start3A_122 : memref<16xi32, #tpu.memory_space<vmem>>) semaphore(%arg17 : memref<!tpu.dma_semaphore, #tpu.memory_space<semaphore_mem>>)
    %add3A_126 = arith.constant 32 : i32
    %add3A_127 = arith.addi %mul3A_2, %add3A_126 : i32
    %dma_start3A_128 = arith.constant 0 : i32
    %dma_start3A_129 = tpu.memref_slice %arg3[%add3A_127, %dma_start3A_128] : memref<2048x1024xf32, #tpu.memory_space<hbm>> -> memref<16x1024xf32, #tpu.memory_space<hbm>>
    %dma_start3A_130 = arith.constant 0 : i32
    %dma_start3A_131 = tpu.memref_slice %arg3[%add3A_127, %dma_start3A_130] : memref<2048x1024xf32, #tpu.memory_space<hbm>> -> memref<16x1024xf32, #tpu.memory_space<hbm>>
    tpu.enqueue_dma source(%dma_start3A_131 : memref<16x1024xf32, #tpu.memory_space<hbm>>) target(%arg7 : memref<16x1024xf32, #tpu.memory_space<vmem>>) target_semaphore(%arg14 : memref<!tpu.dma_semaphore, #tpu.memory_space<semaphore_mem>>)
    %dma_wait3A_132 = arith.constant 0 : i32
    %dma_wait3A_133 = tpu.memref_slice %arg3[%add3A_27, %dma_wait3A_132] : memref<2048x1024xf32, #tpu.memory_space<hbm>> -> memref<16x1024xf32, #tpu.memory_space<hbm>>
    %dma_wait3A_134 = arith.constant 0 : i32
    %dma_wait3A_135 = tpu.memref_slice %arg3[%add3A_27, %dma_wait3A_134] : memref<2048x1024xf32, #tpu.memory_space<hbm>> -> memref<16x1024xf32, #tpu.memory_space<hbm>>
    tpu.wait_dma2 semaphore(%arg15 : memref<!tpu.dma_semaphore, #tpu.memory_space<semaphore_mem>>) src(%dma_wait3A_135 : memref<16x1024xf32, #tpu.memory_space<hbm>>) dst(%arg8 : memref<16x1024xf32, #tpu.memory_space<vmem>>)
    %dma_wait3A_136 = arith.constant 16 : i32
    %dma_wait3A_137 = tpu.memref_slice %arg6[%dma_wait3A_136] : memref<256xi32, #tpu.memory_space<vmem>> -> memref<16xi32, #tpu.memory_space<vmem>>
    %dma_wait3A_138 = arith.constant 0 : i32
    %dma_wait3A_139 = arith.constant 0 : i32
    %dma_wait3A_140 = tpu.memref_slice %arg4[%dma_wait3A_138, %dma_wait3A_139] : memref<100000x1024xf32, #tpu.memory_space<hbm>> -> memref<100000x1024xf32, #tpu.memory_space<hbm>>
    tpu.wait_indirect_dma semaphore(%arg20 : memref<!tpu.dma_semaphore, #tpu.memory_space<semaphore_mem>>) src(%dma_wait3A_140 : memref<100000x1024xf32, #tpu.memory_space<hbm>>) dst(%arg13 : memref<16x1024xf32, #tpu.memory_space<vmem>>)
    %parallel_loop3A_141 = arith.constant 0 : i32
    %parallel_loop3A_142 = arith.constant 512 : i32
    %parallel_loop3A_143 = arith.constant 1 : i32
    scf.for %parallel_loop3A_443 = %parallel_loop3A_141 to %parallel_loop3A_142 step %parallel_loop3A_143  : i32 {
      %parallel_loop3A_444 = arith.constant 5 : i32
      %parallel_loop3A_445 = arith.shrui %parallel_loop3A_443, %parallel_loop3A_444 : i32
      %parallel_loop3A_446 = arith.constant 31 : i32
      %parallel_loop3A_447 = arith.andi %parallel_loop3A_443, %parallel_loop3A_446 : i32
      %parallel_loop3A_448 = arith.constant 2 : i32
      %parallel_loop3A_449 = arith.muli %parallel_loop3A_447, %parallel_loop3A_448 : i32
      %parallel_loop3A_450 = arith.constant 16 : i32
      %parallel_loop3A_451 = arith.muli %parallel_loop3A_449, %parallel_loop3A_450 : i32
      %parallel_loop3A_452 = tpu.assume_multiple %parallel_loop3A_451, 32 : i32
      %parallel_loop3A_453 = arith.constant 16 : i32
      %parallel_loop3A_454 = arith.addi %parallel_loop3A_452, %parallel_loop3A_453 : i32
      %parallel_loop3A_455 = arith.index_cast %parallel_loop3A_445 : i32 to index
      %parallel_loop3A_456 = arith.index_cast %parallel_loop3A_452 : i32 to index
      %parallel_loop3A_457 = tpu.vector_load %arg8[%parallel_loop3A_455, %parallel_loop3A_456] {strides = array<i32>} : memref<16x1024xf32, #tpu.memory_space<vmem>>, vector<1x16xf32>,
      %parallel_loop3A_458 = vector.shape_cast %parallel_loop3A_457 : vector<1x16xf32> to vector<16xf32>
      %parallel_loop3A_459 = arith.index_cast %parallel_loop3A_445 : i32 to index
      %parallel_loop3A_460 = arith.index_cast %parallel_loop3A_452 : i32 to index
      %parallel_loop3A_461 = tpu.vector_load %arg13[%parallel_loop3A_459, %parallel_loop3A_460] {strides = array<i32>} : memref<16x1024xf32, #tpu.memory_space<vmem>>, vector<1x16xf32>,
      %parallel_loop3A_462 = vector.shape_cast %parallel_loop3A_461 : vector<1x16xf32> to vector<16xf32>
      %parallel_loop3A_463 = vector.shape_cast %parallel_loop3A_458 : vector<16xf32> to vector<1x16xf32>
      tpu.vector_store %arg13[%parallel_loop3A_459, %parallel_loop3A_460], %parallel_loop3A_463 {add = true, strides = array<i32>} : memref<16x1024xf32, #tpu.memory_space<vmem>>, vector<1x16xf32>,
      %parallel_loop3A_464 = arith.index_cast %parallel_loop3A_445 : i32 to index
      %parallel_loop3A_465 = arith.index_cast %parallel_loop3A_454 : i32 to index
      %parallel_loop3A_466 = tpu.vector_load %arg8[%parallel_loop3A_464, %parallel_loop3A_465] {strides = array<i32>} : memref<16x1024xf32, #tpu.memory_space<vmem>>, vector<1x16xf32>,
      %parallel_loop3A_467 = vector.shape_cast %parallel_loop3A_466 : vector<1x16xf32> to vector<16xf32>
      %parallel_loop3A_468 = arith.index_cast %parallel_loop3A_445 : i32 to index
      %parallel_loop3A_469 = arith.index_cast %parallel_loop3A_454 : i32 to index
      %parallel_loop3A_470 = tpu.vector_load %arg13[%parallel_loop3A_468, %parallel_loop3A_469] {strides = array<i32>} : memref<16x1024xf32, #tpu.memory_space<vmem>>, vector<1x16xf32>,
      %parallel_loop3A_471 = vector.shape_cast %parallel_loop3A_470 : vector<1x16xf32> to vector<16xf32>
      %parallel_loop3A_472 = vector.shape_cast %parallel_loop3A_467 : vector<16xf32> to vector<1x16xf32>
      tpu.vector_store %arg13[%parallel_loop3A_468, %parallel_loop3A_469], %parallel_loop3A_472 {add = true, strides = array<i32>} : memref<16x1024xf32, #tpu.memory_space<vmem>>, vector<1x16xf32>,
    } {sc.loop_unroll_factor = 4 : i64, sc.parallel_access}
    %add3A_144 = arith.constant 0 : i32
    %add3A_145 = arith.addi %add3A_144, %mul3A_2 : i32
    %add3A_146 = arith.constant 16 : i32
    %add3A_147 = arith.addi %add3A_145, %add3A_146 : i32
    %dma_start3A_148 = arith.constant 0 : i32
    %dma_start3A_149 = tpu.memref_slice %arg5[%add3A_147, %dma_start3A_148] : memref<8192x1024xf32, #tpu.memory_space<hbm>> -> memref<16x1024xf32, #tpu.memory_space<hbm>>
    %dma_start3A_150 = arith.constant 0 : i32
    %dma_start3A_151 = tpu.memref_slice %arg5[%add3A_147, %dma_start3A_150] : memref<8192x1024xf32, #tpu.memory_space<hbm>> -> memref<16x1024xf32, #tpu.memory_space<hbm>>
    tpu.enqueue_dma source(%arg13 : memref<16x1024xf32, #tpu.memory_space<vmem>>) target(%dma_start3A_151 : memref<16x1024xf32, #tpu.memory_space<hbm>>) target_semaphore(%arg25 : memref<!tpu.dma_semaphore, #tpu.memory_space<semaphore_mem>>)
    %dma_wait3A_152 = arith.constant 0 : i32
    %dma_wait3A_153 = tpu.memref_slice %arg5[%add3A_87, %dma_wait3A_152] : memref<8192x1024xf32, #tpu.memory_space<hbm>> -> memref<16x1024xf32, #tpu.memory_space<hbm>>
    %dma_wait3A_154 = arith.constant 0 : i32
    %dma_wait3A_155 = tpu.memref_slice %arg5[%add3A_87, %dma_wait3A_154] : memref<8192x1024xf32, #tpu.memory_space<hbm>> -> memref<16x1024xf32, #tpu.memory_space<hbm>>
    tpu.wait_dma2 semaphore(%arg23 : memref<!tpu.dma_semaphore, #tpu.memory_space<semaphore_mem>>) src(%arg11 : memref<16x1024xf32, #tpu.memory_space<vmem>>) dst(%dma_wait3A_155 : memref<16x1024xf32, #tpu.memory_space<hbm>>)
    %dma_start3A_156 = arith.constant 208 : i32
    %dma_start3A_157 = tpu.memref_slice %arg6[%dma_start3A_156] : memref<256xi32, #tpu.memory_space<vmem>> -> memref<16xi32, #tpu.memory_space<vmem>>
    %dma_start3A_158 = arith.constant 0 : i32
    %dma_start3A_159 = arith.constant 0 : i32
    %dma_start3A_160 = tpu.memref_slice %arg4[%dma_start3A_158, %dma_start3A_159] : memref<100000x1024xf32, #tpu.memory_space<hbm>> -> memref<100000x1024xf32, #tpu.memory_space<hbm>>
    tpu.enqueue_indirect_dma source(%dma_start3A_160 : memref<100000x1024xf32, #tpu.memory_space<hbm>>) target(%arg11 : memref<16x1024xf32, #tpu.memory_space<vmem>>) offsets(%dma_start3A_157 : memref<16xi32, #tpu.memory_space<vmem>>) semaphore(%arg18 : memref<!tpu.dma_semaphore, #tpu.memory_space<semaphore_mem>>)
    %dma_wait3A_161 = arith.constant 80 : i32
    %dma_wait3A_162 = tpu.memref_slice %arg6[%dma_wait3A_161] : memref<256xi32, #tpu.memory_space<vmem>> -> memref<16xi32, #tpu.memory_space<vmem>>
    %dma_wait3A_163 = arith.constant 0 : i32
    %dma_wait3A_164 = arith.constant 0 : i32
    %dma_wait3A_165 = tpu.memref_slice %arg4[%dma_wait3A_163, %dma_wait3A_164] : memref<100000x1024xf32, #tpu.memory_space<hbm>> -> memref<100000x1024xf32, #tpu.memory_space<hbm>>
    tpu.wait_indirect_dma semaphore(%arg16 : memref<!tpu.dma_semaphore, #tpu.memory_space<semaphore_mem>>) src(%dma_wait3A_165 : memref<100000x1024xf32, #tpu.memory_space<hbm>>) dst(%arg9 : memref<16x1024xf32, #tpu.memory_space<vmem>>)
    %parallel_loop3A_166 = arith.constant 0 : i32
    %parallel_loop3A_167 = arith.constant 512 : i32
    %parallel_loop3A_168 = arith.constant 1 : i32
    scf.for %parallel_loop3A_443 = %parallel_loop3A_166 to %parallel_loop3A_167 step %parallel_loop3A_168  : i32 {
      %parallel_loop3A_444 = arith.constant 5 : i32
      %parallel_loop3A_445 = arith.shrui %parallel_loop3A_443, %parallel_loop3A_444 : i32
      %parallel_loop3A_446 = arith.constant 31 : i32
      %parallel_loop3A_447 = arith.andi %parallel_loop3A_443, %parallel_loop3A_446 : i32
      %parallel_loop3A_448 = arith.constant 2 : i32
      %parallel_loop3A_449 = arith.muli %parallel_loop3A_447, %parallel_loop3A_448 : i32
      %parallel_loop3A_450 = arith.constant 16 : i32
      %parallel_loop3A_451 = arith.muli %parallel_loop3A_449, %parallel_loop3A_450 : i32
      %parallel_loop3A_452 = tpu.assume_multiple %parallel_loop3A_451, 32 : i32
      %parallel_loop3A_453 = arith.constant 16 : i32
      %parallel_loop3A_454 = arith.addi %parallel_loop3A_452, %parallel_loop3A_453 : i32
      %parallel_loop3A_455 = arith.index_cast %parallel_loop3A_445 : i32 to index
      %parallel_loop3A_456 = arith.index_cast %parallel_loop3A_452 : i32 to index
      %parallel_loop3A_457 = tpu.vector_load %arg8[%parallel_loop3A_455, %parallel_loop3A_456] {strides = array<i32>} : memref<16x1024xf32, #tpu.memory_space<vmem>>, vector<1x16xf32>,
      %parallel_loop3A_458 = vector.shape_cast %parallel_loop3A_457 : vector<1x16xf32> to vector<16xf32>
      %parallel_loop3A_459 = arith.index_cast %parallel_loop3A_445 : i32 to index
      %parallel_loop3A_460 = arith.index_cast %parallel_loop3A_452 : i32 to index
      %parallel_loop3A_461 = tpu.vector_load %arg9[%parallel_loop3A_459, %parallel_loop3A_460] {strides = array<i32>} : memref<16x1024xf32, #tpu.memory_space<vmem>>, vector<1x16xf32>,
      %parallel_loop3A_462 = vector.shape_cast %parallel_loop3A_461 : vector<1x16xf32> to vector<16xf32>
      %parallel_loop3A_463 = vector.shape_cast %parallel_loop3A_458 : vector<16xf32> to vector<1x16xf32>
      tpu.vector_store %arg9[%parallel_loop3A_459, %parallel_loop3A_460], %parallel_loop3A_463 {add = true, strides = array<i32>} : memref<16x1024xf32, #tpu.memory_space<vmem>>, vector<1x16xf32>,
      %parallel_loop3A_464 = arith.index_cast %parallel_loop3A_445 : i32 to index
      %parallel_loop3A_465 = arith.index_cast %parallel_loop3A_454 : i32 to index
      %parallel_loop3A_466 = tpu.vector_load %arg8[%parallel_loop3A_464, %parallel_loop3A_465] {strides = array<i32>} : memref<16x1024xf32, #tpu.memory_space<vmem>>, vector<1x16xf32>,
      %parallel_loop3A_467 = vector.shape_cast %parallel_loop3A_466 : vector<1x16xf32> to vector<16xf32>
      %parallel_loop3A_468 = arith.index_cast %parallel_loop3A_445 : i32 to index
      %parallel_loop3A_469 = arith.index_cast %parallel_loop3A_454 : i32 to index
      %parallel_loop3A_470 = tpu.vector_load %arg9[%parallel_loop3A_468, %parallel_loop3A_469] {strides = array<i32>} : memref<16x1024xf32, #tpu.memory_space<vmem>>, vector<1x16xf32>,
      %parallel_loop3A_471 = vector.shape_cast %parallel_loop3A_470 : vector<1x16xf32> to vector<16xf32>
      %parallel_loop3A_472 = vector.shape_cast %parallel_loop3A_467 : vector<16xf32> to vector<1x16xf32>
      tpu.vector_store %arg9[%parallel_loop3A_468, %parallel_loop3A_469], %parallel_loop3A_472 {add = true, strides = array<i32>} : memref<16x1024xf32, #tpu.memory_space<vmem>>, vector<1x16xf32>,
    } {sc.loop_unroll_factor = 4 : i64, sc.parallel_access}
    %add3A_169 = arith.constant 2048 : i32
    %add3A_170 = arith.addi %add3A_169, %mul3A_2 : i32
    %add3A_171 = arith.constant 16 : i32
    %add3A_172 = arith.addi %add3A_170, %add3A_171 : i32
    %dma_start3A_173 = arith.constant 0 : i32
    %dma_start3A_174 = tpu.memref_slice %arg5[%add3A_172, %dma_start3A_173] : memref<8192x1024xf32, #tpu.memory_space<hbm>> -> memref<16x1024xf32, #tpu.memory_space<hbm>>
    %dma_start3A_175 = arith.constant 0 : i32
    %dma_start3A_176 = tpu.memref_slice %arg5[%add3A_172, %dma_start3A_175] : memref<8192x1024xf32, #tpu.memory_space<hbm>> -> memref<16x1024xf32, #tpu.memory_space<hbm>>
    tpu.enqueue_dma source(%arg9 : memref<16x1024xf32, #tpu.memory_space<vmem>>) target(%dma_start3A_176 : memref<16x1024xf32, #tpu.memory_space<hbm>>) target_semaphore(%arg21 : memref<!tpu.dma_semaphore, #tpu.memory_space<semaphore_mem>>)
    %dma_wait3A_177 = arith.constant 0 : i32
    %dma_wait3A_178 = tpu.memref_slice %arg5[%add3A_112, %dma_wait3A_177] : memref<8192x1024xf32, #tpu.memory_space<hbm>> -> memref<16x1024xf32, #tpu.memory_space<hbm>>
    %dma_wait3A_179 = arith.constant 0 : i32
    %dma_wait3A_180 = tpu.memref_slice %arg5[%add3A_112, %dma_wait3A_179] : memref<8192x1024xf32, #tpu.memory_space<hbm>> -> memref<16x1024xf32, #tpu.memory_space<hbm>>
    tpu.wait_dma2 semaphore(%arg24 : memref<!tpu.dma_semaphore, #tpu.memory_space<semaphore_mem>>) src(%arg12 : memref<16x1024xf32, #tpu.memory_space<vmem>>) dst(%dma_wait3A_180 : memref<16x1024xf32, #tpu.memory_space<hbm>>)
    %dma_start3A_181 = arith.constant 32 : i32
    %dma_start3A_182 = tpu.memref_slice %arg6[%dma_start3A_181] : memref<256xi32, #tpu.memory_space<vmem>> -> memref<16xi32, #tpu.memory_space<vmem>>
    %dma_start3A_183 = arith.constant 0 : i32
    %dma_start3A_184 = arith.constant 0 : i32
    %dma_start3A_185 = tpu.memref_slice %arg4[%dma_start3A_183, %dma_start3A_184] : memref<100000x1024xf32, #tpu.memory_space<hbm>> -> memref<100000x1024xf32, #tpu.memory_space<hbm>>
    tpu.enqueue_indirect_dma source(%dma_start3A_185 : memref<100000x1024xf32, #tpu.memory_space<hbm>>) target(%arg12 : memref<16x1024xf32, #tpu.memory_space<vmem>>) offsets(%dma_start3A_182 : memref<16xi32, #tpu.memory_space<vmem>>) semaphore(%arg19 : memref<!tpu.dma_semaphore, #tpu.memory_space<semaphore_mem>>)
    %dma_wait3A_186 = arith.constant 144 : i32
    %dma_wait3A_187 = tpu.memref_slice %arg6[%dma_wait3A_186] : memref<256xi32, #tpu.memory_space<vmem>> -> memref<16xi32, #tpu.memory_space<vmem>>
    %dma_wait3A_188 = arith.constant 0 : i32
    %dma_wait3A_189 = arith.constant 0 : i32
    %dma_wait3A_190 = tpu.memref_slice %arg4[%dma_wait3A_188, %dma_wait3A_189] : memref<100000x1024xf32, #tpu.memory_space<hbm>> -> memref<100000x1024xf32, #tpu.memory_space<hbm>>
    tpu.wait_indirect_dma semaphore(%arg17 : memref<!tpu.dma_semaphore, #tpu.memory_space<semaphore_mem>>) src(%dma_wait3A_190 : memref<100000x1024xf32, #tpu.memory_space<hbm>>) dst(%arg10 : memref<16x1024xf32, #tpu.memory_space<vmem>>)
    %parallel_loop3A_191 = arith.constant 0 : i32
    %parallel_loop3A_192 = arith.constant 512 : i32
    %parallel_loop3A_193 = arith.constant 1 : i32
    scf.for %parallel_loop3A_443 = %parallel_loop3A_191 to %parallel_loop3A_192 step %parallel_loop3A_193  : i32 {
      %parallel_loop3A_444 = arith.constant 5 : i32
      %parallel_loop3A_445 = arith.shrui %parallel_loop3A_443, %parallel_loop3A_444 : i32
      %parallel_loop3A_446 = arith.constant 31 : i32
      %parallel_loop3A_447 = arith.andi %parallel_loop3A_443, %parallel_loop3A_446 : i32
      %parallel_loop3A_448 = arith.constant 2 : i32
      %parallel_loop3A_449 = arith.muli %parallel_loop3A_447, %parallel_loop3A_448 : i32
      %parallel_loop3A_450 = arith.constant 16 : i32
      %parallel_loop3A_451 = arith.muli %parallel_loop3A_449, %parallel_loop3A_450 : i32
      %parallel_loop3A_452 = tpu.assume_multiple %parallel_loop3A_451, 32 : i32
      %parallel_loop3A_453 = arith.constant 16 : i32
      %parallel_loop3A_454 = arith.addi %parallel_loop3A_452, %parallel_loop3A_453 : i32
      %parallel_loop3A_455 = arith.index_cast %parallel_loop3A_445 : i32 to index
      %parallel_loop3A_456 = arith.index_cast %parallel_loop3A_452 : i32 to index
      %parallel_loop3A_457 = tpu.vector_load %arg8[%parallel_loop3A_455, %parallel_loop3A_456] {strides = array<i32>} : memref<16x1024xf32, #tpu.memory_space<vmem>>, vector<1x16xf32>,
      %parallel_loop3A_458 = vector.shape_cast %parallel_loop3A_457 : vector<1x16xf32> to vector<16xf32>
      %parallel_loop3A_459 = arith.index_cast %parallel_loop3A_445 : i32 to index
      %parallel_loop3A_460 = arith.index_cast %parallel_loop3A_452 : i32 to index
      %parallel_loop3A_461 = tpu.vector_load %arg10[%parallel_loop3A_459, %parallel_loop3A_460] {strides = array<i32>} : memref<16x1024xf32, #tpu.memory_space<vmem>>, vector<1x16xf32>,
      %parallel_loop3A_462 = vector.shape_cast %parallel_loop3A_461 : vector<1x16xf32> to vector<16xf32>
      %parallel_loop3A_463 = vector.shape_cast %parallel_loop3A_458 : vector<16xf32> to vector<1x16xf32>
      tpu.vector_store %arg10[%parallel_loop3A_459, %parallel_loop3A_460], %parallel_loop3A_463 {add = true, strides = array<i32>} : memref<16x1024xf32, #tpu.memory_space<vmem>>, vector<1x16xf32>,
      %parallel_loop3A_464 = arith.index_cast %parallel_loop3A_445 : i32 to index
      %parallel_loop3A_465 = arith.index_cast %parallel_loop3A_454 : i32 to index
      %parallel_loop3A_466 = tpu.vector_load %arg8[%parallel_loop3A_464, %parallel_loop3A_465] {strides = array<i32>} : memref<16x1024xf32, #tpu.memory_space<vmem>>, vector<1x16xf32>,
      %parallel_loop3A_467 = vector.shape_cast %parallel_loop3A_466 : vector<1x16xf32> to vector<16xf32>
      %parallel_loop3A_468 = arith.index_cast %parallel_loop3A_445 : i32 to index
      %parallel_loop3A_469 = arith.index_cast %parallel_loop3A_454 : i32 to index
      %parallel_loop3A_470 = tpu.vector_load %arg10[%parallel_loop3A_468, %parallel_loop3A_469] {strides = array<i32>} : memref<16x1024xf32, #tpu.memory_space<vmem>>, vector<1x16xf32>,
      %parallel_loop3A_471 = vector.shape_cast %parallel_loop3A_470 : vector<1x16xf32> to vector<16xf32>
      %parallel_loop3A_472 = vector.shape_cast %parallel_loop3A_467 : vector<16xf32> to vector<1x16xf32>
      tpu.vector_store %arg10[%parallel_loop3A_468, %parallel_loop3A_469], %parallel_loop3A_472 {add = true, strides = array<i32>} : memref<16x1024xf32, #tpu.memory_space<vmem>>, vector<1x16xf32>,
    } {sc.loop_unroll_factor = 4 : i64, sc.parallel_access}
    %add3A_194 = arith.constant 4096 : i32
    %add3A_195 = arith.addi %add3A_194, %mul3A_2 : i32
    %add3A_196 = arith.constant 16 : i32
    %add3A_197 = arith.addi %add3A_195, %add3A_196 : i32
    %dma_start3A_198 = arith.constant 0 : i32
    %dma_start3A_199 = tpu.memref_slice %arg5[%add3A_197, %dma_start3A_198] : memref<8192x1024xf32, #tpu.memory_space<hbm>> -> memref<16x1024xf32, #tpu.memory_space<hbm>>
    %dma_start3A_200 = arith.constant 0 : i32
    %dma_start3A_201 = tpu.memref_slice %arg5[%add3A_197, %dma_start3A_200] : memref<8192x1024xf32, #tpu.memory_space<hbm>> -> memref<16x1024xf32, #tpu.memory_space<hbm>>
    tpu.enqueue_dma source(%arg10 : memref<16x1024xf32, #tpu.memory_space<vmem>>) target(%dma_start3A_201 : memref<16x1024xf32, #tpu.memory_space<hbm>>) target_semaphore(%arg22 : memref<!tpu.dma_semaphore, #tpu.memory_space<semaphore_mem>>)
    %dma_wait3A_202 = arith.constant 0 : i32
    %dma_wait3A_203 = tpu.memref_slice %arg5[%add3A_147, %dma_wait3A_202] : memref<8192x1024xf32, #tpu.memory_space<hbm>> -> memref<16x1024xf32, #tpu.memory_space<hbm>>
    %dma_wait3A_204 = arith.constant 0 : i32
    %dma_wait3A_205 = tpu.memref_slice %arg5[%add3A_147, %dma_wait3A_204] : memref<8192x1024xf32, #tpu.memory_space<hbm>> -> memref<16x1024xf32, #tpu.memory_space<hbm>>
    tpu.wait_dma2 semaphore(%arg25 : memref<!tpu.dma_semaphore, #tpu.memory_space<semaphore_mem>>) src(%arg13 : memref<16x1024xf32, #tpu.memory_space<vmem>>) dst(%dma_wait3A_205 : memref<16x1024xf32, #tpu.memory_space<hbm>>)
    %dma_start3A_206 = arith.constant 96 : i32
    %dma_start3A_207 = tpu.memref_slice %arg6[%dma_start3A_206] : memref<256xi32, #tpu.memory_space<vmem>> -> memref<16xi32, #tpu.memory_space<vmem>>
    %dma_start3A_208 = arith.constant 0 : i32
    %dma_start3A_209 = arith.constant 0 : i32
    %dma_start3A_210 = tpu.memref_slice %arg4[%dma_start3A_208, %dma_start3A_209] : memref<100000x1024xf32, #tpu.memory_space<hbm>> -> memref<100000x1024xf32, #tpu.memory_space<hbm>>
    tpu.enqueue_indirect_dma source(%dma_start3A_210 : memref<100000x1024xf32, #tpu.memory_space<hbm>>) target(%arg13 : memref<16x1024xf32, #tpu.memory_space<vmem>>) offsets(%dma_start3A_207 : memref<16xi32, #tpu.memory_space<vmem>>) semaphore(%arg20 : memref<!tpu.dma_semaphore, #tpu.memory_space<semaphore_mem>>)
    %dma_wait3A_211 = arith.constant 208 : i32
    %dma_wait3A_212 = tpu.memref_slice %arg6[%dma_wait3A_211] : memref<256xi32, #tpu.memory_space<vmem>> -> memref<16xi32, #tpu.memory_space<vmem>>
    %dma_wait3A_213 = arith.constant 0 : i32
    %dma_wait3A_214 = arith.constant 0 : i32
    %dma_wait3A_215 = tpu.memref_slice %arg4[%dma_wait3A_213, %dma_wait3A_214] : memref<100000x1024xf32, #tpu.memory_space<hbm>> -> memref<100000x1024xf32, #tpu.memory_space<hbm>>
    tpu.wait_indirect_dma semaphore(%arg18 : memref<!tpu.dma_semaphore, #tpu.memory_space<semaphore_mem>>) src(%dma_wait3A_215 : memref<100000x1024xf32, #tpu.memory_space<hbm>>) dst(%arg11 : memref<16x1024xf32, #tpu.memory_space<vmem>>)
    %parallel_loop3A_216 = arith.constant 0 : i32
    %parallel_loop3A_217 = arith.constant 512 : i32
    %parallel_loop3A_218 = arith.constant 1 : i32
    scf.for %parallel_loop3A_443 = %parallel_loop3A_216 to %parallel_loop3A_217 step %parallel_loop3A_218  : i32 {
      %parallel_loop3A_444 = arith.constant 5 : i32
      %parallel_loop3A_445 = arith.shrui %parallel_loop3A_443, %parallel_loop3A_444 : i32
      %parallel_loop3A_446 = arith.constant 31 : i32
      %parallel_loop3A_447 = arith.andi %parallel_loop3A_443, %parallel_loop3A_446 : i32
      %parallel_loop3A_448 = arith.constant 2 : i32
      %parallel_loop3A_449 = arith.muli %parallel_loop3A_447, %parallel_loop3A_448 : i32
      %parallel_loop3A_450 = arith.constant 16 : i32
      %parallel_loop3A_451 = arith.muli %parallel_loop3A_449, %parallel_loop3A_450 : i32
      %parallel_loop3A_452 = tpu.assume_multiple %parallel_loop3A_451, 32 : i32
      %parallel_loop3A_453 = arith.constant 16 : i32
      %parallel_loop3A_454 = arith.addi %parallel_loop3A_452, %parallel_loop3A_453 : i32
      %parallel_loop3A_455 = arith.index_cast %parallel_loop3A_445 : i32 to index
      %parallel_loop3A_456 = arith.index_cast %parallel_loop3A_452 : i32 to index
      %parallel_loop3A_457 = tpu.vector_load %arg8[%parallel_loop3A_455, %parallel_loop3A_456] {strides = array<i32>} : memref<16x1024xf32, #tpu.memory_space<vmem>>, vector<1x16xf32>,
      %parallel_loop3A_458 = vector.shape_cast %parallel_loop3A_457 : vector<1x16xf32> to vector<16xf32>
      %parallel_loop3A_459 = arith.index_cast %parallel_loop3A_445 : i32 to index
      %parallel_loop3A_460 = arith.index_cast %parallel_loop3A_452 : i32 to index
      %parallel_loop3A_461 = tpu.vector_load %arg11[%parallel_loop3A_459, %parallel_loop3A_460] {strides = array<i32>} : memref<16x1024xf32, #tpu.memory_space<vmem>>, vector<1x16xf32>,
      %parallel_loop3A_462 = vector.shape_cast %parallel_loop3A_461 : vector<1x16xf32> to vector<16xf32>
      %parallel_loop3A_463 = vector.shape_cast %parallel_loop3A_458 : vector<16xf32> to vector<1x16xf32>
      tpu.vector_store %arg11[%parallel_loop3A_459, %parallel_loop3A_460], %parallel_loop3A_463 {add = true, strides = array<i32>} : memref<16x1024xf32, #tpu.memory_space<vmem>>, vector<1x16xf32>,
      %parallel_loop3A_464 = arith.index_cast %parallel_loop3A_445 : i32 to index
      %parallel_loop3A_465 = arith.index_cast %parallel_loop3A_454 : i32 to index
      %parallel_loop3A_466 = tpu.vector_load %arg8[%parallel_loop3A_464, %parallel_loop3A_465] {strides = array<i32>} : memref<16x1024xf32, #tpu.memory_space<vmem>>, vector<1x16xf32>,
      %parallel_loop3A_467 = vector.shape_cast %parallel_loop3A_466 : vector<1x16xf32> to vector<16xf32>
      %parallel_loop3A_468 = arith.index_cast %parallel_loop3A_445 : i32 to index
      %parallel_loop3A_469 = arith.index_cast %parallel_loop3A_454 : i32 to index
      %parallel_loop3A_470 = tpu.vector_load %arg11[%parallel_loop3A_468, %parallel_loop3A_469] {strides = array<i32>} : memref<16x1024xf32, #tpu.memory_space<vmem>>, vector<1x16xf32>,
      %parallel_loop3A_471 = vector.shape_cast %parallel_loop3A_470 : vector<1x16xf32> to vector<16xf32>
      %parallel_loop3A_472 = vector.shape_cast %parallel_loop3A_467 : vector<16xf32> to vector<1x16xf32>
      tpu.vector_store %arg11[%parallel_loop3A_468, %parallel_loop3A_469], %parallel_loop3A_472 {add = true, strides = array<i32>} : memref<16x1024xf32, #tpu.memory_space<vmem>>, vector<1x16xf32>,
    } {sc.loop_unroll_factor = 4 : i64, sc.parallel_access}
    %add3A_219 = arith.constant 6144 : i32
    %add3A_220 = arith.addi %add3A_219, %mul3A_2 : i32
    %add3A_221 = arith.constant 16 : i32
    %add3A_222 = arith.addi %add3A_220, %add3A_221 : i32
    %dma_start3A_223 = arith.constant 0 : i32
    %dma_start3A_224 = tpu.memref_slice %arg5[%add3A_222, %dma_start3A_223] : memref<8192x1024xf32, #tpu.memory_space<hbm>> -> memref<16x1024xf32, #tpu.memory_space<hbm>>
    %dma_start3A_225 = arith.constant 0 : i32
    %dma_start3A_226 = tpu.memref_slice %arg5[%add3A_222, %dma_start3A_225] : memref<8192x1024xf32, #tpu.memory_space<hbm>> -> memref<16x1024xf32, #tpu.memory_space<hbm>>
    tpu.enqueue_dma source(%arg11 : memref<16x1024xf32, #tpu.memory_space<vmem>>) target(%dma_start3A_226 : memref<16x1024xf32, #tpu.memory_space<hbm>>) target_semaphore(%arg23 : memref<!tpu.dma_semaphore, #tpu.memory_space<semaphore_mem>>)
    %dma_wait3A_227 = arith.constant 0 : i32
    %dma_wait3A_228 = tpu.memref_slice %arg5[%add3A_172, %dma_wait3A_227] : memref<8192x1024xf32, #tpu.memory_space<hbm>> -> memref<16x1024xf32, #tpu.memory_space<hbm>>
    %dma_wait3A_229 = arith.constant 0 : i32
    %dma_wait3A_230 = tpu.memref_slice %arg5[%add3A_172, %dma_wait3A_229] : memref<8192x1024xf32, #tpu.memory_space<hbm>> -> memref<16x1024xf32, #tpu.memory_space<hbm>>
    tpu.wait_dma2 semaphore(%arg21 : memref<!tpu.dma_semaphore, #tpu.memory_space<semaphore_mem>>) src(%arg9 : memref<16x1024xf32, #tpu.memory_space<vmem>>) dst(%dma_wait3A_230 : memref<16x1024xf32, #tpu.memory_space<hbm>>)
    %dma_start3A_231 = arith.constant 160 : i32
    %dma_start3A_232 = tpu.memref_slice %arg6[%dma_start3A_231] : memref<256xi32, #tpu.memory_space<vmem>> -> memref<16xi32, #tpu.memory_space<vmem>>
    %dma_start3A_233 = arith.constant 0 : i32
    %dma_start3A_234 = arith.constant 0 : i32
    %dma_start3A_235 = tpu.memref_slice %arg4[%dma_start3A_233, %dma_start3A_234] : memref<100000x1024xf32, #tpu.memory_space<hbm>> -> memref<100000x1024xf32, #tpu.memory_space<hbm>>
    tpu.enqueue_indirect_dma source(%dma_start3A_235 : memref<100000x1024xf32, #tpu.memory_space<hbm>>) target(%arg9 : memref<16x1024xf32, #tpu.memory_space<vmem>>) offsets(%dma_start3A_232 : memref<16xi32, #tpu.memory_space<vmem>>) semaphore(%arg16 : memref<!tpu.dma_semaphore, #tpu.memory_space<semaphore_mem>>)
    %add3A_236 = arith.constant 48 : i32
    %add3A_237 = arith.addi %mul3A_2, %add3A_236 : i32
    %dma_start3A_238 = arith.constant 0 : i32
    %dma_start3A_239 = tpu.memref_slice %arg3[%add3A_237, %dma_start3A_238] : memref<2048x1024xf32, #tpu.memory_space<hbm>> -> memref<16x1024xf32, #tpu.memory_space<hbm>>
    %dma_start3A_240 = arith.constant 0 : i32
    %dma_start3A_241 = tpu.memref_slice %arg3[%add3A_237, %dma_start3A_240] : memref<2048x1024xf32, #tpu.memory_space<hbm>> -> memref<16x1024xf32, #tpu.memory_space<hbm>>
    tpu.enqueue_dma source(%dma_start3A_241 : memref<16x1024xf32, #tpu.memory_space<hbm>>) target(%arg8 : memref<16x1024xf32, #tpu.memory_space<vmem>>) target_semaphore(%arg15 : memref<!tpu.dma_semaphore, #tpu.memory_space<semaphore_mem>>)
    %dma_wait3A_242 = arith.constant 0 : i32
    %dma_wait3A_243 = tpu.memref_slice %arg3[%add3A_127, %dma_wait3A_242] : memref<2048x1024xf32, #tpu.memory_space<hbm>> -> memref<16x1024xf32, #tpu.memory_space<hbm>>
    %dma_wait3A_244 = arith.constant 0 : i32
    %dma_wait3A_245 = tpu.memref_slice %arg3[%add3A_127, %dma_wait3A_244] : memref<2048x1024xf32, #tpu.memory_space<hbm>> -> memref<16x1024xf32, #tpu.memory_space<hbm>>
    tpu.wait_dma2 semaphore(%arg14 : memref<!tpu.dma_semaphore, #tpu.memory_space<semaphore_mem>>) src(%dma_wait3A_245 : memref<16x1024xf32, #tpu.memory_space<hbm>>) dst(%arg7 : memref<16x1024xf32, #tpu.memory_space<vmem>>)
    %dma_wait3A_246 = arith.constant 32 : i32
    %dma_wait3A_247 = tpu.memref_slice %arg6[%dma_wait3A_246] : memref<256xi32, #tpu.memory_space<vmem>> -> memref<16xi32, #tpu.memory_space<vmem>>
    %dma_wait3A_248 = arith.constant 0 : i32
    %dma_wait3A_249 = arith.constant 0 : i32
    %dma_wait3A_250 = tpu.memref_slice %arg4[%dma_wait3A_248, %dma_wait3A_249] : memref<100000x1024xf32, #tpu.memory_space<hbm>> -> memref<100000x1024xf32, #tpu.memory_space<hbm>>
    tpu.wait_indirect_dma semaphore(%arg19 : memref<!tpu.dma_semaphore, #tpu.memory_space<semaphore_mem>>) src(%dma_wait3A_250 : memref<100000x1024xf32, #tpu.memory_space<hbm>>) dst(%arg12 : memref<16x1024xf32, #tpu.memory_space<vmem>>)
    %parallel_loop3A_251 = arith.constant 0 : i32
    %parallel_loop3A_252 = arith.constant 512 : i32
    %parallel_loop3A_253 = arith.constant 1 : i32
    scf.for %parallel_loop3A_443 = %parallel_loop3A_251 to %parallel_loop3A_252 step %parallel_loop3A_253  : i32 {
      %parallel_loop3A_444 = arith.constant 5 : i32
      %parallel_loop3A_445 = arith.shrui %parallel_loop3A_443, %parallel_loop3A_444 : i32
      %parallel_loop3A_446 = arith.constant 31 : i32
      %parallel_loop3A_447 = arith.andi %parallel_loop3A_443, %parallel_loop3A_446 : i32
      %parallel_loop3A_448 = arith.constant 2 : i32
      %parallel_loop3A_449 = arith.muli %parallel_loop3A_447, %parallel_loop3A_448 : i32
      %parallel_loop3A_450 = arith.constant 16 : i32
      %parallel_loop3A_451 = arith.muli %parallel_loop3A_449, %parallel_loop3A_450 : i32
      %parallel_loop3A_452 = tpu.assume_multiple %parallel_loop3A_451, 32 : i32
      %parallel_loop3A_453 = arith.constant 16 : i32
      %parallel_loop3A_454 = arith.addi %parallel_loop3A_452, %parallel_loop3A_453 : i32
      %parallel_loop3A_455 = arith.index_cast %parallel_loop3A_445 : i32 to index
      %parallel_loop3A_456 = arith.index_cast %parallel_loop3A_452 : i32 to index
      %parallel_loop3A_457 = tpu.vector_load %arg7[%parallel_loop3A_455, %parallel_loop3A_456] {strides = array<i32>} : memref<16x1024xf32, #tpu.memory_space<vmem>>, vector<1x16xf32>,
      %parallel_loop3A_458 = vector.shape_cast %parallel_loop3A_457 : vector<1x16xf32> to vector<16xf32>
      %parallel_loop3A_459 = arith.index_cast %parallel_loop3A_445 : i32 to index
      %parallel_loop3A_460 = arith.index_cast %parallel_loop3A_452 : i32 to index
      %parallel_loop3A_461 = tpu.vector_load %arg12[%parallel_loop3A_459, %parallel_loop3A_460] {strides = array<i32>} : memref<16x1024xf32, #tpu.memory_space<vmem>>, vector<1x16xf32>,
      %parallel_loop3A_462 = vector.shape_cast %parallel_loop3A_461 : vector<1x16xf32> to vector<16xf32>
      %parallel_loop3A_463 = vector.shape_cast %parallel_loop3A_458 : vector<16xf32> to vector<1x16xf32>
      tpu.vector_store %arg12[%parallel_loop3A_459, %parallel_loop3A_460], %parallel_loop3A_463 {add = true, strides = array<i32>} : memref<16x1024xf32, #tpu.memory_space<vmem>>, vector<1x16xf32>,
      %parallel_loop3A_464 = arith.index_cast %parallel_loop3A_445 : i32 to index
      %parallel_loop3A_465 = arith.index_cast %parallel_loop3A_454 : i32 to index
      %parallel_loop3A_466 = tpu.vector_load %arg7[%parallel_loop3A_464, %parallel_loop3A_465] {strides = array<i32>} : memref<16x1024xf32, #tpu.memory_space<vmem>>, vector<1x16xf32>,
      %parallel_loop3A_467 = vector.shape_cast %parallel_loop3A_466 : vector<1x16xf32> to vector<16xf32>
      %parallel_loop3A_468 = arith.index_cast %parallel_loop3A_445 : i32 to index
      %parallel_loop3A_469 = arith.index_cast %parallel_loop3A_454 : i32 to index
      %parallel_loop3A_470 = tpu.vector_load %arg12[%parallel_loop3A_468, %parallel_loop3A_469] {strides = array<i32>} : memref<16x1024xf32, #tpu.memory_space<vmem>>, vector<1x16xf32>,
      %parallel_loop3A_471 = vector.shape_cast %parallel_loop3A_470 : vector<1x16xf32> to vector<16xf32>
      %parallel_loop3A_472 = vector.shape_cast %parallel_loop3A_467 : vector<16xf32> to vector<1x16xf32>
      tpu.vector_store %arg12[%parallel_loop3A_468, %parallel_loop3A_469], %parallel_loop3A_472 {add = true, strides = array<i32>} : memref<16x1024xf32, #tpu.memory_space<vmem>>, vector<1x16xf32>,
    } {sc.loop_unroll_factor = 4 : i64, sc.parallel_access}
    %add3A_254 = arith.constant 0 : i32
    %add3A_255 = arith.addi %add3A_254, %mul3A_2 : i32
    %add3A_256 = arith.constant 32 : i32
    %add3A_257 = arith.addi %add3A_255, %add3A_256 : i32
    %dma_start3A_258 = arith.constant 0 : i32
    %dma_start3A_259 = tpu.memref_slice %arg5[%add3A_257, %dma_start3A_258] : memref<8192x1024xf32, #tpu.memory_space<hbm>> -> memref<16x1024xf32, #tpu.memory_space<hbm>>
    %dma_start3A_260 = arith.constant 0 : i32
    %dma_start3A_261 = tpu.memref_slice %arg5[%add3A_257, %dma_start3A_260] : memref<8192x1024xf32, #tpu.memory_space<hbm>> -> memref<16x1024xf32, #tpu.memory_space<hbm>>
    tpu.enqueue_dma source(%arg12 : memref<16x1024xf32, #tpu.memory_space<vmem>>) target(%dma_start3A_261 : memref<16x1024xf32, #tpu.memory_space<hbm>>) target_semaphore(%arg24 : memref<!tpu.dma_semaphore, #tpu.memory_space<semaphore_mem>>)
    %dma_wait3A_262 = arith.constant 0 : i32
    %dma_wait3A_263 = tpu.memref_slice %arg5[%add3A_197, %dma_wait3A_262] : memref<8192x1024xf32, #tpu.memory_space<hbm>> -> memref<16x1024xf32, #tpu.memory_space<hbm>>
    %dma_wait3A_264 = arith.constant 0 : i32
    %dma_wait3A_265 = tpu.memref_slice %arg5[%add3A_197, %dma_wait3A_264] : memref<8192x1024xf32, #tpu.memory_space<hbm>> -> memref<16x1024xf32, #tpu.memory_space<hbm>>
    tpu.wait_dma2 semaphore(%arg22 : memref<!tpu.dma_semaphore, #tpu.memory_space<semaphore_mem>>) src(%arg10 : memref<16x1024xf32, #tpu.memory_space<vmem>>) dst(%dma_wait3A_265 : memref<16x1024xf32, #tpu.memory_space<hbm>>)
    %dma_start3A_266 = arith.constant 224 : i32
    %dma_start3A_267 = tpu.memref_slice %arg6[%dma_start3A_266] : memref<256xi32, #tpu.memory_space<vmem>> -> memref<16xi32, #tpu.memory_space<vmem>>
    %dma_start3A_268 = arith.constant 0 : i32
    %dma_start3A_269 = arith.constant 0 : i32
    %dma_start3A_270 = tpu.memref_slice %arg4[%dma_start3A_268, %dma_start3A_269] : memref<100000x1024xf32, #tpu.memory_space<hbm>> -> memref<100000x1024xf32, #tpu.memory_space<hbm>>
    tpu.enqueue_indirect_dma source(%dma_start3A_270 : memref<100000x1024xf32, #tpu.memory_space<hbm>>) target(%arg10 : memref<16x1024xf32, #tpu.memory_space<vmem>>) offsets(%dma_start3A_267 : memref<16xi32, #tpu.memory_space<vmem>>) semaphore(%arg17 : memref<!tpu.dma_semaphore, #tpu.memory_space<semaphore_mem>>)
    %dma_wait3A_271 = arith.constant 96 : i32
    %dma_wait3A_272 = tpu.memref_slice %arg6[%dma_wait3A_271] : memref<256xi32, #tpu.memory_space<vmem>> -> memref<16xi32, #tpu.memory_space<vmem>>
    %dma_wait3A_273 = arith.constant 0 : i32
    %dma_wait3A_274 = arith.constant 0 : i32
    %dma_wait3A_275 = tpu.memref_slice %arg4[%dma_wait3A_273, %dma_wait3A_274] : memref<100000x1024xf32, #tpu.memory_space<hbm>> -> memref<100000x1024xf32, #tpu.memory_space<hbm>>
    tpu.wait_indirect_dma semaphore(%arg20 : memref<!tpu.dma_semaphore, #tpu.memory_space<semaphore_mem>>) src(%dma_wait3A_275 : memref<100000x1024xf32, #tpu.memory_space<hbm>>) dst(%arg13 : memref<16x1024xf32, #tpu.memory_space<vmem>>)
    %parallel_loop3A_276 = arith.constant 0 : i32
    %parallel_loop3A_277 = arith.constant 512 : i32
    %parallel_loop3A_278 = arith.constant 1 : i32
    scf.for %parallel_loop3A_443 = %parallel_loop3A_276 to %parallel_loop3A_277 step %parallel_loop3A_278  : i32 {
      %parallel_loop3A_444 = arith.constant 5 : i32
      %parallel_loop3A_445 = arith.shrui %parallel_loop3A_443, %parallel_loop3A_444 : i32
      %parallel_loop3A_446 = arith.constant 31 : i32
      %parallel_loop3A_447 = arith.andi %parallel_loop3A_443, %parallel_loop3A_446 : i32
      %parallel_loop3A_448 = arith.constant 2 : i32
      %parallel_loop3A_449 = arith.muli %parallel_loop3A_447, %parallel_loop3A_448 : i32
      %parallel_loop3A_450 = arith.constant 16 : i32
      %parallel_loop3A_451 = arith.muli %parallel_loop3A_449, %parallel_loop3A_450 : i32
      %parallel_loop3A_452 = tpu.assume_multiple %parallel_loop3A_451, 32 : i32
      %parallel_loop3A_453 = arith.constant 16 : i32
      %parallel_loop3A_454 = arith.addi %parallel_loop3A_452, %parallel_loop3A_453 : i32
      %parallel_loop3A_455 = arith.index_cast %parallel_loop3A_445 : i32 to index
      %parallel_loop3A_456 = arith.index_cast %parallel_loop3A_452 : i32 to index
      %parallel_loop3A_457 = tpu.vector_load %arg7[%parallel_loop3A_455, %parallel_loop3A_456] {strides = array<i32>} : memref<16x1024xf32, #tpu.memory_space<vmem>>, vector<1x16xf32>,
      %parallel_loop3A_458 = vector.shape_cast %parallel_loop3A_457 : vector<1x16xf32> to vector<16xf32>
      %parallel_loop3A_459 = arith.index_cast %parallel_loop3A_445 : i32 to index
      %parallel_loop3A_460 = arith.index_cast %parallel_loop3A_452 : i32 to index
      %parallel_loop3A_461 = tpu.vector_load %arg13[%parallel_loop3A_459, %parallel_loop3A_460] {strides = array<i32>} : memref<16x1024xf32, #tpu.memory_space<vmem>>, vector<1x16xf32>,
      %parallel_loop3A_462 = vector.shape_cast %parallel_loop3A_461 : vector<1x16xf32> to vector<16xf32>
      %parallel_loop3A_463 = vector.shape_cast %parallel_loop3A_458 : vector<16xf32> to vector<1x16xf32>
      tpu.vector_store %arg13[%parallel_loop3A_459, %parallel_loop3A_460], %parallel_loop3A_463 {add = true, strides = array<i32>} : memref<16x1024xf32, #tpu.memory_space<vmem>>, vector<1x16xf32>,
      %parallel_loop3A_464 = arith.index_cast %parallel_loop3A_445 : i32 to index
      %parallel_loop3A_465 = arith.index_cast %parallel_loop3A_454 : i32 to index
      %parallel_loop3A_466 = tpu.vector_load %arg7[%parallel_loop3A_464, %parallel_loop3A_465] {strides = array<i32>} : memref<16x1024xf32, #tpu.memory_space<vmem>>, vector<1x16xf32>,
      %parallel_loop3A_467 = vector.shape_cast %parallel_loop3A_466 : vector<1x16xf32> to vector<16xf32>
      %parallel_loop3A_468 = arith.index_cast %parallel_loop3A_445 : i32 to index
      %parallel_loop3A_469 = arith.index_cast %parallel_loop3A_454 : i32 to index
      %parallel_loop3A_470 = tpu.vector_load %arg13[%parallel_loop3A_468, %parallel_loop3A_469] {strides = array<i32>} : memref<16x1024xf32, #tpu.memory_space<vmem>>, vector<1x16xf32>,
      %parallel_loop3A_471 = vector.shape_cast %parallel_loop3A_470 : vector<1x16xf32> to vector<16xf32>
      %parallel_loop3A_472 = vector.shape_cast %parallel_loop3A_467 : vector<16xf32> to vector<1x16xf32>
      tpu.vector_store %arg13[%parallel_loop3A_468, %parallel_loop3A_469], %parallel_loop3A_472 {add = true, strides = array<i32>} : memref<16x1024xf32, #tpu.memory_space<vmem>>, vector<1x16xf32>,
    } {sc.loop_unroll_factor = 4 : i64, sc.parallel_access}
    %add3A_279 = arith.constant 2048 : i32
    %add3A_280 = arith.addi %add3A_279, %mul3A_2 : i32
    %add3A_281 = arith.constant 32 : i32
    %add3A_282 = arith.addi %add3A_280, %add3A_281 : i32
    %dma_start3A_283 = arith.constant 0 : i32
    %dma_start3A_284 = tpu.memref_slice %arg5[%add3A_282, %dma_start3A_283] : memref<8192x1024xf32, #tpu.memory_space<hbm>> -> memref<16x1024xf32, #tpu.memory_space<hbm>>
    %dma_start3A_285 = arith.constant 0 : i32
    %dma_start3A_286 = tpu.memref_slice %arg5[%add3A_282, %dma_start3A_285] : memref<8192x1024xf32, #tpu.memory_space<hbm>> -> memref<16x1024xf32, #tpu.memory_space<hbm>>
    tpu.enqueue_dma source(%arg13 : memref<16x1024xf32, #tpu.memory_space<vmem>>) target(%dma_start3A_286 : memref<16x1024xf32, #tpu.memory_space<hbm>>) target_semaphore(%arg25 : memref<!tpu.dma_semaphore, #tpu.memory_space<semaphore_mem>>)
    %dma_wait3A_287 = arith.constant 0 : i32
    %dma_wait3A_288 = tpu.memref_slice %arg5[%add3A_222, %dma_wait3A_287] : memref<8192x1024xf32, #tpu.memory_space<hbm>> -> memref<16x1024xf32, #tpu.memory_space<hbm>>
    %dma_wait3A_289 = arith.constant 0 : i32
    %dma_wait3A_290 = tpu.memref_slice %arg5[%add3A_222, %dma_wait3A_289] : memref<8192x1024xf32, #tpu.memory_space<hbm>> -> memref<16x1024xf32, #tpu.memory_space<hbm>>
    tpu.wait_dma2 semaphore(%arg23 : memref<!tpu.dma_semaphore, #tpu.memory_space<semaphore_mem>>) src(%arg11 : memref<16x1024xf32, #tpu.memory_space<vmem>>) dst(%dma_wait3A_290 : memref<16x1024xf32, #tpu.memory_space<hbm>>)
    %dma_start3A_291 = arith.constant 48 : i32
    %dma_start3A_292 = tpu.memref_slice %arg6[%dma_start3A_291] : memref<256xi32, #tpu.memory_space<vmem>> -> memref<16xi32, #tpu.memory_space<vmem>>
    %dma_start3A_293 = arith.constant 0 : i32
    %dma_start3A_294 = arith.constant 0 : i32
    %dma_start3A_295 = tpu.memref_slice %arg4[%dma_start3A_293, %dma_start3A_294] : memref<100000x1024xf32, #tpu.memory_space<hbm>> -> memref<100000x1024xf32, #tpu.memory_space<hbm>>
    tpu.enqueue_indirect_dma source(%dma_start3A_295 : memref<100000x1024xf32, #tpu.memory_space<hbm>>) target(%arg11 : memref<16x1024xf32, #tpu.memory_space<vmem>>) offsets(%dma_start3A_292 : memref<16xi32, #tpu.memory_space<vmem>>) semaphore(%arg18 : memref<!tpu.dma_semaphore, #tpu.memory_space<semaphore_mem>>)
    %dma_wait3A_296 = arith.constant 160 : i32
    %dma_wait3A_297 = tpu.memref_slice %arg6[%dma_wait3A_296] : memref<256xi32, #tpu.memory_space<vmem>> -> memref<16xi32, #tpu.memory_space<vmem>>
    %dma_wait3A_298 = arith.constant 0 : i32
    %dma_wait3A_299 = arith.constant 0 : i32
    %dma_wait3A_300 = tpu.memref_slice %arg4[%dma_wait3A_298, %dma_wait3A_299] : memref<100000x1024xf32, #tpu.memory_space<hbm>> -> memref<100000x1024xf32, #tpu.memory_space<hbm>>
    tpu.wait_indirect_dma semaphore(%arg16 : memref<!tpu.dma_semaphore, #tpu.memory_space<semaphore_mem>>) src(%dma_wait3A_300 : memref<100000x1024xf32, #tpu.memory_space<hbm>>) dst(%arg9 : memref<16x1024xf32, #tpu.memory_space<vmem>>)
    %parallel_loop3A_301 = arith.constant 0 : i32
    %parallel_loop3A_302 = arith.constant 512 : i32
    %parallel_loop3A_303 = arith.constant 1 : i32
    scf.for %parallel_loop3A_443 = %parallel_loop3A_301 to %parallel_loop3A_302 step %parallel_loop3A_303  : i32 {
      %parallel_loop3A_444 = arith.constant 5 : i32
      %parallel_loop3A_445 = arith.shrui %parallel_loop3A_443, %parallel_loop3A_444 : i32
      %parallel_loop3A_446 = arith.constant 31 : i32
      %parallel_loop3A_447 = arith.andi %parallel_loop3A_443, %parallel_loop3A_446 : i32
      %parallel_loop3A_448 = arith.constant 2 : i32
      %parallel_loop3A_449 = arith.muli %parallel_loop3A_447, %parallel_loop3A_448 : i32
      %parallel_loop3A_450 = arith.constant 16 : i32
      %parallel_loop3A_451 = arith.muli %parallel_loop3A_449, %parallel_loop3A_450 : i32
      %parallel_loop3A_452 = tpu.assume_multiple %parallel_loop3A_451, 32 : i32
      %parallel_loop3A_453 = arith.constant 16 : i32
      %parallel_loop3A_454 = arith.addi %parallel_loop3A_452, %parallel_loop3A_453 : i32
      %parallel_loop3A_455 = arith.index_cast %parallel_loop3A_445 : i32 to index
      %parallel_loop3A_456 = arith.index_cast %parallel_loop3A_452 : i32 to index
      %parallel_loop3A_457 = tpu.vector_load %arg7[%parallel_loop3A_455, %parallel_loop3A_456] {strides = array<i32>} : memref<16x1024xf32, #tpu.memory_space<vmem>>, vector<1x16xf32>,
      %parallel_loop3A_458 = vector.shape_cast %parallel_loop3A_457 : vector<1x16xf32> to vector<16xf32>
      %parallel_loop3A_459 = arith.index_cast %parallel_loop3A_445 : i32 to index
      %parallel_loop3A_460 = arith.index_cast %parallel_loop3A_452 : i32 to index
      %parallel_loop3A_461 = tpu.vector_load %arg9[%parallel_loop3A_459, %parallel_loop3A_460] {strides = array<i32>} : memref<16x1024xf32, #tpu.memory_space<vmem>>, vector<1x16xf32>,
      %parallel_loop3A_462 = vector.shape_cast %parallel_loop3A_461 : vector<1x16xf32> to vector<16xf32>
      %parallel_loop3A_463 = vector.shape_cast %parallel_loop3A_458 : vector<16xf32> to vector<1x16xf32>
      tpu.vector_store %arg9[%parallel_loop3A_459, %parallel_loop3A_460], %parallel_loop3A_463 {add = true, strides = array<i32>} : memref<16x1024xf32, #tpu.memory_space<vmem>>, vector<1x16xf32>,
      %parallel_loop3A_464 = arith.index_cast %parallel_loop3A_445 : i32 to index
      %parallel_loop3A_465 = arith.index_cast %parallel_loop3A_454 : i32 to index
      %parallel_loop3A_466 = tpu.vector_load %arg7[%parallel_loop3A_464, %parallel_loop3A_465] {strides = array<i32>} : memref<16x1024xf32, #tpu.memory_space<vmem>>, vector<1x16xf32>,
      %parallel_loop3A_467 = vector.shape_cast %parallel_loop3A_466 : vector<1x16xf32> to vector<16xf32>
      %parallel_loop3A_468 = arith.index_cast %parallel_loop3A_445 : i32 to index
      %parallel_loop3A_469 = arith.index_cast %parallel_loop3A_454 : i32 to index
      %parallel_loop3A_470 = tpu.vector_load %arg9[%parallel_loop3A_468, %parallel_loop3A_469] {strides = array<i32>} : memref<16x1024xf32, #tpu.memory_space<vmem>>, vector<1x16xf32>,
      %parallel_loop3A_471 = vector.shape_cast %parallel_loop3A_470 : vector<1x16xf32> to vector<16xf32>
      %parallel_loop3A_472 = vector.shape_cast %parallel_loop3A_467 : vector<16xf32> to vector<1x16xf32>
      tpu.vector_store %arg9[%parallel_loop3A_468, %parallel_loop3A_469], %parallel_loop3A_472 {add = true, strides = array<i32>} : memref<16x1024xf32, #tpu.memory_space<vmem>>, vector<1x16xf32>,
    } {sc.loop_unroll_factor = 4 : i64, sc.parallel_access}
    %add3A_304 = arith.constant 4096 : i32
    %add3A_305 = arith.addi %add3A_304, %mul3A_2 : i32
    %add3A_306 = arith.constant 32 : i32
    %add3A_307 = arith.addi %add3A_305, %add3A_306 : i32
    %dma_start3A_308 = arith.constant 0 : i32
    %dma_start3A_309 = tpu.memref_slice %arg5[%add3A_307, %dma_start3A_308] : memref<8192x1024xf32, #tpu.memory_space<hbm>> -> memref<16x1024xf32, #tpu.memory_space<hbm>>
    %dma_start3A_310 = arith.constant 0 : i32
    %dma_start3A_311 = tpu.memref_slice %arg5[%add3A_307, %dma_start3A_310] : memref<8192x1024xf32, #tpu.memory_space<hbm>> -> memref<16x1024xf32, #tpu.memory_space<hbm>>
    tpu.enqueue_dma source(%arg9 : memref<16x1024xf32, #tpu.memory_space<vmem>>) target(%dma_start3A_311 : memref<16x1024xf32, #tpu.memory_space<hbm>>) target_semaphore(%arg21 : memref<!tpu.dma_semaphore, #tpu.memory_space<semaphore_mem>>)
    %dma_wait3A_312 = arith.constant 0 : i32
    %dma_wait3A_313 = tpu.memref_slice %arg5[%add3A_257, %dma_wait3A_312] : memref<8192x1024xf32, #tpu.memory_space<hbm>> -> memref<16x1024xf32, #tpu.memory_space<hbm>>
    %dma_wait3A_314 = arith.constant 0 : i32
    %dma_wait3A_315 = tpu.memref_slice %arg5[%add3A_257, %dma_wait3A_314] : memref<8192x1024xf32, #tpu.memory_space<hbm>> -> memref<16x1024xf32, #tpu.memory_space<hbm>>
    tpu.wait_dma2 semaphore(%arg24 : memref<!tpu.dma_semaphore, #tpu.memory_space<semaphore_mem>>) src(%arg12 : memref<16x1024xf32, #tpu.memory_space<vmem>>) dst(%dma_wait3A_315 : memref<16x1024xf32, #tpu.memory_space<hbm>>)
    %dma_start3A_316 = arith.constant 112 : i32
    %dma_start3A_317 = tpu.memref_slice %arg6[%dma_start3A_316] : memref<256xi32, #tpu.memory_space<vmem>> -> memref<16xi32, #tpu.memory_space<vmem>>
    %dma_start3A_318 = arith.constant 0 : i32
    %dma_start3A_319 = arith.constant 0 : i32
    %dma_start3A_320 = tpu.memref_slice %arg4[%dma_start3A_318, %dma_start3A_319] : memref<100000x1024xf32, #tpu.memory_space<hbm>> -> memref<100000x1024xf32, #tpu.memory_space<hbm>>
    tpu.enqueue_indirect_dma source(%dma_start3A_320 : memref<100000x1024xf32, #tpu.memory_space<hbm>>) target(%arg12 : memref<16x1024xf32, #tpu.memory_space<vmem>>) offsets(%dma_start3A_317 : memref<16xi32, #tpu.memory_space<vmem>>) semaphore(%arg19 : memref<!tpu.dma_semaphore, #tpu.memory_space<semaphore_mem>>)
    %dma_wait3A_321 = arith.constant 224 : i32
    %dma_wait3A_322 = tpu.memref_slice %arg6[%dma_wait3A_321] : memref<256xi32, #tpu.memory_space<vmem>> -> memref<16xi32, #tpu.memory_space<vmem>>
    %dma_wait3A_323 = arith.constant 0 : i32
    %dma_wait3A_324 = arith.constant 0 : i32
    %dma_wait3A_325 = tpu.memref_slice %arg4[%dma_wait3A_323, %dma_wait3A_324] : memref<100000x1024xf32, #tpu.memory_space<hbm>> -> memref<100000x1024xf32, #tpu.memory_space<hbm>>
    tpu.wait_indirect_dma semaphore(%arg17 : memref<!tpu.dma_semaphore, #tpu.memory_space<semaphore_mem>>) src(%dma_wait3A_325 : memref<100000x1024xf32, #tpu.memory_space<hbm>>) dst(%arg10 : memref<16x1024xf32, #tpu.memory_space<vmem>>)
    %parallel_loop3A_326 = arith.constant 0 : i32
    %parallel_loop3A_327 = arith.constant 512 : i32
    %parallel_loop3A_328 = arith.constant 1 : i32
    scf.for %parallel_loop3A_443 = %parallel_loop3A_326 to %parallel_loop3A_327 step %parallel_loop3A_328  : i32 {
      %parallel_loop3A_444 = arith.constant 5 : i32
      %parallel_loop3A_445 = arith.shrui %parallel_loop3A_443, %parallel_loop3A_444 : i32
      %parallel_loop3A_446 = arith.constant 31 : i32
      %parallel_loop3A_447 = arith.andi %parallel_loop3A_443, %parallel_loop3A_446 : i32
      %parallel_loop3A_448 = arith.constant 2 : i32
      %parallel_loop3A_449 = arith.muli %parallel_loop3A_447, %parallel_loop3A_448 : i32
      %parallel_loop3A_450 = arith.constant 16 : i32
      %parallel_loop3A_451 = arith.muli %parallel_loop3A_449, %parallel_loop3A_450 : i32
      %parallel_loop3A_452 = tpu.assume_multiple %parallel_loop3A_451, 32 : i32
      %parallel_loop3A_453 = arith.constant 16 : i32
      %parallel_loop3A_454 = arith.addi %parallel_loop3A_452, %parallel_loop3A_453 : i32
      %parallel_loop3A_455 = arith.index_cast %parallel_loop3A_445 : i32 to index
      %parallel_loop3A_456 = arith.index_cast %parallel_loop3A_452 : i32 to index
      %parallel_loop3A_457 = tpu.vector_load %arg7[%parallel_loop3A_455, %parallel_loop3A_456] {strides = array<i32>} : memref<16x1024xf32, #tpu.memory_space<vmem>>, vector<1x16xf32>,
      %parallel_loop3A_458 = vector.shape_cast %parallel_loop3A_457 : vector<1x16xf32> to vector<16xf32>
      %parallel_loop3A_459 = arith.index_cast %parallel_loop3A_445 : i32 to index
      %parallel_loop3A_460 = arith.index_cast %parallel_loop3A_452 : i32 to index
      %parallel_loop3A_461 = tpu.vector_load %arg10[%parallel_loop3A_459, %parallel_loop3A_460] {strides = array<i32>} : memref<16x1024xf32, #tpu.memory_space<vmem>>, vector<1x16xf32>,
      %parallel_loop3A_462 = vector.shape_cast %parallel_loop3A_461 : vector<1x16xf32> to vector<16xf32>
      %parallel_loop3A_463 = vector.shape_cast %parallel_loop3A_458 : vector<16xf32> to vector<1x16xf32>
      tpu.vector_store %arg10[%parallel_loop3A_459, %parallel_loop3A_460], %parallel_loop3A_463 {add = true, strides = array<i32>} : memref<16x1024xf32, #tpu.memory_space<vmem>>, vector<1x16xf32>,
      %parallel_loop3A_464 = arith.index_cast %parallel_loop3A_445 : i32 to index
      %parallel_loop3A_465 = arith.index_cast %parallel_loop3A_454 : i32 to index
      %parallel_loop3A_466 = tpu.vector_load %arg7[%parallel_loop3A_464, %parallel_loop3A_465] {strides = array<i32>} : memref<16x1024xf32, #tpu.memory_space<vmem>>, vector<1x16xf32>,
      %parallel_loop3A_467 = vector.shape_cast %parallel_loop3A_466 : vector<1x16xf32> to vector<16xf32>
      %parallel_loop3A_468 = arith.index_cast %parallel_loop3A_445 : i32 to index
      %parallel_loop3A_469 = arith.index_cast %parallel_loop3A_454 : i32 to index
      %parallel_loop3A_470 = tpu.vector_load %arg10[%parallel_loop3A_468, %parallel_loop3A_469] {strides = array<i32>} : memref<16x1024xf32, #tpu.memory_space<vmem>>, vector<1x16xf32>,
      %parallel_loop3A_471 = vector.shape_cast %parallel_loop3A_470 : vector<1x16xf32> to vector<16xf32>
      %parallel_loop3A_472 = vector.shape_cast %parallel_loop3A_467 : vector<16xf32> to vector<1x16xf32>
      tpu.vector_store %arg10[%parallel_loop3A_468, %parallel_loop3A_469], %parallel_loop3A_472 {add = true, strides = array<i32>} : memref<16x1024xf32, #tpu.memory_space<vmem>>, vector<1x16xf32>,
    } {sc.loop_unroll_factor = 4 : i64, sc.parallel_access}
    %add3A_329 = arith.constant 6144 : i32
    %add3A_330 = arith.addi %add3A_329, %mul3A_2 : i32
    %add3A_331 = arith.constant 32 : i32
    %add3A_332 = arith.addi %add3A_330, %add3A_331 : i32
    %dma_start3A_333 = arith.constant 0 : i32
    %dma_start3A_334 = tpu.memref_slice %arg5[%add3A_332, %dma_start3A_333] : memref<8192x1024xf32, #tpu.memory_space<hbm>> -> memref<16x1024xf32, #tpu.memory_space<hbm>>
    %dma_start3A_335 = arith.constant 0 : i32
    %dma_start3A_336 = tpu.memref_slice %arg5[%add3A_332, %dma_start3A_335] : memref<8192x1024xf32, #tpu.memory_space<hbm>> -> memref<16x1024xf32, #tpu.memory_space<hbm>>
    tpu.enqueue_dma source(%arg10 : memref<16x1024xf32, #tpu.memory_space<vmem>>) target(%dma_start3A_336 : memref<16x1024xf32, #tpu.memory_space<hbm>>) target_semaphore(%arg22 : memref<!tpu.dma_semaphore, #tpu.memory_space<semaphore_mem>>)
    %dma_wait3A_337 = arith.constant 0 : i32
    %dma_wait3A_338 = tpu.memref_slice %arg5[%add3A_282, %dma_wait3A_337] : memref<8192x1024xf32, #tpu.memory_space<hbm>> -> memref<16x1024xf32, #tpu.memory_space<hbm>>
    %dma_wait3A_339 = arith.constant 0 : i32
    %dma_wait3A_340 = tpu.memref_slice %arg5[%add3A_282, %dma_wait3A_339] : memref<8192x1024xf32, #tpu.memory_space<hbm>> -> memref<16x1024xf32, #tpu.memory_space<hbm>>
    tpu.wait_dma2 semaphore(%arg25 : memref<!tpu.dma_semaphore, #tpu.memory_space<semaphore_mem>>) src(%arg13 : memref<16x1024xf32, #tpu.memory_space<vmem>>) dst(%dma_wait3A_340 : memref<16x1024xf32, #tpu.memory_space<hbm>>)
    %dma_start3A_341 = arith.constant 176 : i32
    %dma_start3A_342 = tpu.memref_slice %arg6[%dma_start3A_341] : memref<256xi32, #tpu.memory_space<vmem>> -> memref<16xi32, #tpu.memory_space<vmem>>
    %dma_start3A_343 = arith.constant 0 : i32
    %dma_start3A_344 = arith.constant 0 : i32
    %dma_start3A_345 = tpu.memref_slice %arg4[%dma_start3A_343, %dma_start3A_344] : memref<100000x1024xf32, #tpu.memory_space<hbm>> -> memref<100000x1024xf32, #tpu.memory_space<hbm>>
    tpu.enqueue_indirect_dma source(%dma_start3A_345 : memref<100000x1024xf32, #tpu.memory_space<hbm>>) target(%arg13 : memref<16x1024xf32, #tpu.memory_space<vmem>>) offsets(%dma_start3A_342 : memref<16xi32, #tpu.memory_space<vmem>>) semaphore(%arg20 : memref<!tpu.dma_semaphore, #tpu.memory_space<semaphore_mem>>)
    %dma_wait3A_346 = arith.constant 0 : i32
    %dma_wait3A_347 = tpu.memref_slice %arg3[%add3A_237, %dma_wait3A_346] : memref<2048x1024xf32, #tpu.memory_space<hbm>> -> memref<16x1024xf32, #tpu.memory_space<hbm>>
    %dma_wait3A_348 = arith.constant 0 : i32
    %dma_wait3A_349 = tpu.memref_slice %arg3[%add3A_237, %dma_wait3A_348] : memref<2048x1024xf32, #tpu.memory_space<hbm>> -> memref<16x1024xf32, #tpu.memory_space<hbm>>
    tpu.wait_dma2 semaphore(%arg15 : memref<!tpu.dma_semaphore, #tpu.memory_space<semaphore_mem>>) src(%dma_wait3A_349 : memref<16x1024xf32, #tpu.memory_space<hbm>>) dst(%arg8 : memref<16x1024xf32, #tpu.memory_space<vmem>>)
    %dma_wait3A_350 = arith.constant 48 : i32
    %dma_wait3A_351 = tpu.memref_slice %arg6[%dma_wait3A_350] : memref<256xi32, #tpu.memory_space<vmem>> -> memref<16xi32, #tpu.memory_space<vmem>>
    %dma_wait3A_352 = arith.constant 0 : i32
    %dma_wait3A_353 = arith.constant 0 : i32
    %dma_wait3A_354 = tpu.memref_slice %arg4[%dma_wait3A_352, %dma_wait3A_353] : memref<100000x1024xf32, #tpu.memory_space<hbm>> -> memref<100000x1024xf32, #tpu.memory_space<hbm>>
    tpu.wait_indirect_dma semaphore(%arg18 : memref<!tpu.dma_semaphore, #tpu.memory_space<semaphore_mem>>) src(%dma_wait3A_354 : memref<100000x1024xf32, #tpu.memory_space<hbm>>) dst(%arg11 : memref<16x1024xf32, #tpu.memory_space<vmem>>)
    %parallel_loop3A_355 = arith.constant 0 : i32
    %parallel_loop3A_356 = arith.constant 512 : i32
    %parallel_loop3A_357 = arith.constant 1 : i32
    scf.for %parallel_loop3A_443 = %parallel_loop3A_355 to %parallel_loop3A_356 step %parallel_loop3A_357  : i32 {
      %parallel_loop3A_444 = arith.constant 5 : i32
      %parallel_loop3A_445 = arith.shrui %parallel_loop3A_443, %parallel_loop3A_444 : i32
      %parallel_loop3A_446 = arith.constant 31 : i32
      %parallel_loop3A_447 = arith.andi %parallel_loop3A_443, %parallel_loop3A_446 : i32
      %parallel_loop3A_448 = arith.constant 2 : i32
      %parallel_loop3A_449 = arith.muli %parallel_loop3A_447, %parallel_loop3A_448 : i32
      %parallel_loop3A_450 = arith.constant 16 : i32
      %parallel_loop3A_451 = arith.muli %parallel_loop3A_449, %parallel_loop3A_450 : i32
      %parallel_loop3A_452 = tpu.assume_multiple %parallel_loop3A_451, 32 : i32
      %parallel_loop3A_453 = arith.constant 16 : i32
      %parallel_loop3A_454 = arith.addi %parallel_loop3A_452, %parallel_loop3A_453 : i32
      %parallel_loop3A_455 = arith.index_cast %parallel_loop3A_445 : i32 to index
      %parallel_loop3A_456 = arith.index_cast %parallel_loop3A_452 : i32 to index
      %parallel_loop3A_457 = tpu.vector_load %arg8[%parallel_loop3A_455, %parallel_loop3A_456] {strides = array<i32>} : memref<16x1024xf32, #tpu.memory_space<vmem>>, vector<1x16xf32>,
      %parallel_loop3A_458 = vector.shape_cast %parallel_loop3A_457 : vector<1x16xf32> to vector<16xf32>
      %parallel_loop3A_459 = arith.index_cast %parallel_loop3A_445 : i32 to index
      %parallel_loop3A_460 = arith.index_cast %parallel_loop3A_452 : i32 to index
      %parallel_loop3A_461 = tpu.vector_load %arg11[%parallel_loop3A_459, %parallel_loop3A_460] {strides = array<i32>} : memref<16x1024xf32, #tpu.memory_space<vmem>>, vector<1x16xf32>,
      %parallel_loop3A_462 = vector.shape_cast %parallel_loop3A_461 : vector<1x16xf32> to vector<16xf32>
      %parallel_loop3A_463 = vector.shape_cast %parallel_loop3A_458 : vector<16xf32> to vector<1x16xf32>
      tpu.vector_store %arg11[%parallel_loop3A_459, %parallel_loop3A_460], %parallel_loop3A_463 {add = true, strides = array<i32>} : memref<16x1024xf32, #tpu.memory_space<vmem>>, vector<1x16xf32>,
      %parallel_loop3A_464 = arith.index_cast %parallel_loop3A_445 : i32 to index
      %parallel_loop3A_465 = arith.index_cast %parallel_loop3A_454 : i32 to index
      %parallel_loop3A_466 = tpu.vector_load %arg8[%parallel_loop3A_464, %parallel_loop3A_465] {strides = array<i32>} : memref<16x1024xf32, #tpu.memory_space<vmem>>, vector<1x16xf32>,
      %parallel_loop3A_467 = vector.shape_cast %parallel_loop3A_466 : vector<1x16xf32> to vector<16xf32>
      %parallel_loop3A_468 = arith.index_cast %parallel_loop3A_445 : i32 to index
      %parallel_loop3A_469 = arith.index_cast %parallel_loop3A_454 : i32 to index
      %parallel_loop3A_470 = tpu.vector_load %arg11[%parallel_loop3A_468, %parallel_loop3A_469] {strides = array<i32>} : memref<16x1024xf32, #tpu.memory_space<vmem>>, vector<1x16xf32>,
      %parallel_loop3A_471 = vector.shape_cast %parallel_loop3A_470 : vector<1x16xf32> to vector<16xf32>
      %parallel_loop3A_472 = vector.shape_cast %parallel_loop3A_467 : vector<16xf32> to vector<1x16xf32>
      tpu.vector_store %arg11[%parallel_loop3A_468, %parallel_loop3A_469], %parallel_loop3A_472 {add = true, strides = array<i32>} : memref<16x1024xf32, #tpu.memory_space<vmem>>, vector<1x16xf32>,
    } {sc.loop_unroll_factor = 4 : i64, sc.parallel_access}
    %add3A_358 = arith.constant 0 : i32
    %add3A_359 = arith.addi %add3A_358, %mul3A_2 : i32
    %add3A_360 = arith.constant 48 : i32
    %add3A_361 = arith.addi %add3A_359, %add3A_360 : i32
    %dma_start3A_362 = arith.constant 0 : i32
    %dma_start3A_363 = tpu.memref_slice %arg5[%add3A_361, %dma_start3A_362] : memref<8192x1024xf32, #tpu.memory_space<hbm>> -> memref<16x1024xf32, #tpu.memory_space<hbm>>
    %dma_start3A_364 = arith.constant 0 : i32
    %dma_start3A_365 = tpu.memref_slice %arg5[%add3A_361, %dma_start3A_364] : memref<8192x1024xf32, #tpu.memory_space<hbm>> -> memref<16x1024xf32, #tpu.memory_space<hbm>>
    tpu.enqueue_dma source(%arg11 : memref<16x1024xf32, #tpu.memory_space<vmem>>) target(%dma_start3A_365 : memref<16x1024xf32, #tpu.memory_space<hbm>>) target_semaphore(%arg23 : memref<!tpu.dma_semaphore, #tpu.memory_space<semaphore_mem>>)
    %dma_wait3A_366 = arith.constant 0 : i32
    %dma_wait3A_367 = tpu.memref_slice %arg5[%add3A_307, %dma_wait3A_366] : memref<8192x1024xf32, #tpu.memory_space<hbm>> -> memref<16x1024xf32, #tpu.memory_space<hbm>>
    %dma_wait3A_368 = arith.constant 0 : i32
    %dma_wait3A_369 = tpu.memref_slice %arg5[%add3A_307, %dma_wait3A_368] : memref<8192x1024xf32, #tpu.memory_space<hbm>> -> memref<16x1024xf32, #tpu.memory_space<hbm>>
    tpu.wait_dma2 semaphore(%arg21 : memref<!tpu.dma_semaphore, #tpu.memory_space<semaphore_mem>>) src(%arg9 : memref<16x1024xf32, #tpu.memory_space<vmem>>) dst(%dma_wait3A_369 : memref<16x1024xf32, #tpu.memory_space<hbm>>)
    %dma_start3A_370 = arith.constant 240 : i32
    %dma_start3A_371 = tpu.memref_slice %arg6[%dma_start3A_370] : memref<256xi32, #tpu.memory_space<vmem>> -> memref<16xi32, #tpu.memory_space<vmem>>
    %dma_start3A_372 = arith.constant 0 : i32
    %dma_start3A_373 = arith.constant 0 : i32
    %dma_start3A_374 = tpu.memref_slice %arg4[%dma_start3A_372, %dma_start3A_373] : memref<100000x1024xf32, #tpu.memory_space<hbm>> -> memref<100000x1024xf32, #tpu.memory_space<hbm>>
    tpu.enqueue_indirect_dma source(%dma_start3A_374 : memref<100000x1024xf32, #tpu.memory_space<hbm>>) target(%arg9 : memref<16x1024xf32, #tpu.memory_space<vmem>>) offsets(%dma_start3A_371 : memref<16xi32, #tpu.memory_space<vmem>>) semaphore(%arg16 : memref<!tpu.dma_semaphore, #tpu.memory_space<semaphore_mem>>)
    %dma_wait3A_375 = arith.constant 112 : i32
    %dma_wait3A_376 = tpu.memref_slice %arg6[%dma_wait3A_375] : memref<256xi32, #tpu.memory_space<vmem>> -> memref<16xi32, #tpu.memory_space<vmem>>
    %dma_wait3A_377 = arith.constant 0 : i32
    %dma_wait3A_378 = arith.constant 0 : i32
    %dma_wait3A_379 = tpu.memref_slice %arg4[%dma_wait3A_377, %dma_wait3A_378] : memref<100000x1024xf32, #tpu.memory_space<hbm>> -> memref<100000x1024xf32, #tpu.memory_space<hbm>>
    tpu.wait_indirect_dma semaphore(%arg19 : memref<!tpu.dma_semaphore, #tpu.memory_space<semaphore_mem>>) src(%dma_wait3A_379 : memref<100000x1024xf32, #tpu.memory_space<hbm>>) dst(%arg12 : memref<16x1024xf32, #tpu.memory_space<vmem>>)
    %parallel_loop3A_380 = arith.constant 0 : i32
    %parallel_loop3A_381 = arith.constant 512 : i32
    %parallel_loop3A_382 = arith.constant 1 : i32
    scf.for %parallel_loop3A_443 = %parallel_loop3A_380 to %parallel_loop3A_381 step %parallel_loop3A_382  : i32 {
      %parallel_loop3A_444 = arith.constant 5 : i32
      %parallel_loop3A_445 = arith.shrui %parallel_loop3A_443, %parallel_loop3A_444 : i32
      %parallel_loop3A_446 = arith.constant 31 : i32
      %parallel_loop3A_447 = arith.andi %parallel_loop3A_443, %parallel_loop3A_446 : i32
      %parallel_loop3A_448 = arith.constant 2 : i32
      %parallel_loop3A_449 = arith.muli %parallel_loop3A_447, %parallel_loop3A_448 : i32
      %parallel_loop3A_450 = arith.constant 16 : i32
      %parallel_loop3A_451 = arith.muli %parallel_loop3A_449, %parallel_loop3A_450 : i32
      %parallel_loop3A_452 = tpu.assume_multiple %parallel_loop3A_451, 32 : i32
      %parallel_loop3A_453 = arith.constant 16 : i32
      %parallel_loop3A_454 = arith.addi %parallel_loop3A_452, %parallel_loop3A_453 : i32
      %parallel_loop3A_455 = arith.index_cast %parallel_loop3A_445 : i32 to index
      %parallel_loop3A_456 = arith.index_cast %parallel_loop3A_452 : i32 to index
      %parallel_loop3A_457 = tpu.vector_load %arg8[%parallel_loop3A_455, %parallel_loop3A_456] {strides = array<i32>} : memref<16x1024xf32, #tpu.memory_space<vmem>>, vector<1x16xf32>,
      %parallel_loop3A_458 = vector.shape_cast %parallel_loop3A_457 : vector<1x16xf32> to vector<16xf32>
      %parallel_loop3A_459 = arith.index_cast %parallel_loop3A_445 : i32 to index
      %parallel_loop3A_460 = arith.index_cast %parallel_loop3A_452 : i32 to index
      %parallel_loop3A_461 = tpu.vector_load %arg12[%parallel_loop3A_459, %parallel_loop3A_460] {strides = array<i32>} : memref<16x1024xf32, #tpu.memory_space<vmem>>, vector<1x16xf32>,
      %parallel_loop3A_462 = vector.shape_cast %parallel_loop3A_461 : vector<1x16xf32> to vector<16xf32>
      %parallel_loop3A_463 = vector.shape_cast %parallel_loop3A_458 : vector<16xf32> to vector<1x16xf32>
      tpu.vector_store %arg12[%parallel_loop3A_459, %parallel_loop3A_460], %parallel_loop3A_463 {add = true, strides = array<i32>} : memref<16x1024xf32, #tpu.memory_space<vmem>>, vector<1x16xf32>,
      %parallel_loop3A_464 = arith.index_cast %parallel_loop3A_445 : i32 to index
      %parallel_loop3A_465 = arith.index_cast %parallel_loop3A_454 : i32 to index
      %parallel_loop3A_466 = tpu.vector_load %arg8[%parallel_loop3A_464, %parallel_loop3A_465] {strides = array<i32>} : memref<16x1024xf32, #tpu.memory_space<vmem>>, vector<1x16xf32>,
      %parallel_loop3A_467 = vector.shape_cast %parallel_loop3A_466 : vector<1x16xf32> to vector<16xf32>
      %parallel_loop3A_468 = arith.index_cast %parallel_loop3A_445 : i32 to index
      %parallel_loop3A_469 = arith.index_cast %parallel_loop3A_454 : i32 to index
      %parallel_loop3A_470 = tpu.vector_load %arg12[%parallel_loop3A_468, %parallel_loop3A_469] {strides = array<i32>} : memref<16x1024xf32, #tpu.memory_space<vmem>>, vector<1x16xf32>,
      %parallel_loop3A_471 = vector.shape_cast %parallel_loop3A_470 : vector<1x16xf32> to vector<16xf32>
      %parallel_loop3A_472 = vector.shape_cast %parallel_loop3A_467 : vector<16xf32> to vector<1x16xf32>
      tpu.vector_store %arg12[%parallel_loop3A_468, %parallel_loop3A_469], %parallel_loop3A_472 {add = true, strides = array<i32>} : memref<16x1024xf32, #tpu.memory_space<vmem>>, vector<1x16xf32>,
    } {sc.loop_unroll_factor = 4 : i64, sc.parallel_access}
    %add3A_383 = arith.constant 2048 : i32
    %add3A_384 = arith.addi %add3A_383, %mul3A_2 : i32
    %add3A_385 = arith.constant 48 : i32
    %add3A_386 = arith.addi %add3A_384, %add3A_385 : i32
    %dma_start3A_387 = arith.constant 0 : i32
    %dma_start3A_388 = tpu.memref_slice %arg5[%add3A_386, %dma_start3A_387] : memref<8192x1024xf32, #tpu.memory_space<hbm>> -> memref<16x1024xf32, #tpu.memory_space<hbm>>
    %dma_start3A_389 = arith.constant 0 : i32
    %dma_start3A_390 = tpu.memref_slice %arg5[%add3A_386, %dma_start3A_389] : memref<8192x1024xf32, #tpu.memory_space<hbm>> -> memref<16x1024xf32, #tpu.memory_space<hbm>>
    tpu.enqueue_dma source(%arg12 : memref<16x1024xf32, #tpu.memory_space<vmem>>) target(%dma_start3A_390 : memref<16x1024xf32, #tpu.memory_space<hbm>>) target_semaphore(%arg24 : memref<!tpu.dma_semaphore, #tpu.memory_space<semaphore_mem>>)
    %dma_wait3A_391 = arith.constant 176 : i32
    %dma_wait3A_392 = tpu.memref_slice %arg6[%dma_wait3A_391] : memref<256xi32, #tpu.memory_space<vmem>> -> memref<16xi32, #tpu.memory_space<vmem>>
    %dma_wait3A_393 = arith.constant 0 : i32
    %dma_wait3A_394 = arith.constant 0 : i32
    %dma_wait3A_395 = tpu.memref_slice %arg4[%dma_wait3A_393, %dma_wait3A_394] : memref<100000x1024xf32, #tpu.memory_space<hbm>> -> memref<100000x1024xf32, #tpu.memory_space<hbm>>
    tpu.wait_indirect_dma semaphore(%arg20 : memref<!tpu.dma_semaphore, #tpu.memory_space<semaphore_mem>>) src(%dma_wait3A_395 : memref<100000x1024xf32, #tpu.memory_space<hbm>>) dst(%arg13 : memref<16x1024xf32, #tpu.memory_space<vmem>>)
    %parallel_loop3A_396 = arith.constant 0 : i32
    %parallel_loop3A_397 = arith.constant 512 : i32
    %parallel_loop3A_398 = arith.constant 1 : i32
    scf.for %parallel_loop3A_443 = %parallel_loop3A_396 to %parallel_loop3A_397 step %parallel_loop3A_398  : i32 {
      %parallel_loop3A_444 = arith.constant 5 : i32
      %parallel_loop3A_445 = arith.shrui %parallel_loop3A_443, %parallel_loop3A_444 : i32
      %parallel_loop3A_446 = arith.constant 31 : i32
      %parallel_loop3A_447 = arith.andi %parallel_loop3A_443, %parallel_loop3A_446 : i32
      %parallel_loop3A_448 = arith.constant 2 : i32
      %parallel_loop3A_449 = arith.muli %parallel_loop3A_447, %parallel_loop3A_448 : i32
      %parallel_loop3A_450 = arith.constant 16 : i32
      %parallel_loop3A_451 = arith.muli %parallel_loop3A_449, %parallel_loop3A_450 : i32
      %parallel_loop3A_452 = tpu.assume_multiple %parallel_loop3A_451, 32 : i32
      %parallel_loop3A_453 = arith.constant 16 : i32
      %parallel_loop3A_454 = arith.addi %parallel_loop3A_452, %parallel_loop3A_453 : i32
      %parallel_loop3A_455 = arith.index_cast %parallel_loop3A_445 : i32 to index
      %parallel_loop3A_456 = arith.index_cast %parallel_loop3A_452 : i32 to index
      %parallel_loop3A_457 = tpu.vector_load %arg8[%parallel_loop3A_455, %parallel_loop3A_456] {strides = array<i32>} : memref<16x1024xf32, #tpu.memory_space<vmem>>, vector<1x16xf32>,
      %parallel_loop3A_458 = vector.shape_cast %parallel_loop3A_457 : vector<1x16xf32> to vector<16xf32>
      %parallel_loop3A_459 = arith.index_cast %parallel_loop3A_445 : i32 to index
      %parallel_loop3A_460 = arith.index_cast %parallel_loop3A_452 : i32 to index
      %parallel_loop3A_461 = tpu.vector_load %arg13[%parallel_loop3A_459, %parallel_loop3A_460] {strides = array<i32>} : memref<16x1024xf32, #tpu.memory_space<vmem>>, vector<1x16xf32>,
      %parallel_loop3A_462 = vector.shape_cast %parallel_loop3A_461 : vector<1x16xf32> to vector<16xf32>
      %parallel_loop3A_463 = vector.shape_cast %parallel_loop3A_458 : vector<16xf32> to vector<1x16xf32>
      tpu.vector_store %arg13[%parallel_loop3A_459, %parallel_loop3A_460], %parallel_loop3A_463 {add = true, strides = array<i32>} : memref<16x1024xf32, #tpu.memory_space<vmem>>, vector<1x16xf32>,
      %parallel_loop3A_464 = arith.index_cast %parallel_loop3A_445 : i32 to index
      %parallel_loop3A_465 = arith.index_cast %parallel_loop3A_454 : i32 to index
      %parallel_loop3A_466 = tpu.vector_load %arg8[%parallel_loop3A_464, %parallel_loop3A_465] {strides = array<i32>} : memref<16x1024xf32, #tpu.memory_space<vmem>>, vector<1x16xf32>,
      %parallel_loop3A_467 = vector.shape_cast %parallel_loop3A_466 : vector<1x16xf32> to vector<16xf32>
      %parallel_loop3A_468 = arith.index_cast %parallel_loop3A_445 : i32 to index
      %parallel_loop3A_469 = arith.index_cast %parallel_loop3A_454 : i32 to index
      %parallel_loop3A_470 = tpu.vector_load %arg13[%parallel_loop3A_468, %parallel_loop3A_469] {strides = array<i32>} : memref<16x1024xf32, #tpu.memory_space<vmem>>, vector<1x16xf32>,
      %parallel_loop3A_471 = vector.shape_cast %parallel_loop3A_470 : vector<1x16xf32> to vector<16xf32>
      %parallel_loop3A_472 = vector.shape_cast %parallel_loop3A_467 : vector<16xf32> to vector<1x16xf32>
      tpu.vector_store %arg13[%parallel_loop3A_468, %parallel_loop3A_469], %parallel_loop3A_472 {add = true, strides = array<i32>} : memref<16x1024xf32, #tpu.memory_space<vmem>>, vector<1x16xf32>,
    } {sc.loop_unroll_factor = 4 : i64, sc.parallel_access}
    %add3A_399 = arith.constant 4096 : i32
    %add3A_400 = arith.addi %add3A_399, %mul3A_2 : i32
    %add3A_401 = arith.constant 48 : i32
    %add3A_402 = arith.addi %add3A_400, %add3A_401 : i32
    %dma_start3A_403 = arith.constant 0 : i32
    %dma_start3A_404 = tpu.memref_slice %arg5[%add3A_402, %dma_start3A_403] : memref<8192x1024xf32, #tpu.memory_space<hbm>> -> memref<16x1024xf32, #tpu.memory_space<hbm>>
    %dma_start3A_405 = arith.constant 0 : i32
    %dma_start3A_406 = tpu.memref_slice %arg5[%add3A_402, %dma_start3A_405] : memref<8192x1024xf32, #tpu.memory_space<hbm>> -> memref<16x1024xf32, #tpu.memory_space<hbm>>
    tpu.enqueue_dma source(%arg13 : memref<16x1024xf32, #tpu.memory_space<vmem>>) target(%dma_start3A_406 : memref<16x1024xf32, #tpu.memory_space<hbm>>) target_semaphore(%arg25 : memref<!tpu.dma_semaphore, #tpu.memory_space<semaphore_mem>>)
    %dma_wait3A_407 = arith.constant 240 : i32
    %dma_wait3A_408 = tpu.memref_slice %arg6[%dma_wait3A_407] : memref<256xi32, #tpu.memory_space<vmem>> -> memref<16xi32, #tpu.memory_space<vmem>>
    %dma_wait3A_409 = arith.constant 0 : i32
    %dma_wait3A_410 = arith.constant 0 : i32
    %dma_wait3A_411 = tpu.memref_slice %arg4[%dma_wait3A_409, %dma_wait3A_410] : memref<100000x1024xf32, #tpu.memory_space<hbm>> -> memref<100000x1024xf32, #tpu.memory_space<hbm>>
    tpu.wait_indirect_dma semaphore(%arg16 : memref<!tpu.dma_semaphore, #tpu.memory_space<semaphore_mem>>) src(%dma_wait3A_411 : memref<100000x1024xf32, #tpu.memory_space<hbm>>) dst(%arg9 : memref<16x1024xf32, #tpu.memory_space<vmem>>)
    %parallel_loop3A_412 = arith.constant 0 : i32
    %parallel_loop3A_413 = arith.constant 512 : i32
    %parallel_loop3A_414 = arith.constant 1 : i32
    scf.for %parallel_loop3A_443 = %parallel_loop3A_412 to %parallel_loop3A_413 step %parallel_loop3A_414  : i32 {
      %parallel_loop3A_444 = arith.constant 5 : i32
      %parallel_loop3A_445 = arith.shrui %parallel_loop3A_443, %parallel_loop3A_444 : i32
      %parallel_loop3A_446 = arith.constant 31 : i32
      %parallel_loop3A_447 = arith.andi %parallel_loop3A_443, %parallel_loop3A_446 : i32
      %parallel_loop3A_448 = arith.constant 2 : i32
      %parallel_loop3A_449 = arith.muli %parallel_loop3A_447, %parallel_loop3A_448 : i32
      %parallel_loop3A_450 = arith.constant 16 : i32
      %parallel_loop3A_451 = arith.muli %parallel_loop3A_449, %parallel_loop3A_450 : i32
      %parallel_loop3A_452 = tpu.assume_multiple %parallel_loop3A_451, 32 : i32
      %parallel_loop3A_453 = arith.constant 16 : i32
      %parallel_loop3A_454 = arith.addi %parallel_loop3A_452, %parallel_loop3A_453 : i32
      %parallel_loop3A_455 = arith.index_cast %parallel_loop3A_445 : i32 to index
      %parallel_loop3A_456 = arith.index_cast %parallel_loop3A_452 : i32 to index
      %parallel_loop3A_457 = tpu.vector_load %arg8[%parallel_loop3A_455, %parallel_loop3A_456] {strides = array<i32>} : memref<16x1024xf32, #tpu.memory_space<vmem>>, vector<1x16xf32>,
      %parallel_loop3A_458 = vector.shape_cast %parallel_loop3A_457 : vector<1x16xf32> to vector<16xf32>
      %parallel_loop3A_459 = arith.index_cast %parallel_loop3A_445 : i32 to index
      %parallel_loop3A_460 = arith.index_cast %parallel_loop3A_452 : i32 to index
      %parallel_loop3A_461 = tpu.vector_load %arg9[%parallel_loop3A_459, %parallel_loop3A_460] {strides = array<i32>} : memref<16x1024xf32, #tpu.memory_space<vmem>>, vector<1x16xf32>,
      %parallel_loop3A_462 = vector.shape_cast %parallel_loop3A_461 : vector<1x16xf32> to vector<16xf32>
      %parallel_loop3A_463 = vector.shape_cast %parallel_loop3A_458 : vector<16xf32> to vector<1x16xf32>
      tpu.vector_store %arg9[%parallel_loop3A_459, %parallel_loop3A_460], %parallel_loop3A_463 {add = true, strides = array<i32>} : memref<16x1024xf32, #tpu.memory_space<vmem>>, vector<1x16xf32>,
      %parallel_loop3A_464 = arith.index_cast %parallel_loop3A_445 : i32 to index
      %parallel_loop3A_465 = arith.index_cast %parallel_loop3A_454 : i32 to index
      %parallel_loop3A_466 = tpu.vector_load %arg8[%parallel_loop3A_464, %parallel_loop3A_465] {strides = array<i32>} : memref<16x1024xf32, #tpu.memory_space<vmem>>, vector<1x16xf32>,
      %parallel_loop3A_467 = vector.shape_cast %parallel_loop3A_466 : vector<1x16xf32> to vector<16xf32>
      %parallel_loop3A_468 = arith.index_cast %parallel_loop3A_445 : i32 to index
      %parallel_loop3A_469 = arith.index_cast %parallel_loop3A_454 : i32 to index
      %parallel_loop3A_470 = tpu.vector_load %arg9[%parallel_loop3A_468, %parallel_loop3A_469] {strides = array<i32>} : memref<16x1024xf32, #tpu.memory_space<vmem>>, vector<1x16xf32>,
      %parallel_loop3A_471 = vector.shape_cast %parallel_loop3A_470 : vector<1x16xf32> to vector<16xf32>
      %parallel_loop3A_472 = vector.shape_cast %parallel_loop3A_467 : vector<16xf32> to vector<1x16xf32>
      tpu.vector_store %arg9[%parallel_loop3A_468, %parallel_loop3A_469], %parallel_loop3A_472 {add = true, strides = array<i32>} : memref<16x1024xf32, #tpu.memory_space<vmem>>, vector<1x16xf32>,
    } {sc.loop_unroll_factor = 4 : i64, sc.parallel_access}
    %add3A_415 = arith.constant 6144 : i32
    %add3A_416 = arith.addi %add3A_415, %mul3A_2 : i32
    %add3A_417 = arith.constant 48 : i32
    %add3A_418 = arith.addi %add3A_416, %add3A_417 : i32
    %dma_start3A_419 = arith.constant 0 : i32
    %dma_start3A_420 = tpu.memref_slice %arg5[%add3A_418, %dma_start3A_419] : memref<8192x1024xf32, #tpu.memory_space<hbm>> -> memref<16x1024xf32, #tpu.memory_space<hbm>>
    %dma_start3A_421 = arith.constant 0 : i32
    %dma_start3A_422 = tpu.memref_slice %arg5[%add3A_418, %dma_start3A_421] : memref<8192x1024xf32, #tpu.memory_space<hbm>> -> memref<16x1024xf32, #tpu.memory_space<hbm>>
    tpu.enqueue_dma source(%arg9 : memref<16x1024xf32, #tpu.memory_space<vmem>>) target(%dma_start3A_422 : memref<16x1024xf32, #tpu.memory_space<hbm>>) target_semaphore(%arg21 : memref<!tpu.dma_semaphore, #tpu.memory_space<semaphore_mem>>)
    %dma_wait3A_423 = arith.constant 0 : i32
    %dma_wait3A_424 = tpu.memref_slice %arg5[%add3A_332, %dma_wait3A_423] : memref<8192x1024xf32, #tpu.memory_space<hbm>> -> memref<16x1024xf32, #tpu.memory_space<hbm>>
    %dma_wait3A_425 = arith.constant 0 : i32
    %dma_wait3A_426 = tpu.memref_slice %arg5[%add3A_332, %dma_wait3A_425] : memref<8192x1024xf32, #tpu.memory_space<hbm>> -> memref<16x1024xf32, #tpu.memory_space<hbm>>
    tpu.wait_dma2 semaphore(%arg22 : memref<!tpu.dma_semaphore, #tpu.memory_space<semaphore_mem>>) src(%arg10 : memref<16x1024xf32, #tpu.memory_space<vmem>>) dst(%dma_wait3A_426 : memref<16x1024xf32, #tpu.memory_space<hbm>>)
    %dma_wait3A_427 = arith.constant 0 : i32
    %dma_wait3A_428 = tpu.memref_slice %arg5[%add3A_361, %dma_wait3A_427] : memref<8192x1024xf32, #tpu.memory_space<hbm>> -> memref<16x1024xf32, #tpu.memory_space<hbm>>
    %dma_wait3A_429 = arith.constant 0 : i32
    %dma_wait3A_430 = tpu.memref_slice %arg5[%add3A_361, %dma_wait3A_429] : memref<8192x1024xf32, #tpu.memory_space<hbm>> -> memref<16x1024xf32, #tpu.memory_space<hbm>>
    tpu.wait_dma2 semaphore(%arg23 : memref<!tpu.dma_semaphore, #tpu.memory_space<semaphore_mem>>) src(%arg11 : memref<16x1024xf32, #tpu.memory_space<vmem>>) dst(%dma_wait3A_430 : memref<16x1024xf32, #tpu.memory_space<hbm>>)
    %dma_wait3A_431 = arith.constant 0 : i32
    %dma_wait3A_432 = tpu.memref_slice %arg5[%add3A_386, %dma_wait3A_431] : memref<8192x1024xf32, #tpu.memory_space<hbm>> -> memref<16x1024xf32, #tpu.memory_space<hbm>>
    %dma_wait3A_433 = arith.constant 0 : i32
    %dma_wait3A_434 = tpu.memref_slice %arg5[%add3A_386, %dma_wait3A_433] : memref<8192x1024xf32, #tpu.memory_space<hbm>> -> memref<16x1024xf32, #tpu.memory_space<hbm>>
    tpu.wait_dma2 semaphore(%arg24 : memref<!tpu.dma_semaphore, #tpu.memory_space<semaphore_mem>>) src(%arg12 : memref<16x1024xf32, #tpu.memory_space<vmem>>) dst(%dma_wait3A_434 : memref<16x1024xf32, #tpu.memory_space<hbm>>)
    %dma_wait3A_435 = arith.constant 0 : i32
    %dma_wait3A_436 = tpu.memref_slice %arg5[%add3A_402, %dma_wait3A_435] : memref<8192x1024xf32, #tpu.memory_space<hbm>> -> memref<16x1024xf32, #tpu.memory_space<hbm>>
    %dma_wait3A_437 = arith.constant 0 : i32
    %dma_wait3A_438 = tpu.memref_slice %arg5[%add3A_402, %dma_wait3A_437] : memref<8192x1024xf32, #tpu.memory_space<hbm>> -> memref<16x1024xf32, #tpu.memory_space<hbm>>
    tpu.wait_dma2 semaphore(%arg25 : memref<!tpu.dma_semaphore, #tpu.memory_space<semaphore_mem>>) src(%arg13 : memref<16x1024xf32, #tpu.memory_space<vmem>>) dst(%dma_wait3A_438 : memref<16x1024xf32, #tpu.memory_space<hbm>>)
    %dma_wait3A_439 = arith.constant 0 : i32
    %dma_wait3A_440 = tpu.memref_slice %arg5[%add3A_418, %dma_wait3A_439] : memref<8192x1024xf32, #tpu.memory_space<hbm>> -> memref<16x1024xf32, #tpu.memory_space<hbm>>
    %dma_wait3A_441 = arith.constant 0 : i32
    %dma_wait3A_442 = tpu.memref_slice %arg5[%add3A_418, %dma_wait3A_441] : memref<8192x1024xf32, #tpu.memory_space<hbm>> -> memref<16x1024xf32, #tpu.memory_space<hbm>>
    tpu.wait_dma2 semaphore(%arg21 : memref<!tpu.dma_semaphore, #tpu.memory_space<semaphore_mem>>) src(%arg9 : memref<16x1024xf32, #tpu.memory_space<vmem>>) dst(%dma_wait3A_442 : memref<16x1024xf32, #tpu.memory_space<hbm>>)
    return
  }
}

module attributes {stable_mosaic.version = 14 : i64} {
  func.func @_pe_tc_body(%arg0: i32, %arg1: memref<16x1024xf32, #tpu.memory_space<vmem>>, %arg2: memref<16x1024xf32, #tpu.memory_space<vmem>>, %arg3: memref<64x1x1024xf32, #tpu.memory_space<vmem>>, %arg4: memref<64x1x1024xf32, #tpu.memory_space<vmem>>, %arg5: memref<64x16x1024xf32, #tpu.memory_space<vmem>>) attributes {dimension_semantics = [#tpu.dimension_semantics<arbitrary>], iteration_bounds = array<i64: 2>, scalar_prefetch = 0 : i64, scratch_operands = 0 : i64, tpu.core_type = #tpu.core_type<tc>, window_params = [{pipeline_mode = #tpu.pipeline_mode<synchronous>, transform_indices = @transform_0, window_bounds = array<i64: 16, 1024>}, {pipeline_mode = #tpu.pipeline_mode<synchronous>, transform_indices = @transform_1, window_bounds = array<i64: 16, 1024>}, {transform_indices = @transform_2, window_bounds = array<i64: 64, 1, 1024>}, {transform_indices = @transform_3, window_bounds = array<i64: 64, 1, 1024>}, {transform_indices = @transform_4, window_bounds = array<i64: 64, 16, 1024>}]} {
    %get3A = arith.constant 0 : index
    %get3A_0 = arith.constant 0 : index
    %get3A_1 = vector.load %arg1[%get3A, %get3A_0] : memref<16x1024xf32, #tpu.memory_space<vmem>>, vector<16x1024xf32>
    %broadcast_in_dim3A = vector.shape_cast %get3A_1 : vector<16x1024xf32> to vector<1x16x1024xf32>
    %get3A_2 = arith.constant 0 : index
    %get3A_3 = arith.constant 0 : index
    %get3A_4 = arith.constant 0 : index
    %get3A_5 = vector.load %arg3[%get3A_2, %get3A_3, %get3A_4] : memref<64x1x1024xf32, #tpu.memory_space<vmem>>, vector<64x1x1024xf32>
    %mul3A = vector.broadcast %broadcast_in_dim3A : vector<1x16x1024xf32> to vector<64x16x1024xf32>
    %mul3A_6 = vector.broadcast %get3A_5 : vector<64x1x1024xf32> to vector<64x16x1024xf32>
    %mul3A_7 = arith.mulf %mul3A, %mul3A_6 : vector<64x16x1024xf32>
    %get3A_8 = arith.constant 0 : index
    %get3A_9 = arith.constant 0 : index
    %get3A_10 = vector.load %arg2[%get3A_8, %get3A_9] : memref<16x1024xf32, #tpu.memory_space<vmem>>, vector<16x1024xf32>
    %broadcast_in_dim3A_11 = vector.shape_cast %get3A_10 : vector<16x1024xf32> to vector<1x16x1024xf32>
    %get3A_12 = arith.constant 0 : index
    %get3A_13 = arith.constant 0 : index
    %get3A_14 = arith.constant 0 : index
    %get3A_15 = vector.load %arg4[%get3A_12, %get3A_13, %get3A_14] : memref<64x1x1024xf32, #tpu.memory_space<vmem>>, vector<64x1x1024xf32>
    %mul3A_16 = vector.broadcast %broadcast_in_dim3A_11 : vector<1x16x1024xf32> to vector<64x16x1024xf32>
    %mul3A_17 = vector.broadcast %get3A_15 : vector<64x1x1024xf32> to vector<64x16x1024xf32>
    %mul3A_18 = arith.mulf %mul3A_16, %mul3A_17 : vector<64x16x1024xf32>
    %add3A = arith.addf %mul3A_7, %mul3A_18 : vector<64x16x1024xf32>
    %swap3A = arith.constant 0 : index
    %swap3A_19 = arith.constant 0 : index
    %swap3A_20 = arith.constant 0 : index
    %swap3A_21 = vector.load %arg5[%swap3A, %swap3A_19, %swap3A_20] : memref<64x16x1024xf32, #tpu.memory_space<vmem>>, vector<64x16x1024xf32>
    tpu.vector_store %arg5[%swap3A, %swap3A_19, %swap3A_20], %add3A {strides = array<i32>} : memref<64x16x1024xf32, #tpu.memory_space<vmem>>, vector<64x16x1024xf32>,
    return
  }
  func.func @transform_0(%arg0: i32) -> (i32, i32) {
    %c0_i32 = arith.constant 0 : i32
    %c0_i32_0 = arith.constant 0 : i32
    %c0_i32_1 = arith.constant 0 : i32
    return %c0_i32, %c0_i32_0 : i32, i32
  }
  func.func @transform_1(%arg0: i32) -> (i32, i32) {
    %c0_i32 = arith.constant 0 : i32
    %c0_i32_0 = arith.constant 0 : i32
    %c0_i32_1 = arith.constant 0 : i32
    return %c0_i32, %c0_i32_0 : i32, i32
  }
  func.func @transform_2(%arg0: i32) -> (i32, i32, i32) {
    %c0_i32 = arith.constant 0 : i32
    %c0_i32_0 = arith.constant 0 : i32
    %c0_i32_1 = arith.constant 0 : i32
    return %arg0, %c0_i32, %c0_i32_0 : i32, i32, i32
  }
  func.func @transform_3(%arg0: i32) -> (i32, i32, i32) {
    %c0_i32 = arith.constant 0 : i32
    %c0_i32_0 = arith.constant 0 : i32
    %c0_i32_1 = arith.constant 0 : i32
    return %arg0, %c0_i32, %c0_i32_0 : i32, i32, i32
  }
  func.func @transform_4(%arg0: i32) -> (i32, i32, i32) {
    %c0_i32 = arith.constant 0 : i32
    %c0_i32_0 = arith.constant 0 : i32
    %c0_i32_1 = arith.constant 0 : i32
    return %arg0, %c0_i32, %c0_i32_0 : i32, i32, i32
  }
}

</mosaic_0001>

<sc_bundles>
// kernel: _embed.4.cloned.1.call-start
scs
__scs_entry_jumppad:
0x0: {  	(pc) =	sbr.rel $0x88, $3  }
0x1: {  	(tag) =	ssettag $0x0;
	lr =	simm.s32 $0x1  }
0x2: {  	[smem:$0x3F9F] =	sst lr;
	_ =	strace $0xD0000000  }
0x3: {  	_ = 	snop  }
0x4: {  	_ = 	snop  }
0x5: {  	_ = 	snop  }
0x6: {  	_ = 	snop  }
0x7: {  	_ = 	snop  }
__scs_overlays_trampoline_lowered:
0x8: {  	[smem:$0x3FAE] =	sst s0  }
0x9: {  	[smem:$0x3FAF] =	sst s1  }
0xa: {  	[smem:$0x3FB0] =	sst s2  }
0xb: {  	[smem:$0x3FB1] =	sst s3  }
0xc: {  	[smem:$0x3FB2] =	sst s4  }
0xd: {  	[smem:$0x3FB3] =	sst s5  }
0xe: {  	[smem:$0x3FB4] =	sst s6  }
0xf: {  	[smem:$0x3FB5] =	sst s7  }
0x10: {  	[smem:$0x3FB6] =	sst s8  }
0x11: {  	[smem:$0x3FB7] =	sst s9;
	s0 =	simm.s32 @!p0 $0x0  }
0x12: {  	s1 =	sld [smem:$0x3F9D];
	s0 =	simm.s32 @p0 $0x1  }
0x13: {  	[smem:$0x3FB8] =	sst s0;
	s0 =	simm.s32 @!p1 $0x0  }
0x14: {  	s2 =	sld [smem:$0x3F9C];
	s0 =	simm.s32 @p1 $0x1  }
0x15: {  	[smem:$0x3FB9] =	sst s0;
	s0 =	simm.s32 @!p2 $0x0  }
0x16: {  	s3 =	sld [smem:$0x3FDB];
	s0 =	simm.s32 @p2 $0x1  }
0x17: {  	s4 =	simm.s32 $0x1BF5;
	[smem:$0x3FBB] =	sst s0  }
0x18: {  	s0 =	sld [smem:$0x3F9E];
	_ =	swait.ge [sflag:s4], $0x0  }
0x19: {  	s7 =	sld [smem:$0x3F9F]  }
0x1a: {  	s8 =	sadd.s32 $0xFFFFE003, lr  }
0x1b: {  	s9 =	sadd.s32 $0xFFFFFEF7, lr;
	s5 =	simm.s32 $0xFFFFFFFF;
	p2 =	slt.u32 s8, $0xFFFFF086  }
0x1c: {  	p1 =	slt.u32 s9, $0xF7A;
	s5 =	simm.s32 @!p2 $0x0  }
0x1d: {  	s5 =	simm.s32 @p1 $0x1;
	p0 =	seq.s32 s7, s2  }
0x1e: {  	s7 =	smul.u32 @!p0 $0xF7A, s2;
	p2 =	seq.s32 @!p0 s5, $0x0  }
0x1f: {  	s9 =	smul.u32 $0xF7A, s1;
	s8 =	simm.s32 @!p0 $0x1BF5;
	p2 =	por !p2, p0  }
0x20: {  	[sflag:s8] =	ssyncset.s32 @!p0 $0xFFFFF086;
	s6 =	sadd.s32 @!p0 s3, s7;
	s7 =	simm.s32 @!p0 $0x108  }
0x21: {  	s3 =	sadd.s32 s3, s9;
	s6 =	sadd.s32 @!p0 $0x88, s6;
	s7 =	simm.s32 @p2 $0x1082  }
0x22: {  	[simem:s7], [sflag:s8] =	dma.local @!p0 [hbm:s6], $0xF7A  }
0x23: {  	s9 =	sor.u32 $0xD0000000, s2;
	s6 =	simm.s32 $0x108;
	_ =	swait.ge @!p0 [sflag:s8], $0x0  }
0x24: {  	s3 =	sadd.s32 $0x88, s3;
	s6 =	simm.s32 @!p1 $0x1082;
	[sflag:s4] =	ssyncset.s32 $0xFFFFF086  }
0x25: {  	[simem:s6], [sflag:s4] =	dma.local [hbm:s3], $0xF7A  }
0x26: {  	[smem:$0x3F9F] =	sst s1;
	(tag) =	ssettag s2;
	_ =	strace s9  }
0x27: {  	s1 =	sld [smem:$0x3FAF]  }
0x28: {  	s2 =	sld [smem:$0x3FB0]  }
0x29: {  	s4 =	sld [smem:$0x3FB2]  }
0x2a: {  	p0 =	seq.s32 s5, $0x0;
	s5 =	sld [smem:$0x3FB3]  }
0x2b: {  	s6 =	sld [smem:$0x3FB4]  }
0x2c: {  	s7 =	sld [smem:$0x3FB5]  }
0x2d: {  	s3 =	simm.s32 $0x108;
	s8 =	sld [smem:$0x3FB6]  }
0x2e: {  	s3 =	simm.s32 @!p0 $0x1082;
	s9 =	sld [smem:$0x3FB7]  }
0x2f: {  	lr =	sadd.s32 s0, s3;
	s0 =	sld [smem:$0x3FAE]  }
0x30: {  	s3 =	sld [smem:$0x3FB1]  }
0x31: {  	[smem:$0x3FBA] =	sst s10  }
0x32: {  	s10 =	sld [smem:$0x3FB8];
	_ =	sdelay $0x3  }
0x33: {  	p0 =	seq.s32 s10, $0x1;
	s10 =	sld [smem:$0x3FBA];
	_ =	sdelay $0x3  }
0x34: {  	[smem:$0x3FBA] =	sst s10  }
0x35: {  	s10 =	sld [smem:$0x3FB9];
	_ =	sdelay $0x3  }
0x36: {  	p1 =	seq.s32 s10, $0x1;
	s10 =	sld [smem:$0x3FBA];
	_ =	sdelay $0x3  }
0x37: {  	[smem:$0x3FBA] =	sst s10  }
0x38: {  	s10 =	sld [smem:$0x3FBB]  }
0x39: {  	_ = 	snop;
	(pc) =	sbr.ind lr, $3  }
0x3a: {  	_ = 	snop  }
0x3b: {  	_ = 	snop  }
0x3c: {  	p2 =	seq.s32 s10, $0x1;
	s10 =	sld [smem:$0x3FBA]  }
0x3d: {  	_ =	shalt  }
0x3e: {  	_ =	shalt  }
0x3f: {  	_ =	shalt  }
0x40: {  	_ =	shalt  }
0x41: {  	_ =	shalt  }
0x42: {  	_ =	shalt  }
0x43: {  	_ =	shalt  }
0x44: {  	_ =	shalt  }
0x45: {  	_ =	shalt  }
0x46: {  	_ =	shalt  }
0x47: {  	_ =	shalt  }
0x48: {  	_ =	shalt  }
0x49: {  	_ =	shalt  }
0x4a: {  	_ =	shalt  }
0x4b: {  	_ =	shalt  }
0x4c: {  	_ =	shalt  }
0x4d: {  	_ =	shalt  }
0x4e: {  	_ =	shalt  }
0x4f: {  	_ =	shalt  }
0x50: {  	_ =	shalt  }
0x51: {  	_ =	shalt  }
0x52: {  	_ =	shalt  }
0x53: {  	_ =	shalt  }
0x54: {  	_ =	shalt  }
0x55: {  	_ =	shalt  }
0x56: {  	_ =	shalt  }
0x57: {  	_ =	shalt  }
0x58: {  	_ =	shalt  }
0x59: {  	_ =	shalt  }
0x5a: {  	_ =	shalt  }
0x5b: {  	_ =	shalt  }
0x5c: {  	_ =	shalt  }
0x5d: {  	_ =	shalt  }
0x5e: {  	_ =	shalt  }
0x5f: {  	_ =	shalt  }
0x60: {  	_ =	shalt  }
0x61: {  	_ =	shalt  }
0x62: {  	_ =	shalt  }
0x63: {  	_ =	shalt  }
0x64: {  	_ =	shalt  }
0x65: {  	_ =	shalt  }
0x66: {  	_ =	shalt  }
0x67: {  	_ =	shalt  }
0x68: {  	_ =	shalt  }
0x69: {  	_ =	shalt  }
0x6a: {  	_ =	shalt  }
0x6b: {  	_ =	shalt  }
0x6c: {  	_ =	shalt  }
0x6d: {  	_ =	shalt  }
0x6e: {  	_ =	shalt  }
0x6f: {  	_ =	shalt  }
0x70: {  	_ =	shalt  }
0x71: {  	_ =	shalt  }
0x72: {  	_ =	shalt  }
0x73: {  	_ =	shalt  }
0x74: {  	_ =	shalt  }
0x75: {  	_ =	shalt  }
0x76: {  	_ =	shalt  }
0x77: {  	_ =	shalt  }
0x78: {  	_ =	shalt  }
0x79: {  	_ =	shalt  }
0x7a: {  	_ =	shalt  }
0x7b: {  	_ =	shalt  }
0x7c: {  	_ =	shalt  }
0x7d: {  	_ =	shalt  }
0x7e: {  	_ =	shalt  }
0x7f: {  	_ =	shalt  }
0x80: {  	_ =	shalt  }
0x81: {  	_ =	shalt  }
0x82: {  	_ =	shalt  }
0x83: {  	_ =	shalt  }
0x84: {  	_ =	shalt  }
0x85: {  	_ =	shalt  }
0x86: {  	_ =	shalt  }
0x87: {  	_ =	shalt  }
.Lfunc_end0:
.L_simem_size_0:
called_computation_lowered:
.L_overlay_start_0:
0x88: {  	s2 =	sld [smem:$0x3FD9]  }
0x89: {  	s3 =	sld [smem:$0x3FFE];
	_ =	sdelay $0x1  }
0x8a: {  	s1 =	srdreg.scid  }
0x8b: {  	s0 =	sand.u32 $0x1, s1  }
0x8c: {  	s17 =	sshll.u32 s0, $0xA;
	s2 =	sadd.s32 s3, s2  }
0x8d: {  	s2 =	sadd.s32 s2, s17  }
0x8e: {  	[smem:$0x3FC6] =	sst s2  }
0x8f: {  	_ = 	snop  }
0x90: {  	s2 =	sld [smem:$0x3FC9]  }
0x91: {  	s18 =	sld [smem:$0x3FC8]  }
0x92: {  	s4 =	sld [smem:$0x3FD0];
	(tm) =	ssettm $0x1  }
0x93: {  	s5 =	sld [smem:$0x3FFB];
	_ =	sdelay $0x3  }
0x94: {  	_ =	strace s5  }
0x95: {  	s5 =	sld [smem:$0x3FFC];
	_ =	sdelay $0x3  }
0x96: {  	_ =	strace s5  }
0x97: {  	s5 =	sld [smem:$0x3FFD];
	_ =	sdelay $0x3  }
0x98: {  	_ =	strace s5  }
0x99: {  	_ =	strace $0x8FFFFFFF  }
0x9a: {  	s19 =	sld [smem:$0x3FDB];
	_ =	sdelay $0x1  }
0x9b: {  	s6 =	simm.s32 $_scs_section_size  }
0x9c: {  	s7 =	simm.s32 $_size__tile_overlayer_lowered;
	s8 =	simm.s32 $_tile_overlayer_lowered  }
0x9d: {  	s22 =	simm.s32 $0x1BFF;
	s21 =	sshll.u32 s8, $0x1;
	s5 =	sadd.s32 s6, s19  }
0x9e: {  	s9 =	simm.s32 $0x0;
	s20 =	sshll.u32 s7, $0x1;
	s7 =	sadd.s32 s21, s5  }
0x9f: {  	[timem:s9], [sflag:s22] =	dma.local [hbm:s7], s20  }
0xa0: {  	_ =	swait.ge [sflag:s22], s20  }
0xa1: {  	s6 =	ssub.s32 $0x0, s20;
	[sflag:s22] =	ssyncset.done $0x0  }
0xa2: {  	[sflag:s22] =	ssyncadd.s32 s6;
	_ =	sdelay $0x1  }
0xa3: {  	s23 =	simm.s32 $0x1B8B  }
0xa4: {  	_ =	swait.ge [sflag:s23], $0x1  }
0xa5: {  	[sflag:s23] =	ssyncset.done $0x0  }
0xa6: {  	s25 =	simm.s32 $0x1B8E;
	s24 =	sld [smem:$0x3FFE];
	[sflag:s23] =	ssyncadd.s32 $0xFFFFFFFF  }
0xa7: {  	s26 =	simm.s32 $execute0_lowered;
	[smem:$0x3FD2] =	sst s25  }
0xa8: {  	s7 =	sshll.u32 s26, $0x1;
	_ =	strace $0x80000046;
	[dreg:$0x1] =	wrdreg $0xFFFFFFFF  }
0xa9: {  	s28 =	simm.s32 $_size_execute0_lowered;
	s5 =	sadd.s32 s5, s7;
	[dreg:$0x0] =	wrdreg $0x0  }
0xaa: {  	s7 =	sshll.u32 s28, $0x1;
	[dreg:$0x2] =	wrdreg s5  }
0xab: {  	[dreg:$0x3] =	wrdreg s7  }
0xac: {  	[dreg:$0x4] =	wrdreg $0xC0  }
0xad: {  	_ =	task [dreg:s9], $0x5FFFF  }
0xae: {  	[dreg:$0x1] =	wrdreg $0xFFFFFFFF  }
0xaf: {  	[dreg:$0x0] =	wrdreg $0x60  }
0xb0: {  	[dreg:$0x2] =	wrdreg s2  }
0xb1: {  	[dreg:$0x3] =	wrdreg s24  }
0xb2: {  	[dreg:$0x4] =	wrdreg s18  }
0xb3: {  	[dreg:$0x5] =	wrdreg s4  }
0xb4: {  	[dreg:$0x6] =	wrdreg $0x9  }
0xb5: {  	_ =	task.clear_ibuf [dreg:s9], $0x7FFFF;
	_ =	strace $0x90000046  }
0xb6: {  	s29 =	simm.s32 $0x9;
	_ =	strace $0x80000048  }
0xb7: {  	_ =	swait.ge [sflag:s29], $0x1  }
0xb8: {  	[sflag:s29] =	ssyncadd.s32 $0xFFFFFFFF  }
0xb9: {  	_ =	strace $0x90000048  }
0xba: {  	_ =	sfence  }
0xbb: {  	s30 =	sld [smem:$0x0];
	_ =	sdelay $0x2  }
0xbc: {  	s31 =	sshll.u32 s1, $0xD;
	s1 =	sshrl.u32 s1, $0x2  }
0xbd: {  	s3 =	sand.u32 $0x4000, s31;
	s1 =	sadd.s32 s1, s30  }
0xbe: {  	s0 =	sor.u32 s3, s0;
	s1 =	sshll.u32 s1, $0x11  }
0xbf: {  	s0 =	sor.u32 s1, s0  }
0xc0: {  	s0 =	sadd.s32 $0x8F2B, s0  }
0xc1: {  	[sflag:s0] =	ssyncadd.remote.s32 $0x1  }
0xc2: {  	_ =	sfence.sel $0xFFFF  }
0xc3: {  	[dreg:$0x0] =	wrdreg $0xFFFFFFFF;
	(pc) =	sbr.abs _section_cstart, $3  }
0xc4: {  	[dreg:$0x1] =	wrdreg $0xFFFFFFFF  }
0xc5: {  	_ =	task.clear_ibuf [dreg:s9], $0x2FFFF;
	_ =	strace $0x9FFFFFFF  }
0xc6: {  	(tm) =	ssettm $0x7FFFFFFF  }
0xc7: {  	_ =	shalt  }
tec
execute0_lowered:
.L_overlay_start_1:
0x0: {  	(tag) =	ssettag $0x1  }
0x1: {  	s0 =	rddreg [dreg:$0x0]  }
0x2: {  	s1 =	rddreg [dreg:$0x1]  }
0x3: {  	s2 =	rddreg [dreg:$0x2]  }
0x4: {  	s4 =	rddreg [dreg:$0x3];
	s3 =	srdreg.scid  }
0x5: {  	s6 =	stileid.u32;
	s29 =	simm.s32 $0x4;
	s5 =	sand.u32 $0x1, s3  }
0x6: {  	s3 =	simm.s32 $0x0;
	s6 =	sshll.u32 s6, $0x7;
	s7 =	sshll.u32 s5, $0x6  }
0x7: {  	s1 =	sadd.s32 $0xE00, s1;
	s5 =	ssub.s32 $0x2, s5;
	s6 =	sor.u32 s7, s6  }
0x8: {  	[smem:$0x7FF] =	sst s3;
	s10 =	sshrl.u32 s5, $0x1;
	s24 =	sshll.u32 s6, $0x7  }
0x9: {  	_ =	strace $0x80000047;
	s5 =	ssub.s32 s5, s10;
	s25 =	sadd.s32 s1, s24  }
0xa: {  	s8 =	sshll.u32 s6, $0x2;
	s20 =	smax.u32 s5, $0x1;
	[dreg:$0xa] =	wrdreg s25  }
0xb: {  	s6 =	sor.u32 $0x800, s24;
	s11 =	sadd.s32 s4, s24;
	[dreg:$0x17] =	wrdreg s20  }
0xc: {  	s30 =	simm.s32 $0x18100;
	s26 =	sadd.s32 s1, s6;
	[dreg:$0x9] =	wrdreg s11  }
0xd: {  	s28 =	simm.s32 $0x6;
	s12 =	sadd.s32 $0x40000, s11;
	[dreg:$0xb] =	wrdreg s26  }
0xe: {  	s31 =	simm.s32 $0x9;
	s13 =	sadd.s32 $0x80000, s11;
	[dreg:$0xc] =	wrdreg s12  }
0xf: {  	s10 =	sadd.s32 $0x300, s2;
	s14 =	sadd.s32 $0xC0000, s11;
	[dreg:$0xd] =	wrdreg s13  }
0x10: {  	s9 =	sand.u32 $0x1E00, s8;
	s6 =	sadd.s32 s4, s6;
	[dreg:$0xe] =	wrdreg s14  }
0x11: {  	s15 =	sor.u32 $0x1000, s24;
	s16 =	sadd.s32 $0x40800, s11;
	[dreg:$0x10] =	wrdreg s6  }
0x12: {  	s5 =	simm.s32 $0x8100;
	s17 =	sadd.s32 $0x80800, s11;
	[dreg:$0x11] =	wrdreg s16  }
0x13: {  	s9 =	sor.u32 s7, s9;
	s18 =	sadd.s32 s4, s15;
	[dreg:$0x12] =	wrdreg s17  }
0x14: {  	s7 =	sor.u32 s7, s8;
	s19 =	sadd.s32 $0xC0800, s11;
	[dreg:$0x14] =	wrdreg s18  }
0x15: {  	s21 =	sadd.s32 $0x41000, s11;
	s25 =	sadd.s32 $0x81800, s11;
	[dreg:$0x16] =	wrdreg s19  }
0x16: {  	s20 =	simm.s32 $0xA;
	s22 =	sshrl.u32 s9, $0x3;
	[dreg:$0x18] =	wrdreg s21  }
0x17: {  	s7 =	sshrl.u32 s7, $0x3;
	s12 =	sadd.s32 s1, s15;
	[dreg:$0x1c] =	wrdreg s25  }
0x18: {  	s26 =	sadd.s32 $0xC1800, s11;
	s17 =	simm.s32 $0xC100;
	s25 =	simm.s32 $0x10100  }
0x19: {  	s18 =	simm.s32 $0x3;
	s19 =	simm.s32 $0x14100;
	[dreg:$0xf] =	wrdreg s12  }
0x1a: {  	s21 =	simm.s32 $0xB;
	s9 =	sadd.s32 s0, s22;
	[dreg:$0x1d] =	wrdreg s26  }
0x1b: {  	s23 =	sor.u32 $0x20, s7;
	s22 =	sadd.s32 $0x81000, s11;
	[dreg:$0x5] =	wrdreg s9  }
0x1c: {  	s7 =	sor.u32 $0x30, s7;
	s9 =	sadd.s32 $0x10, s9;
	[dreg:$0x19] =	wrdreg s22  }
0x1d: {  	s26 =	simm.s32 $0x8;
	s8 =	sadd.s32 s0, s23;
	[dreg:$0x6] =	wrdreg s9  }
0x1e: {  	s0 =	sadd.s32 s0, s7;
	s23 =	sadd.s32 $0xC1000, s11;
	[dreg:$0x7] =	wrdreg s8  }
0x1f: {  	s22 =	simm.s32 $0xC;
	[dreg:$0x8] =	wrdreg s0;
	s8 =	sadd.s32 $0x100, s2  }
0x20: {  	s9 =	sadd.s32 $0x200, s2;
	s0 =	sor.u32 $0x1800, s24;
	[dreg:$0x1a] =	wrdreg s23  }
0x21: {  	s24 =	sadd.s32 $0x41800, s11;
	s11 =	simm.s32 $0x1;
	s23 =	simm.s32 $0x0  }
0x22: {  	v2 =	vlaneseq.u32;
	s1 =	sadd.s32 s1, s0;
	s0 =	sadd.s32 s4, s0;
	[dreg:$0x1b] =	wrdreg s24  }
0x23: {  	vm0 =	vmmov $0xffff;
	v1 =	vshrl.u32 v2, $0x3;
	s24 =	simm.s32 $0x5;
	s4 =	simm.s32 $0x7;
	[dreg:$0x13] =	wrdreg s1  }
0x24: {  	v0 =	vand.u32 $0x7, v2;
	v2 =	vor.u32 $0x8, v2;
	v1 =	vmul.u32 $0x8, v1;
	[dreg:$0x15] =	wrdreg s0;
	s1 =	simm.s32 $0xD;
	s0 =	simm.s32 $0x2  }
.LBB2_1:
0x25: {  	s6 =	rddreg [dreg:$0x5]  }
0x26: {  	[tilespmem:s3], [sflag:$0xD] =	stream.linear.gather [hbm4b:s6+s3], $0x40, $0x38;
	[tilespmem:$0x1C100] =	vst v63  }
0x27: {  	_ =	swait.ge [sflag:s1], $0x40  }
0x28: {  	[sflag:s1] =	ssyncset.done $0x0  }
0x29: {  	s7 =	simm.s32 $0x40;
	s12 =	rddreg [dreg:$0x6];
	[sflag:s1] =	ssyncadd.s32 $0xFFFFFFC0  }
0x2a: {  	[tilespmem:s7], [sflag:$0xD] =	stream.linear.gather [hbm4b:s12+s3], $0x40, $0x38;
	[tilespmem:$0x1C100] =	vst v63  }
0x2b: {  	_ =	swait.ge [sflag:s1], $0x40  }
0x2c: {  	[sflag:s1] =	ssyncset.done $0x0  }
0x2d: {  	s14 =	simm.s32 $0x80;
	s13 =	rddreg [dreg:$0x7];
	[sflag:s1] =	ssyncadd.s32 $0xFFFFFFC0  }
0x2e: {  	[tilespmem:s14], [sflag:$0xD] =	stream.linear.gather [hbm4b:s13+s3], $0x40, $0x38;
	[tilespmem:$0x1C100] =	vst v63  }
0x2f: {  	_ =	swait.ge [sflag:s1], $0x40  }
0x30: {  	[sflag:s1] =	ssyncset.done $0x0  }
0x31: {  	s16 =	simm.s32 $0xC0;
	s15 =	rddreg [dreg:$0x8];
	[sflag:s1] =	ssyncadd.s32 $0xFFFFFFC0  }
0x32: {  	[tilespmem:s16], [sflag:$0xD] =	stream.linear.gather [hbm4b:s15+s3], $0x40, $0x38;
	[tilespmem:$0x1C100] =	vst v63  }
0x33: {  	_ =	swait.ge [sflag:s1], $0x40  }
0x34: {  	[sflag:s1] =	ssyncset.done $0x0  }
0x35: {  	[sflag:s1] =	ssyncadd.s32 $0xFFFFFFC0  }
0x36: {  	v3 =	vld [tilespmem:$0x0];
	_ =	sdelay $0x4  }
0x37: {  	v4 =	vshll.u32 v3, $0x3  }
0x38: {  	v3 =	vand.u32 $0x7, v3;
	v4 =	vand.u32 $0xFFFFFFC0, v4  }
0x39: {  	v3 =	vor.u32 v3, v4  }
0x3a: {  	v4 =	vperm.xlane v3, v0;
	_ =	sdelay $0x1  }
0x3b: {  	v4 =	vadd.s32 v1, v4;
	_ =	sdelay $0x4  }
0x3c: {  	[tilespmem:s5], [sflag:$0x3] =	stream.indirect_vreg.gather [hbm4b:s2+s3], $0x80, v4, vm0, $0xb8;
	[tilespmem:$0x1C100] =	vst v63  }
0x3d: {  	s12 =	simm.s32 $0x8900;
	v3 =	vperm.xlane v3, v2  }
0x3e: {  	[tilespmem:s12], [sflag:$0x3] =	stream.indirect_vreg.gather [hbm4b:s8+s3], $0x80, v4, vm0, $0xb8;
	[tilespmem:$0x1C100] =	vst v63  }
0x3f: {  	s13 =	simm.s32 $0x9100;
	v3 =	vadd.s32 v1, v3  }
0x40: {  	[tilespmem:s13], [sflag:$0x3] =	stream.indirect_vreg.gather [hbm4b:s9+s3], $0x80, v4, vm0, $0xb8;
	[tilespmem:$0x1C100] =	vst v63  }
0x41: {  	s14 =	simm.s32 $0x9900  }
0x42: {  	[tilespmem:s14], [sflag:$0x3] =	stream.indirect_vreg.gather [hbm4b:s10+s3], $0x80, v4, vm0, $0xb8;
	[tilespmem:$0x1C100] =	vst v63  }
0x43: {  	s15 =	simm.s32 $0xA100  }
0x44: {  	[tilespmem:s15], [sflag:$0x3] =	stream.indirect_vreg.gather [hbm4b:s2+s3], $0x80, v3, vm0, $0xb8;
	[tilespmem:$0x1C100] =	vst v63  }
0x45: {  	s16 =	simm.s32 $0xA900  }
0x46: {  	[tilespmem:s16], [sflag:$0x3] =	stream.indirect_vreg.gather [hbm4b:s8+s3], $0x80, v3, vm0, $0xb8;
	[tilespmem:$0x1C100] =	vst v63  }
0x47: {  	s7 =	simm.s32 $0xB100  }
0x48: {  	[tilespmem:s7], [sflag:$0x3] =	stream.indirect_vreg.gather [hbm4b:s9+s3], $0x80, v3, vm0, $0xb8;
	[tilespmem:$0x1C100] =	vst v63  }
0x49: {  	s12 =	simm.s32 $0xB900  }
0x4a: {  	[tilespmem:s12], [sflag:$0x3] =	stream.indirect_vreg.gather [hbm4b:s10+s3], $0x80, v3, vm0, $0xb8;
	[tilespmem:$0x1C100] =	vst v63  }
0x4b: {  	v3 =	vld [tilespmem:$0x40];
	_ =	sdelay $0x4  }
0x4c: {  	v4 =	vshll.u32 v3, $0x3  }
0x4d: {  	v3 =	vand.u32 $0x7, v3;
	v4 =	vand.u32 $0xFFFFFFC0, v4  }
0x4e: {  	v3 =	vor.u32 v3, v4  }
0x4f: {  	v4 =	vperm.xlane v3, v0;
	_ =	sdelay $0x1  }
0x50: {  	v4 =	vadd.s32 v1, v4;
	_ =	sdelay $0x4  }
0x51: {  	[tilespmem:s17], [sflag:$0x4] =	stream.indirect_vreg.gather [hbm4b:s2+s3], $0x80, v4, vm0, $0xb8;
	[tilespmem:$0x1C100] =	vst v63  }
0x52: {  	s13 =	simm.s32 $0xC900;
	v3 =	vperm.xlane v3, v2  }
0x53: {  	[tilespmem:s13], [sflag:$0x4] =	stream.indirect_vreg.gather [hbm4b:s8+s3], $0x80, v4, vm0, $0xb8;
	[tilespmem:$0x1C100] =	vst v63  }
0x54: {  	s14 =	simm.s32 $0xD100;
	v3 =	vadd.s32 v1, v3  }
0x55: {  	[tilespmem:s14], [sflag:$0x4] =	stream.indirect_vreg.gather [hbm4b:s9+s3], $0x80, v4, vm0, $0xb8;
	[tilespmem:$0x1C100] =	vst v63  }
0x56: {  	s15 =	simm.s32 $0xD900  }
0x57: {  	[tilespmem:s15], [sflag:$0x4] =	stream.indirect_vreg.gather [hbm4b:s10+s3], $0x80, v4, vm0, $0xb8;
	[tilespmem:$0x1C100] =	vst v63  }
0x58: {  	s16 =	simm.s32 $0xE100  }
0x59: {  	[tilespmem:s16], [sflag:$0x4] =	stream.indirect_vreg.gather [hbm4b:s2+s3], $0x80, v3, vm0, $0xb8;
	[tilespmem:$0x1C100] =	vst v63  }
0x5a: {  	s7 =	simm.s32 $0xE900  }
0x5b: {  	[tilespmem:s7], [sflag:$0x4] =	stream.indirect_vreg.gather [hbm4b:s8+s3], $0x80, v3, vm0, $0xb8;
	[tilespmem:$0x1C100] =	vst v63  }
0x5c: {  	s12 =	simm.s32 $0xF100  }
0x5d: {  	[tilespmem:s12], [sflag:$0x4] =	stream.indirect_vreg.gather [hbm4b:s9+s3], $0x80, v3, vm0, $0xb8;
	[tilespmem:$0x1C100] =	vst v63  }
0x5e: {  	s13 =	simm.s32 $0xF900  }
0x5f: {  	[tilespmem:s13], [sflag:$0x4] =	stream.indirect_vreg.gather [hbm4b:s10+s3], $0x80, v3, vm0, $0xb8;
	[tilespmem:$0x1C100] =	vst v63  }
0x60: {  	v3 =	vld [tilespmem:$0x80];
	_ =	sdelay $0x4  }
0x61: {  	v4 =	vshll.u32 v3, $0x3  }
0x62: {  	v3 =	vand.u32 $0x7, v3;
	v4 =	vand.u32 $0xFFFFFFC0, v4  }
0x63: {  	v3 =	vor.u32 v3, v4  }
0x64: {  	v4 =	vperm.xlane v3, v0;
	_ =	sdelay $0x1  }
0x65: {  	v4 =	vadd.s32 v1, v4;
	_ =	sdelay $0x4  }
0x66: {  	[tilespmem:s25], [sflag:$0x5] =	stream.indirect_vreg.gather [hbm4b:s2+s3], $0x80, v4, vm0, $0xb8;
	[tilespmem:$0x1C100] =	vst v63  }
0x67: {  	s14 =	simm.s32 $0x10900;
	v3 =	vperm.xlane v3, v2  }
0x68: {  	[tilespmem:s14], [sflag:$0x5] =	stream.indirect_vreg.gather [hbm4b:s8+s3], $0x80, v4, vm0, $0xb8;
	[tilespmem:$0x1C100] =	vst v63  }
0x69: {  	s15 =	simm.s32 $0x11100;
	v3 =	vadd.s32 v1, v3  }
0x6a: {  	[tilespmem:s15], [sflag:$0x5] =	stream.indirect_vreg.gather [hbm4b:s9+s3], $0x80, v4, vm0, $0xb8;
	[tilespmem:$0x1C100] =	vst v63  }
0x6b: {  	s16 =	simm.s32 $0x11900  }
0x6c: {  	[tilespmem:s16], [sflag:$0x5] =	stream.indirect_vreg.gather [hbm4b:s10+s3], $0x80, v4, vm0, $0xb8;
	[tilespmem:$0x1C100] =	vst v63  }
0x6d: {  	s7 =	simm.s32 $0x12100  }
0x6e: {  	[tilespmem:s7], [sflag:$0x5] =	stream.indirect_vreg.gather [hbm4b:s2+s3], $0x80, v3, vm0, $0xb8;
	[tilespmem:$0x1C100] =	vst v63  }
0x6f: {  	s12 =	simm.s32 $0x12900  }
0x70: {  	[tilespmem:s12], [sflag:$0x5] =	stream.indirect_vreg.gather [hbm4b:s8+s3], $0x80, v3, vm0, $0xb8;
	[tilespmem:$0x1C100] =	vst v63  }
0x71: {  	s13 =	simm.s32 $0x13100  }
0x72: {  	[tilespmem:s13], [sflag:$0x5] =	stream.indirect_vreg.gather [hbm4b:s9+s3], $0x80, v3, vm0, $0xb8;
	[tilespmem:$0x1C100] =	vst v63  }
0x73: {  	s14 =	simm.s32 $0x13900  }
0x74: {  	[tilespmem:s14], [sflag:$0x5] =	stream.indirect_vreg.gather [hbm4b:s10+s3], $0x80, v3, vm0, $0xb8;
	[tilespmem:$0x1C100] =	vst v63  }
0x75: {  	s15 =	rddreg [dreg:$0xa];
	s16 =	simm.s32 $0x100  }
0x76: {  	[tilespmem:s16], [sflag:$0x1] =	stream.linear.gather [hbm4b:s15+s3], $0x4000, $0x38;
	[tilespmem:$0x1C100] =	vst v63  }
0x77: {  	s12 =	rddreg [dreg:$0xb];
	s13 =	simm.s32 $0x4100  }
0x78: {  	[tilespmem:s13], [sflag:$0x2] =	stream.linear.gather [hbm4b:s12+s3], $0x4000, $0x38;
	[tilespmem:$0x1C100] =	vst v63  }
0x79: {  	_ =	swait.ge [sflag:s11], $0x4000  }
0x7a: {  	[sflag:s11] =	ssyncset.done $0x0  }
0x7b: {  	[sflag:s11] =	ssyncadd.s32 $0xFFFFC000  }
0x7c: {  	s14 =	sand.u32 $0x2000, s3;
	s15 =	sand.u32 $0x1C00, s3;
	_ =	swait.ge [sflag:s18], $0x4000  }
0x7d: {  	s16 =	sand.u32 $0x380, s3;
	s6 =	sor.u32 s15, s14;
	[sflag:s18] =	ssyncset.done $0x0  }
0x7e: {  	s6 =	sor.u32 s16, s6;
	[sflag:s18] =	ssyncadd.s32 $0xFFFFC000  }
0x7f: {  	v3 =	vld [tilespmem:s6+$0x170]  }
0x80: {  	v6 =	vld [tilespmem:s6+$0x100]  }
0x81: {  	v7 =	vld [tilespmem:s6+$0x110]  }
0x82: {  	v8 =	vld [tilespmem:s6+$0x120]  }
0x83: {  	v9 =	vld [tilespmem:s6+$0x130]  }
0x84: {  	v5 =	vld [tilespmem:s6+$0x140]  }
0x85: {  	v4 =	vld [tilespmem:s6+$0x160]  }
0x86: {  	[tilespmem:s6+$0x8170] =	vst.add.f32.msk $0xffff, v3  }
0x87: {  	v3 =	vld [tilespmem:s6+$0x150]  }
0x88: {  	[tilespmem:s6+$0x8100] =	vst.add.f32.msk $0xffff, v6  }
0x89: {  	[tilespmem:s6+$0x8110] =	vst.add.f32.msk $0xffff, v7  }
0x8a: {  	s7 =	simm.s32 $0x0;
	[tilespmem:s6+$0x8120] =	vst.add.f32.msk $0xffff, v8  }
0x8b: {  	s14 =	simm.s32 $0x400;
	s12 =	simm.s32 $0x10;
	s13 =	simm.s32 $0x80;
	[tilespmem:s6+$0x8130] =	vst.add.f32.msk $0xffff, v9  }
.LBB2_2:
0x8c: {  	s15 =	sand.u32 $0x2000, s13;
	s16 =	sand.u32 $0x1C00, s14;
	s7 =	sadd.s32 $0x4, s7;
	[tilespmem:s6+$0x8140] =	vst.add.f32.msk $0xffff, v5  }
0x8d: {  	s15 =	sor.u32 s16, s15;
	s16 =	sand.u32 $0x380, s12;
	p0 =	slt.u32 s7, $0x1FC;
	[tilespmem:s6+$0x8150] =	vst.add.f32.msk $0xffff, v3  }
0x8e: {  	[tilespmem:s6+$0x8160] =	vst.add.f32.msk $0xffff, v4;
	s6 =	sor.u32 s16, s15  }
0x8f: {  	v3 =	vld [tilespmem:s6+$0x170]  }
0x90: {  	v6 =	vld [tilespmem:s6+$0x100]  }
0x91: {  	v7 =	vld [tilespmem:s6+$0x110]  }
0x92: {  	v8 =	vld [tilespmem:s6+$0x120]  }
0x93: {  	v9 =	vld [tilespmem:s6+$0x130]  }
0x94: {  	[tilespmem:s6+$0x8170] =	vst.add.f32.msk $0xffff, v3  }
0x95: {  	v5 =	vld [tilespmem:s6+$0x140]  }
0x96: {  	v3 =	vld [tilespmem:s6+$0x150]  }
.Ltmp0:
0x97: {  	v4 =	vld [tilespmem:s6+$0x160];
	(pc) =	sbr.rel @p0 .LBB2_2-.Ltmp0, $4  }
0x98: {  	[tilespmem:s6+$0x8100] =	vst.add.f32.msk $0xffff, v6  }
0x99: {  	[tilespmem:s6+$0x8110] =	vst.add.f32.msk $0xffff, v7  }
0x9a: {  	[tilespmem:s6+$0x8120] =	vst.add.f32.msk $0xffff, v8  }
0x9b: {  	s13 =	sadd.s32 $0x80, s13;
	s14 =	sadd.s32 $0x400, s14;
	s12 =	sadd.s32 $0x10, s12;
	[tilespmem:s6+$0x8130] =	vst.add.f32.msk $0xffff, v9  }
0x9c: {  	[tilespmem:s6+$0x8140] =	vst.add.f32.msk $0xffff, v5  }
0x9d: {  	[tilespmem:s6+$0x8150] =	vst.add.f32.msk $0xffff, v3  }
0x9e: {  	[tilespmem:s6+$0x8160] =	vst.add.f32.msk $0xffff, v4  }
0x9f: {  	s6 =	simm.s32 $0x0;
	s7 =	rddreg [dreg:$0x9]  }
0xa0: {  	[hbm4b:s7+s6] =	stream.linear.scatter [tilespmem:s5], [sflag:$0x8], $0x4000, $0x38;
	[tilespmem:$0x1C100] =	vst v63  }
0xa1: {  	v3 =	vld [tilespmem:$0xC0];
	_ =	sdelay $0x4  }
0xa2: {  	v4 =	vshll.u32 v3, $0x3  }
0xa3: {  	v3 =	vand.u32 $0x7, v3;
	v4 =	vand.u32 $0xFFFFFFC0, v4  }
0xa4: {  	v3 =	vor.u32 v3, v4  }
0xa5: {  	v4 =	vperm.xlane v3, v0;
	_ =	sdelay $0x1  }
0xa6: {  	v4 =	vadd.s32 v1, v4;
	_ =	sdelay $0x4  }
0xa7: {  	[tilespmem:s19], [sflag:$0x6] =	stream.indirect_vreg.gather [hbm4b:s2+s6], $0x80, v4, vm0, $0xb8;
	[tilespmem:$0x1C100] =	vst v63  }
0xa8: {  	s14 =	simm.s32 $0x14900;
	v3 =	vperm.xlane v3, v2  }
0xa9: {  	[tilespmem:s14], [sflag:$0x6] =	stream.indirect_vreg.gather [hbm4b:s8+s6], $0x80, v4, vm0, $0xb8;
	[tilespmem:$0x1C100] =	vst v63  }
0xaa: {  	s15 =	simm.s32 $0x15100;
	v3 =	vadd.s32 v1, v3  }
0xab: {  	[tilespmem:s15], [sflag:$0x6] =	stream.indirect_vreg.gather [hbm4b:s9+s6], $0x80, v4, vm0, $0xb8;
	[tilespmem:$0x1C100] =	vst v63  }
0xac: {  	s16 =	simm.s32 $0x15900  }
0xad: {  	[tilespmem:s16], [sflag:$0x6] =	stream.indirect_vreg.gather [hbm4b:s10+s6], $0x80, v4, vm0, $0xb8;
	[tilespmem:$0x1C100] =	vst v63  }
0xae: {  	s12 =	simm.s32 $0x16100  }
0xaf: {  	[tilespmem:s12], [sflag:$0x6] =	stream.indirect_vreg.gather [hbm4b:s2+s6], $0x80, v3, vm0, $0xb8;
	[tilespmem:$0x1C100] =	vst v63  }
0xb0: {  	s13 =	simm.s32 $0x16900  }
0xb1: {  	[tilespmem:s13], [sflag:$0x6] =	stream.indirect_vreg.gather [hbm4b:s8+s6], $0x80, v3, vm0, $0xb8;
	[tilespmem:$0x1C100] =	vst v63  }
0xb2: {  	s14 =	simm.s32 $0x17100  }
0xb3: {  	[tilespmem:s14], [sflag:$0x6] =	stream.indirect_vreg.gather [hbm4b:s9+s6], $0x80, v3, vm0, $0xb8;
	[tilespmem:$0x1C100] =	vst v63  }
0xb4: {  	s15 =	simm.s32 $0x17900  }
0xb5: {  	[tilespmem:s15], [sflag:$0x6] =	stream.indirect_vreg.gather [hbm4b:s10+s6], $0x80, v3, vm0, $0xb8;
	[tilespmem:$0x1C100] =	vst v63  }
0xb6: {  	s16 =	sand.u32 $0x2000, s6;
	s12 =	sand.u32 $0x1C00, s6;
	_ =	swait.ge [sflag:s29], $0x4000  }
0xb7: {  	s7 =	sor.u32 s12, s16;
	s6 =	sand.u32 $0x380, s6;
	[sflag:s29] =	ssyncset.done $0x0  }
0xb8: {  	s6 =	sor.u32 s6, s7;
	[sflag:s29] =	ssyncadd.s32 $0xFFFFC000  }
0xb9: {  	v3 =	vld [tilespmem:s6+$0x170]  }
0xba: {  	v6 =	vld [tilespmem:s6+$0x100]  }
0xbb: {  	v7 =	vld [tilespmem:s6+$0x110]  }
0xbc: {  	v8 =	vld [tilespmem:s6+$0x120]  }
0xbd: {  	v9 =	vld [tilespmem:s6+$0x130]  }
0xbe: {  	v5 =	vld [tilespmem:s6+$0x140]  }
0xbf: {  	v4 =	vld [tilespmem:s6+$0x160]  }
0xc0: {  	[tilespmem:s6+$0xC170] =	vst.add.f32.msk $0xffff, v3  }
0xc1: {  	v3 =	vld [tilespmem:s6+$0x150]  }
0xc2: {  	[tilespmem:s6+$0xC100] =	vst.add.f32.msk $0xffff, v6  }
0xc3: {  	[tilespmem:s6+$0xC110] =	vst.add.f32.msk $0xffff, v7  }
0xc4: {  	s12 =	simm.s32 $0x10;
	[tilespmem:s6+$0xC120] =	vst.add.f32.msk $0xffff, v8  }
0xc5: {  	s13 =	simm.s32 $0x80;
	s14 =	simm.s32 $0x400;
	s7 =	simm.s32 $0x0;
	[tilespmem:s6+$0xC130] =	vst.add.f32.msk $0xffff, v9  }
.LBB2_4:
0xc6: {  	s15 =	sand.u32 $0x2000, s13;
	s16 =	sand.u32 $0x1C00, s14;
	s7 =	sadd.s32 $0x4, s7;
	[tilespmem:s6+$0xC140] =	vst.add.f32.msk $0xffff, v5  }
0xc7: {  	s15 =	sor.u32 s16, s15;
	s16 =	sand.u32 $0x380, s12;
	p0 =	slt.u32 s7, $0x1FC;
	[tilespmem:s6+$0xC150] =	vst.add.f32.msk $0xffff, v3  }
0xc8: {  	[tilespmem:s6+$0xC160] =	vst.add.f32.msk $0xffff, v4;
	s6 =	sor.u32 s16, s15  }
0xc9: {  	v3 =	vld [tilespmem:s6+$0x170]  }
0xca: {  	v6 =	vld [tilespmem:s6+$0x100]  }
0xcb: {  	v7 =	vld [tilespmem:s6+$0x110]  }
0xcc: {  	v8 =	vld [tilespmem:s6+$0x120]  }
0xcd: {  	v9 =	vld [tilespmem:s6+$0x130]  }
0xce: {  	[tilespmem:s6+$0xC170] =	vst.add.f32.msk $0xffff, v3  }
0xcf: {  	v5 =	vld [tilespmem:s6+$0x140]  }
0xd0: {  	v3 =	vld [tilespmem:s6+$0x150]  }
.Ltmp1:
0xd1: {  	v4 =	vld [tilespmem:s6+$0x160];
	(pc) =	sbr.rel @p0 .LBB2_4-.Ltmp1, $4  }
0xd2: {  	[tilespmem:s6+$0xC100] =	vst.add.f32.msk $0xffff, v6  }
0xd3: {  	[tilespmem:s6+$0xC110] =	vst.add.f32.msk $0xffff, v7  }
0xd4: {  	[tilespmem:s6+$0xC120] =	vst.add.f32.msk $0xffff, v8  }
0xd5: {  	s13 =	sadd.s32 $0x80, s13;
	s14 =	sadd.s32 $0x400, s14;
	s12 =	sadd.s32 $0x10, s12;
	[tilespmem:s6+$0xC130] =	vst.add.f32.msk $0xffff, v9  }
0xd6: {  	[tilespmem:s6+$0xC140] =	vst.add.f32.msk $0xffff, v5  }
0xd7: {  	[tilespmem:s6+$0xC150] =	vst.add.f32.msk $0xffff, v3  }
0xd8: {  	[tilespmem:s6+$0xC160] =	vst.add.f32.msk $0xffff, v4  }
0xd9: {  	s6 =	simm.s32 $0x0;
	s7 =	rddreg [dreg:$0xc]  }
0xda: {  	[hbm4b:s7+s6] =	stream.linear.scatter [tilespmem:s17], [sflag:$0x9], $0x4000, $0x38;
	[tilespmem:$0x1C100] =	vst v63  }
0xdb: {  	v3 =	vld [tilespmem:$0x10];
	_ =	sdelay $0x4  }
0xdc: {  	v4 =	vshll.u32 v3, $0x3  }
0xdd: {  	v3 =	vand.u32 $0x7, v3;
	v4 =	vand.u32 $0xFFFFFFC0, v4  }
0xde: {  	v3 =	vor.u32 v3, v4  }
0xdf: {  	v4 =	vperm.xlane v3, v0;
	_ =	sdelay $0x1  }
0xe0: {  	v4 =	vadd.s32 v1, v4;
	_ =	sdelay $0x4  }
0xe1: {  	[tilespmem:s30], [sflag:$0x7] =	stream.indirect_vreg.gather [hbm4b:s2+s6], $0x80, v4, vm0, $0xb8;
	[tilespmem:$0x1C100] =	vst v63  }
0xe2: {  	s14 =	simm.s32 $0x18900;
	v3 =	vperm.xlane v3, v2  }
0xe3: {  	[tilespmem:s14], [sflag:$0x7] =	stream.indirect_vreg.gather [hbm4b:s8+s6], $0x80, v4, vm0, $0xb8;
	[tilespmem:$0x1C100] =	vst v63  }
0xe4: {  	s15 =	simm.s32 $0x19100;
	v3 =	vadd.s32 v1, v3  }
0xe5: {  	[tilespmem:s15], [sflag:$0x7] =	stream.indirect_vreg.gather [hbm4b:s9+s6], $0x80, v4, vm0, $0xb8;
	[tilespmem:$0x1C100] =	vst v63  }
0xe6: {  	s16 =	simm.s32 $0x19900  }
0xe7: {  	[tilespmem:s16], [sflag:$0x7] =	stream.indirect_vreg.gather [hbm4b:s10+s6], $0x80, v4, vm0, $0xb8;
	[tilespmem:$0x1C100] =	vst v63  }
0xe8: {  	s12 =	simm.s32 $0x1A100  }
0xe9: {  	[tilespmem:s12], [sflag:$0x7] =	stream.indirect_vreg.gather [hbm4b:s2+s6], $0x80, v3, vm0, $0xb8;
	[tilespmem:$0x1C100] =	vst v63  }
0xea: {  	s13 =	simm.s32 $0x1A900  }
0xeb: {  	[tilespmem:s13], [sflag:$0x7] =	stream.indirect_vreg.gather [hbm4b:s8+s6], $0x80, v3, vm0, $0xb8;
	[tilespmem:$0x1C100] =	vst v63  }
0xec: {  	s14 =	simm.s32 $0x1B100  }
0xed: {  	[tilespmem:s14], [sflag:$0x7] =	stream.indirect_vreg.gather [hbm4b:s9+s6], $0x80, v3, vm0, $0xb8;
	[tilespmem:$0x1C100] =	vst v63  }
0xee: {  	s15 =	simm.s32 $0x1B900  }
0xef: {  	[tilespmem:s15], [sflag:$0x7] =	stream.indirect_vreg.gather [hbm4b:s10+s6], $0x80, v3, vm0, $0xb8;
	[tilespmem:$0x1C100] =	vst v63  }
0xf0: {  	s16 =	sand.u32 $0x2000, s6;
	s12 =	sand.u32 $0x1C00, s6;
	_ =	swait.ge [sflag:s24], $0x4000  }
0xf1: {  	s7 =	sor.u32 s12, s16;
	s6 =	sand.u32 $0x380, s6;
	[sflag:s24] =	ssyncset.done $0x0  }
0xf2: {  	s6 =	sor.u32 s6, s7;
	[sflag:s24] =	ssyncadd.s32 $0xFFFFC000  }
0xf3: {  	v3 =	vld [tilespmem:s6+$0x170]  }
0xf4: {  	v6 =	vld [tilespmem:s6+$0x100]  }
0xf5: {  	v7 =	vld [tilespmem:s6+$0x110]  }
0xf6: {  	v8 =	vld [tilespmem:s6+$0x120]  }
0xf7: {  	v9 =	vld [tilespmem:s6+$0x130]  }
0xf8: {  	v5 =	vld [tilespmem:s6+$0x140]  }
0xf9: {  	v4 =	vld [tilespmem:s6+$0x160]  }
0xfa: {  	[tilespmem:s6+$0x10170] =	vst.add.f32.msk $0xffff, v3  }
0xfb: {  	v3 =	vld [tilespmem:s6+$0x150]  }
0xfc: {  	[tilespmem:s6+$0x10100] =	vst.add.f32.msk $0xffff, v6  }
0xfd: {  	[tilespmem:s6+$0x10110] =	vst.add.f32.msk $0xffff, v7  }
0xfe: {  	s12 =	simm.s32 $0x10;
	[tilespmem:s6+$0x10120] =	vst.add.f32.msk $0xffff, v8  }
0xff: {  	s13 =	simm.s32 $0x80;
	s14 =	simm.s32 $0x400;
	s7 =	simm.s32 $0x0;
	[tilespmem:s6+$0x10130] =	vst.add.f32.msk $0xffff, v9  }
.LBB2_6:
0x100: {  	s15 =	sand.u32 $0x2000, s13;
	s16 =	sand.u32 $0x1C00, s14;
	s7 =	sadd.s32 $0x4, s7;
	[tilespmem:s6+$0x10140] =	vst.add.f32.msk $0xffff, v5  }
0x101: {  	s15 =	sor.u32 s16, s15;
	s16 =	sand.u32 $0x380, s12;
	p0 =	slt.u32 s7, $0x1FC;
	[tilespmem:s6+$0x10150] =	vst.add.f32.msk $0xffff, v3  }
0x102: {  	[tilespmem:s6+$0x10160] =	vst.add.f32.msk $0xffff, v4;
	s6 =	sor.u32 s16, s15  }
0x103: {  	v3 =	vld [tilespmem:s6+$0x170]  }
0x104: {  	v6 =	vld [tilespmem:s6+$0x100]  }
0x105: {  	v7 =	vld [tilespmem:s6+$0x110]  }
0x106: {  	v8 =	vld [tilespmem:s6+$0x120]  }
0x107: {  	v9 =	vld [tilespmem:s6+$0x130]  }
0x108: {  	[tilespmem:s6+$0x10170] =	vst.add.f32.msk $0xffff, v3  }
0x109: {  	v5 =	vld [tilespmem:s6+$0x140]  }
0x10a: {  	v3 =	vld [tilespmem:s6+$0x150]  }
.Ltmp2:
0x10b: {  	v4 =	vld [tilespmem:s6+$0x160];
	(pc) =	sbr.rel @p0 .LBB2_6-.Ltmp2, $4  }
0x10c: {  	[tilespmem:s6+$0x10100] =	vst.add.f32.msk $0xffff, v6  }
0x10d: {  	[tilespmem:s6+$0x10110] =	vst.add.f32.msk $0xffff, v7  }
0x10e: {  	[tilespmem:s6+$0x10120] =	vst.add.f32.msk $0xffff, v8  }
0x10f: {  	s13 =	sadd.s32 $0x80, s13;
	s14 =	sadd.s32 $0x400, s14;
	s12 =	sadd.s32 $0x10, s12;
	[tilespmem:s6+$0x10130] =	vst.add.f32.msk $0xffff, v9  }
0x110: {  	[tilespmem:s6+$0x10140] =	vst.add.f32.msk $0xffff, v5  }
0x111: {  	[tilespmem:s6+$0x10150] =	vst.add.f32.msk $0xffff, v3  }
0x112: {  	[tilespmem:s6+$0x10160] =	vst.add.f32.msk $0xffff, v4  }
0x113: {  	s6 =	simm.s32 $0x0;
	s7 =	rddreg [dreg:$0xd]  }
0x114: {  	[hbm4b:s7+s6] =	stream.linear.scatter [tilespmem:s25], [sflag:$0xA], $0x4000, $0x38;
	[tilespmem:$0x1C100] =	vst v63  }
0x115: {  	_ =	swait.ge [sflag:s26], $0x4000  }
0x116: {  	[sflag:s26] =	ssyncset.done $0x0  }
0x117: {  	[sflag:s26] =	ssyncadd.s32 $0xFFFFC000  }
0x118: {  	v3 =	vld [tilespmem:$0x50];
	_ =	sdelay $0x4  }
0x119: {  	v4 =	vshll.u32 v3, $0x3  }
0x11a: {  	v3 =	vand.u32 $0x7, v3;
	v4 =	vand.u32 $0xFFFFFFC0, v4  }
0x11b: {  	v3 =	vor.u32 v3, v4  }
0x11c: {  	v4 =	vperm.xlane v3, v0;
	_ =	sdelay $0x1  }
0x11d: {  	v4 =	vadd.s32 v1, v4;
	_ =	sdelay $0x4  }
0x11e: {  	[tilespmem:s5], [sflag:$0x3] =	stream.indirect_vreg.gather [hbm4b:s2+s6], $0x80, v4, vm0, $0xb8;
	[tilespmem:$0x1C100] =	vst v63  }
0x11f: {  	s14 =	simm.s32 $0x8900;
	v3 =	vperm.xlane v3, v2  }
0x120: {  	[tilespmem:s14], [sflag:$0x3] =	stream.indirect_vreg.gather [hbm4b:s8+s6], $0x80, v4, vm0, $0xb8;
	[tilespmem:$0x1C100] =	vst v63  }
0x121: {  	s15 =	simm.s32 $0x9100;
	v3 =	vadd.s32 v1, v3  }
0x122: {  	[tilespmem:s15], [sflag:$0x3] =	stream.indirect_vreg.gather [hbm4b:s9+s6], $0x80, v4, vm0, $0xb8;
	[tilespmem:$0x1C100] =	vst v63  }
0x123: {  	s16 =	simm.s32 $0x9900  }
0x124: {  	[tilespmem:s16], [sflag:$0x3] =	stream.indirect_vreg.gather [hbm4b:s10+s6], $0x80, v4, vm0, $0xb8;
	[tilespmem:$0x1C100] =	vst v63  }
0x125: {  	s12 =	simm.s32 $0xA100  }
0x126: {  	[tilespmem:s12], [sflag:$0x3] =	stream.indirect_vreg.gather [hbm4b:s2+s6], $0x80, v3, vm0, $0xb8;
	[tilespmem:$0x1C100] =	vst v63  }
0x127: {  	s13 =	simm.s32 $0xA900  }
0x128: {  	[tilespmem:s13], [sflag:$0x3] =	stream.indirect_vreg.gather [hbm4b:s8+s6], $0x80, v3, vm0, $0xb8;
	[tilespmem:$0x1C100] =	vst v63  }
0x129: {  	s14 =	simm.s32 $0xB100  }
0x12a: {  	[tilespmem:s14], [sflag:$0x3] =	stream.indirect_vreg.gather [hbm4b:s9+s6], $0x80, v3, vm0, $0xb8;
	[tilespmem:$0x1C100] =	vst v63  }
0x12b: {  	s15 =	simm.s32 $0xB900  }
0x12c: {  	[tilespmem:s15], [sflag:$0x3] =	stream.indirect_vreg.gather [hbm4b:s10+s6], $0x80, v3, vm0, $0xb8;
	[tilespmem:$0x1C100] =	vst v63  }
0x12d: {  	s16 =	sand.u32 $0x2000, s6;
	s12 =	sand.u32 $0x1C00, s6;
	_ =	swait.ge [sflag:s28], $0x4000  }
0x12e: {  	s7 =	sor.u32 s12, s16;
	s6 =	sand.u32 $0x380, s6;
	[sflag:s28] =	ssyncset.done $0x0  }
0x12f: {  	s6 =	sor.u32 s6, s7;
	[sflag:s28] =	ssyncadd.s32 $0xFFFFC000  }
0x130: {  	v3 =	vld [tilespmem:s6+$0x170]  }
0x131: {  	v6 =	vld [tilespmem:s6+$0x100]  }
0x132: {  	v7 =	vld [tilespmem:s6+$0x110]  }
0x133: {  	v8 =	vld [tilespmem:s6+$0x120]  }
0x134: {  	v9 =	vld [tilespmem:s6+$0x130]  }
0x135: {  	v5 =	vld [tilespmem:s6+$0x140]  }
0x136: {  	v4 =	vld [tilespmem:s6+$0x160]  }
0x137: {  	[tilespmem:s6+$0x14170] =	vst.add.f32.msk $0xffff, v3  }
0x138: {  	v3 =	vld [tilespmem:s6+$0x150]  }
0x139: {  	[tilespmem:s6+$0x14100] =	vst.add.f32.msk $0xffff, v6  }
0x13a: {  	[tilespmem:s6+$0x14110] =	vst.add.f32.msk $0xffff, v7  }
0x13b: {  	s12 =	simm.s32 $0x10;
	[tilespmem:s6+$0x14120] =	vst.add.f32.msk $0xffff, v8  }
0x13c: {  	s13 =	simm.s32 $0x80;
	s14 =	simm.s32 $0x400;
	s7 =	simm.s32 $0x0;
	[tilespmem:s6+$0x14130] =	vst.add.f32.msk $0xffff, v9  }
.LBB2_8:
0x13d: {  	s15 =	sand.u32 $0x2000, s13;
	s16 =	sand.u32 $0x1C00, s14;
	s7 =	sadd.s32 $0x4, s7;
	[tilespmem:s6+$0x14140] =	vst.add.f32.msk $0xffff, v5  }
0x13e: {  	s15 =	sor.u32 s16, s15;
	s16 =	sand.u32 $0x380, s12;
	p0 =	slt.u32 s7, $0x1FC;
	[tilespmem:s6+$0x14150] =	vst.add.f32.msk $0xffff, v3  }
0x13f: {  	[tilespmem:s6+$0x14160] =	vst.add.f32.msk $0xffff, v4;
	s6 =	sor.u32 s16, s15  }
0x140: {  	v3 =	vld [tilespmem:s6+$0x170]  }
0x141: {  	v6 =	vld [tilespmem:s6+$0x100]  }
0x142: {  	v7 =	vld [tilespmem:s6+$0x110]  }
0x143: {  	v8 =	vld [tilespmem:s6+$0x120]  }
0x144: {  	v9 =	vld [tilespmem:s6+$0x130]  }
0x145: {  	[tilespmem:s6+$0x14170] =	vst.add.f32.msk $0xffff, v3  }
0x146: {  	v5 =	vld [tilespmem:s6+$0x140]  }
0x147: {  	v3 =	vld [tilespmem:s6+$0x150]  }
.Ltmp3:
0x148: {  	v4 =	vld [tilespmem:s6+$0x160];
	(pc) =	sbr.rel @p0 .LBB2_8-.Ltmp3, $4  }
0x149: {  	[tilespmem:s6+$0x14100] =	vst.add.f32.msk $0xffff, v6  }
0x14a: {  	[tilespmem:s6+$0x14110] =	vst.add.f32.msk $0xffff, v7  }
0x14b: {  	[tilespmem:s6+$0x14120] =	vst.add.f32.msk $0xffff, v8  }
0x14c: {  	s13 =	sadd.s32 $0x80, s13;
	s14 =	sadd.s32 $0x400, s14;
	s12 =	sadd.s32 $0x10, s12;
	[tilespmem:s6+$0x14130] =	vst.add.f32.msk $0xffff, v9  }
0x14d: {  	[tilespmem:s6+$0x14140] =	vst.add.f32.msk $0xffff, v5  }
0x14e: {  	[tilespmem:s6+$0x14150] =	vst.add.f32.msk $0xffff, v3  }
0x14f: {  	[tilespmem:s6+$0x14160] =	vst.add.f32.msk $0xffff, v4  }
0x150: {  	s6 =	simm.s32 $0x0;
	s7 =	rddreg [dreg:$0xe]  }
0x151: {  	[hbm4b:s7+s6] =	stream.linear.scatter [tilespmem:s19], [sflag:$0xB], $0x4000, $0x38;
	[tilespmem:$0x1C100] =	vst v63  }
0x152: {  	_ =	swait.ge [sflag:s31], $0x4000  }
0x153: {  	[sflag:s31] =	ssyncset.done $0x0  }
0x154: {  	[sflag:s31] =	ssyncadd.s32 $0xFFFFC000  }
0x155: {  	v3 =	vld [tilespmem:$0x90];
	_ =	sdelay $0x4  }
0x156: {  	v4 =	vshll.u32 v3, $0x3  }
0x157: {  	v3 =	vand.u32 $0x7, v3;
	v4 =	vand.u32 $0xFFFFFFC0, v4  }
0x158: {  	v3 =	vor.u32 v3, v4  }
0x159: {  	v4 =	vperm.xlane v3, v0;
	_ =	sdelay $0x1  }
0x15a: {  	v4 =	vadd.s32 v1, v4;
	_ =	sdelay $0x4  }
0x15b: {  	[tilespmem:s17], [sflag:$0x4] =	stream.indirect_vreg.gather [hbm4b:s2+s6], $0x80, v4, vm0, $0xb8;
	[tilespmem:$0x1C100] =	vst v63  }
0x15c: {  	s12 =	simm.s32 $0xC900;
	v3 =	vperm.xlane v3, v2  }
0x15d: {  	[tilespmem:s12], [sflag:$0x4] =	stream.indirect_vreg.gather [hbm4b:s8+s6], $0x80, v4, vm0, $0xb8;
	[tilespmem:$0x1C100] =	vst v63  }
0x15e: {  	s13 =	simm.s32 $0xD100;
	v3 =	vadd.s32 v1, v3  }
0x15f: {  	[tilespmem:s13], [sflag:$0x4] =	stream.indirect_vreg.gather [hbm4b:s9+s6], $0x80, v4, vm0, $0xb8;
	[tilespmem:$0x1C100] =	vst v63  }
0x160: {  	s14 =	simm.s32 $0xD900  }
0x161: {  	[tilespmem:s14], [sflag:$0x4] =	stream.indirect_vreg.gather [hbm4b:s10+s6], $0x80, v4, vm0, $0xb8;
	[tilespmem:$0x1C100] =	vst v63  }
0x162: {  	s15 =	simm.s32 $0xE100  }
0x163: {  	[tilespmem:s15], [sflag:$0x4] =	stream.indirect_vreg.gather [hbm4b:s2+s6], $0x80, v3, vm0, $0xb8;
	[tilespmem:$0x1C100] =	vst v63  }
0x164: {  	s16 =	simm.s32 $0xE900  }
0x165: {  	[tilespmem:s16], [sflag:$0x4] =	stream.indirect_vreg.gather [hbm4b:s8+s6], $0x80, v3, vm0, $0xb8;
	[tilespmem:$0x1C100] =	vst v63  }
0x166: {  	s12 =	simm.s32 $0xF100  }
0x167: {  	[tilespmem:s12], [sflag:$0x4] =	stream.indirect_vreg.gather [hbm4b:s9+s6], $0x80, v3, vm0, $0xb8;
	[tilespmem:$0x1C100] =	vst v63  }
0x168: {  	s13 =	simm.s32 $0xF900  }
0x169: {  	[tilespmem:s13], [sflag:$0x4] =	stream.indirect_vreg.gather [hbm4b:s10+s6], $0x80, v3, vm0, $0xb8;
	[tilespmem:$0x1C100] =	vst v63  }
0x16a: {  	s14 =	rddreg [dreg:$0xf];
	s12 =	simm.s32 $0x100  }
0x16b: {  	[tilespmem:s12], [sflag:$0x1] =	stream.linear.gather [hbm4b:s14+s6], $0x4000, $0x38;
	[tilespmem:$0x1C100] =	vst v63  }
0x16c: {  	_ =	swait.ge [sflag:s0], $0x4000  }
0x16d: {  	[sflag:s0] =	ssyncset.done $0x0  }
0x16e: {  	[sflag:s0] =	ssyncadd.s32 $0xFFFFC000  }
0x16f: {  	s15 =	sand.u32 $0x2000, s6;
	s16 =	sand.u32 $0x1C00, s6;
	_ =	swait.ge [sflag:s4], $0x4000  }
0x170: {  	s7 =	sor.u32 s16, s15;
	s6 =	sand.u32 $0x380, s6;
	[sflag:s4] =	ssyncset.done $0x0  }
0x171: {  	s6 =	sor.u32 s6, s7;
	[sflag:s4] =	ssyncadd.s32 $0xFFFFC000  }
0x172: {  	v3 =	vld [tilespmem:s6+$0x4170]  }
0x173: {  	v6 =	vld [tilespmem:s6+$0x4100]  }
0x174: {  	v7 =	vld [tilespmem:s6+$0x4110]  }
0x175: {  	v8 =	vld [tilespmem:s6+$0x4120]  }
0x176: {  	v9 =	vld [tilespmem:s6+$0x4130]  }
0x177: {  	v5 =	vld [tilespmem:s6+$0x4140]  }
0x178: {  	v4 =	vld [tilespmem:s6+$0x4160]  }
0x179: {  	[tilespmem:s6+$0x18170] =	vst.add.f32.msk $0xffff, v3  }
0x17a: {  	v3 =	vld [tilespmem:s6+$0x4150]  }
0x17b: {  	[tilespmem:s6+$0x18100] =	vst.add.f32.msk $0xffff, v6  }
0x17c: {  	[tilespmem:s6+$0x18110] =	vst.add.f32.msk $0xffff, v7  }
0x17d: {  	s13 =	simm.s32 $0x80;
	[tilespmem:s6+$0x18120] =	vst.add.f32.msk $0xffff, v8  }
0x17e: {  	s12 =	simm.s32 $0x10;
	s14 =	simm.s32 $0x400;
	s7 =	simm.s32 $0x0;
	[tilespmem:s6+$0x18130] =	vst.add.f32.msk $0xffff, v9  }
.LBB2_10:
0x17f: {  	s15 =	sand.u32 $0x2000, s13;
	s16 =	sand.u32 $0x1C00, s14;
	s7 =	sadd.s32 $0x4, s7;
	[tilespmem:s6+$0x18140] =	vst.add.f32.msk $0xffff, v5  }
0x180: {  	s15 =	sor.u32 s16, s15;
	s16 =	sand.u32 $0x380, s12;
	p0 =	slt.u32 s7, $0x1FC;
	[tilespmem:s6+$0x18150] =	vst.add.f32.msk $0xffff, v3  }
0x181: {  	[tilespmem:s6+$0x18160] =	vst.add.f32.msk $0xffff, v4;
	s6 =	sor.u32 s16, s15  }
0x182: {  	v3 =	vld [tilespmem:s6+$0x4170]  }
0x183: {  	v6 =	vld [tilespmem:s6+$0x4100]  }
0x184: {  	v7 =	vld [tilespmem:s6+$0x4110]  }
0x185: {  	v8 =	vld [tilespmem:s6+$0x4120]  }
0x186: {  	v9 =	vld [tilespmem:s6+$0x4130]  }
0x187: {  	[tilespmem:s6+$0x18170] =	vst.add.f32.msk $0xffff, v3  }
0x188: {  	v5 =	vld [tilespmem:s6+$0x4140]  }
0x189: {  	v3 =	vld [tilespmem:s6+$0x4150]  }
.Ltmp4:
0x18a: {  	v4 =	vld [tilespmem:s6+$0x4160];
	(pc) =	sbr.rel @p0 .LBB2_10-.Ltmp4, $4  }
0x18b: {  	[tilespmem:s6+$0x18100] =	vst.add.f32.msk $0xffff, v6  }
0x18c: {  	[tilespmem:s6+$0x18110] =	vst.add.f32.msk $0xffff, v7  }
0x18d: {  	[tilespmem:s6+$0x18120] =	vst.add.f32.msk $0xffff, v8  }
0x18e: {  	s13 =	sadd.s32 $0x80, s13;
	s14 =	sadd.s32 $0x400, s14;
	s12 =	sadd.s32 $0x10, s12;
	[tilespmem:s6+$0x18130] =	vst.add.f32.msk $0xffff, v9  }
0x18f: {  	[tilespmem:s6+$0x18140] =	vst.add.f32.msk $0xffff, v5  }
0x190: {  	[tilespmem:s6+$0x18150] =	vst.add.f32.msk $0xffff, v3  }
0x191: {  	[tilespmem:s6+$0x18160] =	vst.add.f32.msk $0xffff, v4  }
0x192: {  	s6 =	simm.s32 $0x0;
	s7 =	rddreg [dreg:$0x10]  }
0x193: {  	[hbm4b:s7+s6] =	stream.linear.scatter [tilespmem:s30], [sflag:$0xC], $0x4000, $0x38;
	[tilespmem:$0x1C100] =	vst v63  }
0x194: {  	_ =	swait.ge [sflag:s20], $0x4000  }
0x195: {  	[sflag:s20] =	ssyncset.done $0x0  }
0x196: {  	[sflag:s20] =	ssyncadd.s32 $0xFFFFC000  }
0x197: {  	v3 =	vld [tilespmem:$0xD0];
	_ =	sdelay $0x4  }
0x198: {  	v4 =	vshll.u32 v3, $0x3  }
0x199: {  	v3 =	vand.u32 $0x7, v3;
	v4 =	vand.u32 $0xFFFFFFC0, v4  }
0x19a: {  	v3 =	vor.u32 v3, v4  }
0x19b: {  	v4 =	vperm.xlane v3, v0;
	_ =	sdelay $0x1  }
0x19c: {  	v4 =	vadd.s32 v1, v4;
	_ =	sdelay $0x4  }
0x19d: {  	[tilespmem:s25], [sflag:$0x5] =	stream.indirect_vreg.gather [hbm4b:s2+s6], $0x80, v4, vm0, $0xb8;
	[tilespmem:$0x1C100] =	vst v63  }
0x19e: {  	s14 =	simm.s32 $0x10900;
	v3 =	vperm.xlane v3, v2  }
0x19f: {  	[tilespmem:s14], [sflag:$0x5] =	stream.indirect_vreg.gather [hbm4b:s8+s6], $0x80, v4, vm0, $0xb8;
	[tilespmem:$0x1C100] =	vst v63  }
0x1a0: {  	s15 =	simm.s32 $0x11100;
	v3 =	vadd.s32 v1, v3  }
0x1a1: {  	[tilespmem:s15], [sflag:$0x5] =	stream.indirect_vreg.gather [hbm4b:s9+s6], $0x80, v4, vm0, $0xb8;
	[tilespmem:$0x1C100] =	vst v63  }
0x1a2: {  	s16 =	simm.s32 $0x11900  }
0x1a3: {  	[tilespmem:s16], [sflag:$0x5] =	stream.indirect_vreg.gather [hbm4b:s10+s6], $0x80, v4, vm0, $0xb8;
	[tilespmem:$0x1C100] =	vst v63  }
0x1a4: {  	s12 =	simm.s32 $0x12100  }
0x1a5: {  	[tilespmem:s12], [sflag:$0x5] =	stream.indirect_vreg.gather [hbm4b:s2+s6], $0x80, v3, vm0, $0xb8;
	[tilespmem:$0x1C100] =	vst v63  }
0x1a6: {  	s13 =	simm.s32 $0x12900  }
0x1a7: {  	[tilespmem:s13], [sflag:$0x5] =	stream.indirect_vreg.gather [hbm4b:s8+s6], $0x80, v3, vm0, $0xb8;
	[tilespmem:$0x1C100] =	vst v63  }
0x1a8: {  	s14 =	simm.s32 $0x13100  }
0x1a9: {  	[tilespmem:s14], [sflag:$0x5] =	stream.indirect_vreg.gather [hbm4b:s9+s6], $0x80, v3, vm0, $0xb8;
	[tilespmem:$0x1C100] =	vst v63  }
0x1aa: {  	s15 =	simm.s32 $0x13900  }
0x1ab: {  	[tilespmem:s15], [sflag:$0x5] =	stream.indirect_vreg.gather [hbm4b:s10+s6], $0x80, v3, vm0, $0xb8;
	[tilespmem:$0x1C100] =	vst v63  }
0x1ac: {  	s16 =	sand.u32 $0x2000, s6;
	s12 =	sand.u32 $0x1C00, s6;
	_ =	swait.ge [sflag:s18], $0x4000  }
0x1ad: {  	s7 =	sor.u32 s12, s16;
	s6 =	sand.u32 $0x380, s6;
	[sflag:s18] =	ssyncset.done $0x0  }
0x1ae: {  	s6 =	sor.u32 s6, s7;
	[sflag:s18] =	ssyncadd.s32 $0xFFFFC000  }
0x1af: {  	v3 =	vld [tilespmem:s6+$0x4170]  }
0x1b0: {  	v6 =	vld [tilespmem:s6+$0x4100]  }
0x1b1: {  	v7 =	vld [tilespmem:s6+$0x4110]  }
0x1b2: {  	v8 =	vld [tilespmem:s6+$0x4120]  }
0x1b3: {  	v9 =	vld [tilespmem:s6+$0x4130]  }
0x1b4: {  	v5 =	vld [tilespmem:s6+$0x4140]  }
0x1b5: {  	v4 =	vld [tilespmem:s6+$0x4160]  }
0x1b6: {  	[tilespmem:s6+$0x8170] =	vst.add.f32.msk $0xffff, v3  }
0x1b7: {  	v3 =	vld [tilespmem:s6+$0x4150]  }
0x1b8: {  	[tilespmem:s6+$0x8100] =	vst.add.f32.msk $0xffff, v6  }
0x1b9: {  	[tilespmem:s6+$0x8110] =	vst.add.f32.msk $0xffff, v7  }
0x1ba: {  	s12 =	simm.s32 $0x10;
	[tilespmem:s6+$0x8120] =	vst.add.f32.msk $0xffff, v8  }
0x1bb: {  	s13 =	simm.s32 $0x80;
	s14 =	simm.s32 $0x400;
	s7 =	simm.s32 $0x0;
	[tilespmem:s6+$0x8130] =	vst.add.f32.msk $0xffff, v9  }
.LBB2_12:
0x1bc: {  	s15 =	sand.u32 $0x2000, s13;
	s16 =	sand.u32 $0x1C00, s14;
	s7 =	sadd.s32 $0x4, s7;
	[tilespmem:s6+$0x8140] =	vst.add.f32.msk $0xffff, v5  }
0x1bd: {  	s15 =	sor.u32 s16, s15;
	s16 =	sand.u32 $0x380, s12;
	p0 =	slt.u32 s7, $0x1FC;
	[tilespmem:s6+$0x8150] =	vst.add.f32.msk $0xffff, v3  }
0x1be: {  	[tilespmem:s6+$0x8160] =	vst.add.f32.msk $0xffff, v4;
	s6 =	sor.u32 s16, s15  }
0x1bf: {  	v3 =	vld [tilespmem:s6+$0x4170]  }
0x1c0: {  	v6 =	vld [tilespmem:s6+$0x4100]  }
0x1c1: {  	v7 =	vld [tilespmem:s6+$0x4110]  }
0x1c2: {  	v8 =	vld [tilespmem:s6+$0x4120]  }
0x1c3: {  	v9 =	vld [tilespmem:s6+$0x4130]  }
0x1c4: {  	[tilespmem:s6+$0x8170] =	vst.add.f32.msk $0xffff, v3  }
0x1c5: {  	v5 =	vld [tilespmem:s6+$0x4140]  }
0x1c6: {  	v3 =	vld [tilespmem:s6+$0x4150]  }
.Ltmp5:
0x1c7: {  	v4 =	vld [tilespmem:s6+$0x4160];
	(pc) =	sbr.rel @p0 .LBB2_12-.Ltmp5, $4  }
0x1c8: {  	[tilespmem:s6+$0x8100] =	vst.add.f32.msk $0xffff, v6  }
0x1c9: {  	[tilespmem:s6+$0x8110] =	vst.add.f32.msk $0xffff, v7  }
0x1ca: {  	[tilespmem:s6+$0x8120] =	vst.add.f32.msk $0xffff, v8  }
0x1cb: {  	s13 =	sadd.s32 $0x80, s13;
	s14 =	sadd.s32 $0x400, s14;
	s12 =	sadd.s32 $0x10, s12;
	[tilespmem:s6+$0x8130] =	vst.add.f32.msk $0xffff, v9  }
0x1cc: {  	[tilespmem:s6+$0x8140] =	vst.add.f32.msk $0xffff, v5  }
0x1cd: {  	[tilespmem:s6+$0x8150] =	vst.add.f32.msk $0xffff, v3  }
0x1ce: {  	[tilespmem:s6+$0x8160] =	vst.add.f32.msk $0xffff, v4  }
0x1cf: {  	s6 =	simm.s32 $0x0;
	s7 =	rddreg [dreg:$0x11]  }
0x1d0: {  	[hbm4b:s7+s6] =	stream.linear.scatter [tilespmem:s5], [sflag:$0x8], $0x4000, $0x38;
	[tilespmem:$0x1C100] =	vst v63  }
0x1d1: {  	_ =	swait.ge [sflag:s21], $0x4000  }
0x1d2: {  	[sflag:s21] =	ssyncset.done $0x0  }
0x1d3: {  	[sflag:s21] =	ssyncadd.s32 $0xFFFFC000  }
0x1d4: {  	v3 =	vld [tilespmem:$0x20];
	_ =	sdelay $0x4  }
0x1d5: {  	v4 =	vshll.u32 v3, $0x3  }
0x1d6: {  	v3 =	vand.u32 $0x7, v3;
	v4 =	vand.u32 $0xFFFFFFC0, v4  }
0x1d7: {  	v3 =	vor.u32 v3, v4  }
0x1d8: {  	v4 =	vperm.xlane v3, v0;
	_ =	sdelay $0x1  }
0x1d9: {  	v4 =	vadd.s32 v1, v4;
	_ =	sdelay $0x4  }
0x1da: {  	[tilespmem:s19], [sflag:$0x6] =	stream.indirect_vreg.gather [hbm4b:s2+s6], $0x80, v4, vm0, $0xb8;
	[tilespmem:$0x1C100] =	vst v63  }
0x1db: {  	s14 =	simm.s32 $0x14900;
	v3 =	vperm.xlane v3, v2  }
0x1dc: {  	[tilespmem:s14], [sflag:$0x6] =	stream.indirect_vreg.gather [hbm4b:s8+s6], $0x80, v4, vm0, $0xb8;
	[tilespmem:$0x1C100] =	vst v63  }
0x1dd: {  	s15 =	simm.s32 $0x15100;
	v3 =	vadd.s32 v1, v3  }
0x1de: {  	[tilespmem:s15], [sflag:$0x6] =	stream.indirect_vreg.gather [hbm4b:s9+s6], $0x80, v4, vm0, $0xb8;
	[tilespmem:$0x1C100] =	vst v63  }
0x1df: {  	s16 =	simm.s32 $0x15900  }
0x1e0: {  	[tilespmem:s16], [sflag:$0x6] =	stream.indirect_vreg.gather [hbm4b:s10+s6], $0x80, v4, vm0, $0xb8;
	[tilespmem:$0x1C100] =	vst v63  }
0x1e1: {  	s12 =	simm.s32 $0x16100  }
0x1e2: {  	[tilespmem:s12], [sflag:$0x6] =	stream.indirect_vreg.gather [hbm4b:s2+s6], $0x80, v3, vm0, $0xb8;
	[tilespmem:$0x1C100] =	vst v63  }
0x1e3: {  	s13 =	simm.s32 $0x16900  }
0x1e4: {  	[tilespmem:s13], [sflag:$0x6] =	stream.indirect_vreg.gather [hbm4b:s8+s6], $0x80, v3, vm0, $0xb8;
	[tilespmem:$0x1C100] =	vst v63  }
0x1e5: {  	s14 =	simm.s32 $0x17100  }
0x1e6: {  	[tilespmem:s14], [sflag:$0x6] =	stream.indirect_vreg.gather [hbm4b:s9+s6], $0x80, v3, vm0, $0xb8;
	[tilespmem:$0x1C100] =	vst v63  }
0x1e7: {  	s15 =	simm.s32 $0x17900  }
0x1e8: {  	[tilespmem:s15], [sflag:$0x6] =	stream.indirect_vreg.gather [hbm4b:s10+s6], $0x80, v3, vm0, $0xb8;
	[tilespmem:$0x1C100] =	vst v63  }
0x1e9: {  	s16 =	sand.u32 $0x2000, s6;
	s12 =	sand.u32 $0x1C00, s6;
	_ =	swait.ge [sflag:s29], $0x4000  }
0x1ea: {  	s7 =	sor.u32 s12, s16;
	s6 =	sand.u32 $0x380, s6;
	[sflag:s29] =	ssyncset.done $0x0  }
0x1eb: {  	s6 =	sor.u32 s6, s7;
	[sflag:s29] =	ssyncadd.s32 $0xFFFFC000  }
0x1ec: {  	v3 =	vld [tilespmem:s6+$0x4170]  }
0x1ed: {  	v6 =	vld [tilespmem:s6+$0x4100]  }
0x1ee: {  	v7 =	vld [tilespmem:s6+$0x4110]  }
0x1ef: {  	v8 =	vld [tilespmem:s6+$0x4120]  }
0x1f0: {  	v9 =	vld [tilespmem:s6+$0x4130]  }
0x1f1: {  	v5 =	vld [tilespmem:s6+$0x4140]  }
0x1f2: {  	v4 =	vld [tilespmem:s6+$0x4160]  }
0x1f3: {  	[tilespmem:s6+$0xC170] =	vst.add.f32.msk $0xffff, v3  }
0x1f4: {  	v3 =	vld [tilespmem:s6+$0x4150]  }
0x1f5: {  	[tilespmem:s6+$0xC100] =	vst.add.f32.msk $0xffff, v6  }
0x1f6: {  	[tilespmem:s6+$0xC110] =	vst.add.f32.msk $0xffff, v7  }
0x1f7: {  	s12 =	simm.s32 $0x10;
	[tilespmem:s6+$0xC120] =	vst.add.f32.msk $0xffff, v8  }
0x1f8: {  	s13 =	simm.s32 $0x80;
	s14 =	simm.s32 $0x400;
	s7 =	simm.s32 $0x0;
	[tilespmem:s6+$0xC130] =	vst.add.f32.msk $0xffff, v9  }
.LBB2_14:
0x1f9: {  	s15 =	sand.u32 $0x2000, s13;
	s16 =	sand.u32 $0x1C00, s14;
	s7 =	sadd.s32 $0x4, s7;
	[tilespmem:s6+$0xC140] =	vst.add.f32.msk $0xffff, v5  }
0x1fa: {  	s15 =	sor.u32 s16, s15;
	s16 =	sand.u32 $0x380, s12;
	p0 =	slt.u32 s7, $0x1FC;
	[tilespmem:s6+$0xC150] =	vst.add.f32.msk $0xffff, v3  }
0x1fb: {  	[tilespmem:s6+$0xC160] =	vst.add.f32.msk $0xffff, v4;
	s6 =	sor.u32 s16, s15  }
0x1fc: {  	v3 =	vld [tilespmem:s6+$0x4170]  }
0x1fd: {  	v6 =	vld [tilespmem:s6+$0x4100]  }
0x1fe: {  	v7 =	vld [tilespmem:s6+$0x4110]  }
0x1ff: {  	v8 =	vld [tilespmem:s6+$0x4120]  }
0x200: {  	v9 =	vld [tilespmem:s6+$0x4130]  }
0x201: {  	[tilespmem:s6+$0xC170] =	vst.add.f32.msk $0xffff, v3  }
0x202: {  	v5 =	vld [tilespmem:s6+$0x4140]  }
0x203: {  	v3 =	vld [tilespmem:s6+$0x4150]  }
.Ltmp6:
0x204: {  	v4 =	vld [tilespmem:s6+$0x4160];
	(pc) =	sbr.rel @p0 .LBB2_14-.Ltmp6, $4  }
0x205: {  	[tilespmem:s6+$0xC100] =	vst.add.f32.msk $0xffff, v6  }
0x206: {  	[tilespmem:s6+$0xC110] =	vst.add.f32.msk $0xffff, v7  }
0x207: {  	[tilespmem:s6+$0xC120] =	vst.add.f32.msk $0xffff, v8  }
0x208: {  	s13 =	sadd.s32 $0x80, s13;
	s14 =	sadd.s32 $0x400, s14;
	s12 =	sadd.s32 $0x10, s12;
	[tilespmem:s6+$0xC130] =	vst.add.f32.msk $0xffff, v9  }
0x209: {  	[tilespmem:s6+$0xC140] =	vst.add.f32.msk $0xffff, v5  }
0x20a: {  	[tilespmem:s6+$0xC150] =	vst.add.f32.msk $0xffff, v3  }
0x20b: {  	[tilespmem:s6+$0xC160] =	vst.add.f32.msk $0xffff, v4  }
0x20c: {  	s6 =	simm.s32 $0x0;
	s7 =	rddreg [dreg:$0x12]  }
0x20d: {  	[hbm4b:s7+s6] =	stream.linear.scatter [tilespmem:s17], [sflag:$0x9], $0x4000, $0x38;
	[tilespmem:$0x1C100] =	vst v63  }
0x20e: {  	_ =	swait.ge [sflag:s22], $0x4000  }
0x20f: {  	[sflag:s22] =	ssyncset.done $0x0  }
0x210: {  	[sflag:s22] =	ssyncadd.s32 $0xFFFFC000  }
0x211: {  	v3 =	vld [tilespmem:$0x60];
	_ =	sdelay $0x4  }
0x212: {  	v4 =	vshll.u32 v3, $0x3  }
0x213: {  	v3 =	vand.u32 $0x7, v3;
	v4 =	vand.u32 $0xFFFFFFC0, v4  }
0x214: {  	v3 =	vor.u32 v3, v4  }
0x215: {  	v4 =	vperm.xlane v3, v0;
	_ =	sdelay $0x1  }
0x216: {  	v4 =	vadd.s32 v1, v4;
	_ =	sdelay $0x4  }
0x217: {  	[tilespmem:s30], [sflag:$0x7] =	stream.indirect_vreg.gather [hbm4b:s2+s6], $0x80, v4, vm0, $0xb8;
	[tilespmem:$0x1C100] =	vst v63  }
0x218: {  	s14 =	simm.s32 $0x18900;
	v3 =	vperm.xlane v3, v2  }
0x219: {  	[tilespmem:s14], [sflag:$0x7] =	stream.indirect_vreg.gather [hbm4b:s8+s6], $0x80, v4, vm0, $0xb8;
	[tilespmem:$0x1C100] =	vst v63  }
0x21a: {  	s15 =	simm.s32 $0x19100;
	v3 =	vadd.s32 v1, v3  }
0x21b: {  	[tilespmem:s15], [sflag:$0x7] =	stream.indirect_vreg.gather [hbm4b:s9+s6], $0x80, v4, vm0, $0xb8;
	[tilespmem:$0x1C100] =	vst v63  }
0x21c: {  	s16 =	simm.s32 $0x19900  }
0x21d: {  	[tilespmem:s16], [sflag:$0x7] =	stream.indirect_vreg.gather [hbm4b:s10+s6], $0x80, v4, vm0, $0xb8;
	[tilespmem:$0x1C100] =	vst v63  }
0x21e: {  	s12 =	simm.s32 $0x1A100  }
0x21f: {  	[tilespmem:s12], [sflag:$0x7] =	stream.indirect_vreg.gather [hbm4b:s2+s6], $0x80, v3, vm0, $0xb8;
	[tilespmem:$0x1C100] =	vst v63  }
0x220: {  	s13 =	simm.s32 $0x1A900  }
0x221: {  	[tilespmem:s13], [sflag:$0x7] =	stream.indirect_vreg.gather [hbm4b:s8+s6], $0x80, v3, vm0, $0xb8;
	[tilespmem:$0x1C100] =	vst v63  }
0x222: {  	s14 =	simm.s32 $0x1B100  }
0x223: {  	[tilespmem:s14], [sflag:$0x7] =	stream.indirect_vreg.gather [hbm4b:s9+s6], $0x80, v3, vm0, $0xb8;
	[tilespmem:$0x1C100] =	vst v63  }
0x224: {  	s15 =	simm.s32 $0x1B900  }
0x225: {  	[tilespmem:s15], [sflag:$0x7] =	stream.indirect_vreg.gather [hbm4b:s10+s6], $0x80, v3, vm0, $0xb8;
	[tilespmem:$0x1C100] =	vst v63  }
0x226: {  	s16 =	sand.u32 $0x2000, s6;
	s12 =	sand.u32 $0x1C00, s6;
	_ =	swait.ge [sflag:s24], $0x4000  }
0x227: {  	s7 =	sor.u32 s12, s16;
	s6 =	sand.u32 $0x380, s6;
	[sflag:s24] =	ssyncset.done $0x0  }
0x228: {  	s6 =	sor.u32 s6, s7;
	[sflag:s24] =	ssyncadd.s32 $0xFFFFC000  }
0x229: {  	v3 =	vld [tilespmem:s6+$0x4170]  }
0x22a: {  	v6 =	vld [tilespmem:s6+$0x4100]  }
0x22b: {  	v7 =	vld [tilespmem:s6+$0x4110]  }
0x22c: {  	v8 =	vld [tilespmem:s6+$0x4120]  }
0x22d: {  	v9 =	vld [tilespmem:s6+$0x4130]  }
0x22e: {  	v5 =	vld [tilespmem:s6+$0x4140]  }
0x22f: {  	v4 =	vld [tilespmem:s6+$0x4160]  }
0x230: {  	[tilespmem:s6+$0x10170] =	vst.add.f32.msk $0xffff, v3  }
0x231: {  	v3 =	vld [tilespmem:s6+$0x4150]  }
0x232: {  	[tilespmem:s6+$0x10100] =	vst.add.f32.msk $0xffff, v6  }
0x233: {  	[tilespmem:s6+$0x10110] =	vst.add.f32.msk $0xffff, v7  }
0x234: {  	s12 =	simm.s32 $0x10;
	[tilespmem:s6+$0x10120] =	vst.add.f32.msk $0xffff, v8  }
0x235: {  	s13 =	simm.s32 $0x80;
	s14 =	simm.s32 $0x400;
	s7 =	simm.s32 $0x0;
	[tilespmem:s6+$0x10130] =	vst.add.f32.msk $0xffff, v9  }
.LBB2_16:
0x236: {  	s15 =	sand.u32 $0x2000, s13;
	s16 =	sand.u32 $0x1C00, s14;
	s7 =	sadd.s32 $0x4, s7;
	[tilespmem:s6+$0x10140] =	vst.add.f32.msk $0xffff, v5  }
0x237: {  	s15 =	sor.u32 s16, s15;
	s16 =	sand.u32 $0x380, s12;
	p0 =	slt.u32 s7, $0x1FC;
	[tilespmem:s6+$0x10150] =	vst.add.f32.msk $0xffff, v3  }
0x238: {  	[tilespmem:s6+$0x10160] =	vst.add.f32.msk $0xffff, v4;
	s6 =	sor.u32 s16, s15  }
0x239: {  	v3 =	vld [tilespmem:s6+$0x4170]  }
0x23a: {  	v6 =	vld [tilespmem:s6+$0x4100]  }
0x23b: {  	v7 =	vld [tilespmem:s6+$0x4110]  }
0x23c: {  	v8 =	vld [tilespmem:s6+$0x4120]  }
0x23d: {  	v9 =	vld [tilespmem:s6+$0x4130]  }
0x23e: {  	[tilespmem:s6+$0x10170] =	vst.add.f32.msk $0xffff, v3  }
0x23f: {  	v5 =	vld [tilespmem:s6+$0x4140]  }
0x240: {  	v3 =	vld [tilespmem:s6+$0x4150]  }
.Ltmp7:
0x241: {  	v4 =	vld [tilespmem:s6+$0x4160];
	(pc) =	sbr.rel @p0 .LBB2_16-.Ltmp7, $4  }
0x242: {  	[tilespmem:s6+$0x10100] =	vst.add.f32.msk $0xffff, v6  }
0x243: {  	[tilespmem:s6+$0x10110] =	vst.add.f32.msk $0xffff, v7  }
0x244: {  	[tilespmem:s6+$0x10120] =	vst.add.f32.msk $0xffff, v8  }
0x245: {  	s13 =	sadd.s32 $0x80, s13;
	s14 =	sadd.s32 $0x400, s14;
	s12 =	sadd.s32 $0x10, s12;
	[tilespmem:s6+$0x10130] =	vst.add.f32.msk $0xffff, v9  }
0x246: {  	[tilespmem:s6+$0x10140] =	vst.add.f32.msk $0xffff, v5  }
0x247: {  	[tilespmem:s6+$0x10150] =	vst.add.f32.msk $0xffff, v3  }
0x248: {  	[tilespmem:s6+$0x10160] =	vst.add.f32.msk $0xffff, v4  }
0x249: {  	s6 =	simm.s32 $0x0;
	s7 =	rddreg [dreg:$0x16]  }
0x24a: {  	[hbm4b:s7+s6] =	stream.linear.scatter [tilespmem:s25], [sflag:$0xA], $0x4000, $0x38;
	[tilespmem:$0x1C100] =	vst v63  }
0x24b: {  	_ =	swait.ge [sflag:s26], $0x4000  }
0x24c: {  	[sflag:s26] =	ssyncset.done $0x0  }
0x24d: {  	[sflag:s26] =	ssyncadd.s32 $0xFFFFC000  }
0x24e: {  	v3 =	vld [tilespmem:$0xA0];
	_ =	sdelay $0x4  }
0x24f: {  	v4 =	vshll.u32 v3, $0x3  }
0x250: {  	v3 =	vand.u32 $0x7, v3;
	v4 =	vand.u32 $0xFFFFFFC0, v4  }
0x251: {  	v3 =	vor.u32 v3, v4  }
0x252: {  	v4 =	vperm.xlane v3, v0;
	_ =	sdelay $0x1  }
0x253: {  	v4 =	vadd.s32 v1, v4;
	_ =	sdelay $0x4  }
0x254: {  	[tilespmem:s5], [sflag:$0x3] =	stream.indirect_vreg.gather [hbm4b:s2+s6], $0x80, v4, vm0, $0xb8;
	[tilespmem:$0x1C100] =	vst v63  }
0x255: {  	s12 =	simm.s32 $0x8900;
	v3 =	vperm.xlane v3, v2  }
0x256: {  	[tilespmem:s12], [sflag:$0x3] =	stream.indirect_vreg.gather [hbm4b:s8+s6], $0x80, v4, vm0, $0xb8;
	[tilespmem:$0x1C100] =	vst v63  }
0x257: {  	s13 =	simm.s32 $0x9100;
	v3 =	vadd.s32 v1, v3  }
0x258: {  	[tilespmem:s13], [sflag:$0x3] =	stream.indirect_vreg.gather [hbm4b:s9+s6], $0x80, v4, vm0, $0xb8;
	[tilespmem:$0x1C100] =	vst v63  }
0x259: {  	s14 =	simm.s32 $0x9900  }
0x25a: {  	[tilespmem:s14], [sflag:$0x3] =	stream.indirect_vreg.gather [hbm4b:s10+s6], $0x80, v4, vm0, $0xb8;
	[tilespmem:$0x1C100] =	vst v63  }
0x25b: {  	s15 =	simm.s32 $0xA100  }
0x25c: {  	[tilespmem:s15], [sflag:$0x3] =	stream.indirect_vreg.gather [hbm4b:s2+s6], $0x80, v3, vm0, $0xb8;
	[tilespmem:$0x1C100] =	vst v63  }
0x25d: {  	s16 =	simm.s32 $0xA900  }
0x25e: {  	[tilespmem:s16], [sflag:$0x3] =	stream.indirect_vreg.gather [hbm4b:s8+s6], $0x80, v3, vm0, $0xb8;
	[tilespmem:$0x1C100] =	vst v63  }
0x25f: {  	s12 =	simm.s32 $0xB100  }
0x260: {  	[tilespmem:s12], [sflag:$0x3] =	stream.indirect_vreg.gather [hbm4b:s9+s6], $0x80, v3, vm0, $0xb8;
	[tilespmem:$0x1C100] =	vst v63  }
0x261: {  	s13 =	simm.s32 $0xB900  }
0x262: {  	[tilespmem:s13], [sflag:$0x3] =	stream.indirect_vreg.gather [hbm4b:s10+s6], $0x80, v3, vm0, $0xb8;
	[tilespmem:$0x1C100] =	vst v63  }
0x263: {  	s14 =	rddreg [dreg:$0x13];
	s12 =	simm.s32 $0x4100  }
0x264: {  	[tilespmem:s12], [sflag:$0x2] =	stream.linear.gather [hbm4b:s14+s6], $0x4000, $0x38;
	[tilespmem:$0x1C100] =	vst v63  }
0x265: {  	_ =	swait.ge [sflag:s11], $0x4000  }
0x266: {  	[sflag:s11] =	ssyncset.done $0x0  }
0x267: {  	[sflag:s11] =	ssyncadd.s32 $0xFFFFC000  }
0x268: {  	s15 =	sand.u32 $0x2000, s6;
	s16 =	sand.u32 $0x1C00, s6;
	_ =	swait.ge [sflag:s28], $0x4000  }
0x269: {  	s7 =	sor.u32 s16, s15;
	s6 =	sand.u32 $0x380, s6;
	[sflag:s28] =	ssyncset.done $0x0  }
0x26a: {  	s6 =	sor.u32 s6, s7;
	[sflag:s28] =	ssyncadd.s32 $0xFFFFC000  }
0x26b: {  	v3 =	vld [tilespmem:s6+$0x170]  }
0x26c: {  	v6 =	vld [tilespmem:s6+$0x100]  }
0x26d: {  	v7 =	vld [tilespmem:s6+$0x110]  }
0x26e: {  	v8 =	vld [tilespmem:s6+$0x120]  }
0x26f: {  	v9 =	vld [tilespmem:s6+$0x130]  }
0x270: {  	v5 =	vld [tilespmem:s6+$0x140]  }
0x271: {  	v4 =	vld [tilespmem:s6+$0x160]  }
0x272: {  	[tilespmem:s6+$0x14170] =	vst.add.f32.msk $0xffff, v3  }
0x273: {  	v3 =	vld [tilespmem:s6+$0x150]  }
0x274: {  	[tilespmem:s6+$0x14100] =	vst.add.f32.msk $0xffff, v6  }
0x275: {  	[tilespmem:s6+$0x14110] =	vst.add.f32.msk $0xffff, v7  }
0x276: {  	s13 =	simm.s32 $0x80;
	[tilespmem:s6+$0x14120] =	vst.add.f32.msk $0xffff, v8  }
0x277: {  	s12 =	simm.s32 $0x10;
	s14 =	simm.s32 $0x400;
	s7 =	simm.s32 $0x0;
	[tilespmem:s6+$0x14130] =	vst.add.f32.msk $0xffff, v9  }
.LBB2_18:
0x278: {  	s15 =	sand.u32 $0x2000, s13;
	s16 =	sand.u32 $0x1C00, s14;
	s7 =	sadd.s32 $0x4, s7;
	[tilespmem:s6+$0x14140] =	vst.add.f32.msk $0xffff, v5  }
0x279: {  	s15 =	sor.u32 s16, s15;
	s16 =	sand.u32 $0x380, s12;
	p0 =	slt.u32 s7, $0x1FC;
	[tilespmem:s6+$0x14150] =	vst.add.f32.msk $0xffff, v3  }
0x27a: {  	[tilespmem:s6+$0x14160] =	vst.add.f32.msk $0xffff, v4;
	s6 =	sor.u32 s16, s15  }
0x27b: {  	v3 =	vld [tilespmem:s6+$0x170]  }
0x27c: {  	v6 =	vld [tilespmem:s6+$0x100]  }
0x27d: {  	v7 =	vld [tilespmem:s6+$0x110]  }
0x27e: {  	v8 =	vld [tilespmem:s6+$0x120]  }
0x27f: {  	v9 =	vld [tilespmem:s6+$0x130]  }
0x280: {  	[tilespmem:s6+$0x14170] =	vst.add.f32.msk $0xffff, v3  }
0x281: {  	v5 =	vld [tilespmem:s6+$0x140]  }
0x282: {  	v3 =	vld [tilespmem:s6+$0x150]  }
.Ltmp8:
0x283: {  	v4 =	vld [tilespmem:s6+$0x160];
	(pc) =	sbr.rel @p0 .LBB2_18-.Ltmp8, $4  }
0x284: {  	[tilespmem:s6+$0x14100] =	vst.add.f32.msk $0xffff, v6  }
0x285: {  	[tilespmem:s6+$0x14110] =	vst.add.f32.msk $0xffff, v7  }
0x286: {  	[tilespmem:s6+$0x14120] =	vst.add.f32.msk $0xffff, v8  }
0x287: {  	s13 =	sadd.s32 $0x80, s13;
	s14 =	sadd.s32 $0x400, s14;
	s12 =	sadd.s32 $0x10, s12;
	[tilespmem:s6+$0x14130] =	vst.add.f32.msk $0xffff, v9  }
0x288: {  	[tilespmem:s6+$0x14140] =	vst.add.f32.msk $0xffff, v5  }
0x289: {  	[tilespmem:s6+$0x14150] =	vst.add.f32.msk $0xffff, v3  }
0x28a: {  	[tilespmem:s6+$0x14160] =	vst.add.f32.msk $0xffff, v4  }
0x28b: {  	s6 =	simm.s32 $0x0;
	s7 =	rddreg [dreg:$0x14]  }
0x28c: {  	[hbm4b:s7+s6] =	stream.linear.scatter [tilespmem:s19], [sflag:$0xB], $0x4000, $0x38;
	[tilespmem:$0x1C100] =	vst v63  }
0x28d: {  	_ =	swait.ge [sflag:s31], $0x4000  }
0x28e: {  	[sflag:s31] =	ssyncset.done $0x0  }
0x28f: {  	[sflag:s31] =	ssyncadd.s32 $0xFFFFC000  }
0x290: {  	v3 =	vld [tilespmem:$0xE0];
	_ =	sdelay $0x4  }
0x291: {  	v4 =	vshll.u32 v3, $0x3  }
0x292: {  	v3 =	vand.u32 $0x7, v3;
	v4 =	vand.u32 $0xFFFFFFC0, v4  }
0x293: {  	v3 =	vor.u32 v3, v4  }
0x294: {  	v4 =	vperm.xlane v3, v0;
	_ =	sdelay $0x1  }
0x295: {  	v4 =	vadd.s32 v1, v4;
	_ =	sdelay $0x4  }
0x296: {  	[tilespmem:s17], [sflag:$0x4] =	stream.indirect_vreg.gather [hbm4b:s2+s6], $0x80, v4, vm0, $0xb8;
	[tilespmem:$0x1C100] =	vst v63  }
0x297: {  	s14 =	simm.s32 $0xC900;
	v3 =	vperm.xlane v3, v2  }
0x298: {  	[tilespmem:s14], [sflag:$0x4] =	stream.indirect_vreg.gather [hbm4b:s8+s6], $0x80, v4, vm0, $0xb8;
	[tilespmem:$0x1C100] =	vst v63  }
0x299: {  	s15 =	simm.s32 $0xD100;
	v3 =	vadd.s32 v1, v3  }
0x29a: {  	[tilespmem:s15], [sflag:$0x4] =	stream.indirect_vreg.gather [hbm4b:s9+s6], $0x80, v4, vm0, $0xb8;
	[tilespmem:$0x1C100] =	vst v63  }
0x29b: {  	s16 =	simm.s32 $0xD900  }
0x29c: {  	[tilespmem:s16], [sflag:$0x4] =	stream.indirect_vreg.gather [hbm4b:s10+s6], $0x80, v4, vm0, $0xb8;
	[tilespmem:$0x1C100] =	vst v63  }
0x29d: {  	s12 =	simm.s32 $0xE100  }
0x29e: {  	[tilespmem:s12], [sflag:$0x4] =	stream.indirect_vreg.gather [hbm4b:s2+s6], $0x80, v3, vm0, $0xb8;
	[tilespmem:$0x1C100] =	vst v63  }
0x29f: {  	s13 =	simm.s32 $0xE900  }
0x2a0: {  	[tilespmem:s13], [sflag:$0x4] =	stream.indirect_vreg.gather [hbm4b:s8+s6], $0x80, v3, vm0, $0xb8;
	[tilespmem:$0x1C100] =	vst v63  }
0x2a1: {  	s14 =	simm.s32 $0xF100  }
0x2a2: {  	[tilespmem:s14], [sflag:$0x4] =	stream.indirect_vreg.gather [hbm4b:s9+s6], $0x80, v3, vm0, $0xb8;
	[tilespmem:$0x1C100] =	vst v63  }
0x2a3: {  	s15 =	simm.s32 $0xF900  }
0x2a4: {  	[tilespmem:s15], [sflag:$0x4] =	stream.indirect_vreg.gather [hbm4b:s10+s6], $0x80, v3, vm0, $0xb8;
	[tilespmem:$0x1C100] =	vst v63  }
0x2a5: {  	s16 =	sand.u32 $0x2000, s6;
	s12 =	sand.u32 $0x1C00, s6;
	_ =	swait.ge [sflag:s4], $0x4000  }
0x2a6: {  	s7 =	sor.u32 s12, s16;
	s6 =	sand.u32 $0x380, s6;
	[sflag:s4] =	ssyncset.done $0x0  }
0x2a7: {  	s6 =	sor.u32 s6, s7;
	[sflag:s4] =	ssyncadd.s32 $0xFFFFC000  }
0x2a8: {  	v3 =	vld [tilespmem:s6+$0x170]  }
0x2a9: {  	v6 =	vld [tilespmem:s6+$0x100]  }
0x2aa: {  	v7 =	vld [tilespmem:s6+$0x110]  }
0x2ab: {  	v8 =	vld [tilespmem:s6+$0x120]  }
0x2ac: {  	v9 =	vld [tilespmem:s6+$0x130]  }
0x2ad: {  	v5 =	vld [tilespmem:s6+$0x140]  }
0x2ae: {  	v4 =	vld [tilespmem:s6+$0x160]  }
0x2af: {  	[tilespmem:s6+$0x18170] =	vst.add.f32.msk $0xffff, v3  }
0x2b0: {  	v3 =	vld [tilespmem:s6+$0x150]  }
0x2b1: {  	[tilespmem:s6+$0x18100] =	vst.add.f32.msk $0xffff, v6  }
0x2b2: {  	[tilespmem:s6+$0x18110] =	vst.add.f32.msk $0xffff, v7  }
0x2b3: {  	s12 =	simm.s32 $0x10;
	[tilespmem:s6+$0x18120] =	vst.add.f32.msk $0xffff, v8  }
0x2b4: {  	s13 =	simm.s32 $0x80;
	s14 =	simm.s32 $0x400;
	s7 =	simm.s32 $0x0;
	[tilespmem:s6+$0x18130] =	vst.add.f32.msk $0xffff, v9  }
.LBB2_20:
0x2b5: {  	s15 =	sand.u32 $0x2000, s13;
	s16 =	sand.u32 $0x1C00, s14;
	s7 =	sadd.s32 $0x4, s7;
	[tilespmem:s6+$0x18140] =	vst.add.f32.msk $0xffff, v5  }
0x2b6: {  	s15 =	sor.u32 s16, s15;
	s16 =	sand.u32 $0x380, s12;
	p0 =	slt.u32 s7, $0x1FC;
	[tilespmem:s6+$0x18150] =	vst.add.f32.msk $0xffff, v3  }
0x2b7: {  	[tilespmem:s6+$0x18160] =	vst.add.f32.msk $0xffff, v4;
	s6 =	sor.u32 s16, s15  }
0x2b8: {  	v3 =	vld [tilespmem:s6+$0x170]  }
0x2b9: {  	v6 =	vld [tilespmem:s6+$0x100]  }
0x2ba: {  	v7 =	vld [tilespmem:s6+$0x110]  }
0x2bb: {  	v8 =	vld [tilespmem:s6+$0x120]  }
0x2bc: {  	v9 =	vld [tilespmem:s6+$0x130]  }
0x2bd: {  	[tilespmem:s6+$0x18170] =	vst.add.f32.msk $0xffff, v3  }
0x2be: {  	v5 =	vld [tilespmem:s6+$0x140]  }
0x2bf: {  	v3 =	vld [tilespmem:s6+$0x150]  }
.Ltmp9:
0x2c0: {  	v4 =	vld [tilespmem:s6+$0x160];
	(pc) =	sbr.rel @p0 .LBB2_20-.Ltmp9, $4  }
0x2c1: {  	[tilespmem:s6+$0x18100] =	vst.add.f32.msk $0xffff, v6  }
0x2c2: {  	[tilespmem:s6+$0x18110] =	vst.add.f32.msk $0xffff, v7  }
0x2c3: {  	[tilespmem:s6+$0x18120] =	vst.add.f32.msk $0xffff, v8  }
0x2c4: {  	s13 =	sadd.s32 $0x80, s13;
	s14 =	sadd.s32 $0x400, s14;
	s12 =	sadd.s32 $0x10, s12;
	[tilespmem:s6+$0x18130] =	vst.add.f32.msk $0xffff, v9  }
0x2c5: {  	[tilespmem:s6+$0x18140] =	vst.add.f32.msk $0xffff, v5  }
0x2c6: {  	[tilespmem:s6+$0x18150] =	vst.add.f32.msk $0xffff, v3  }
0x2c7: {  	[tilespmem:s6+$0x18160] =	vst.add.f32.msk $0xffff, v4  }
0x2c8: {  	s6 =	simm.s32 $0x0;
	s7 =	rddreg [dreg:$0x18]  }
0x2c9: {  	[hbm4b:s7+s6] =	stream.linear.scatter [tilespmem:s30], [sflag:$0xC], $0x4000, $0x38;
	[tilespmem:$0x1C100] =	vst v63  }
0x2ca: {  	_ =	swait.ge [sflag:s20], $0x4000  }
0x2cb: {  	[sflag:s20] =	ssyncset.done $0x0  }
0x2cc: {  	[sflag:s20] =	ssyncadd.s32 $0xFFFFC000  }
0x2cd: {  	v3 =	vld [tilespmem:$0x30];
	_ =	sdelay $0x4  }
0x2ce: {  	v4 =	vshll.u32 v3, $0x3  }
0x2cf: {  	v3 =	vand.u32 $0x7, v3;
	v4 =	vand.u32 $0xFFFFFFC0, v4  }
0x2d0: {  	v3 =	vor.u32 v3, v4  }
0x2d1: {  	v4 =	vperm.xlane v3, v0;
	_ =	sdelay $0x1  }
0x2d2: {  	v4 =	vadd.s32 v1, v4;
	_ =	sdelay $0x4  }
0x2d3: {  	[tilespmem:s25], [sflag:$0x5] =	stream.indirect_vreg.gather [hbm4b:s2+s6], $0x80, v4, vm0, $0xb8;
	[tilespmem:$0x1C100] =	vst v63  }
0x2d4: {  	s14 =	simm.s32 $0x10900;
	v3 =	vperm.xlane v3, v2  }
0x2d5: {  	[tilespmem:s14], [sflag:$0x5] =	stream.indirect_vreg.gather [hbm4b:s8+s6], $0x80, v4, vm0, $0xb8;
	[tilespmem:$0x1C100] =	vst v63  }
0x2d6: {  	s15 =	simm.s32 $0x11100;
	v3 =	vadd.s32 v1, v3  }
0x2d7: {  	[tilespmem:s15], [sflag:$0x5] =	stream.indirect_vreg.gather [hbm4b:s9+s6], $0x80, v4, vm0, $0xb8;
	[tilespmem:$0x1C100] =	vst v63  }
0x2d8: {  	s16 =	simm.s32 $0x11900  }
0x2d9: {  	[tilespmem:s16], [sflag:$0x5] =	stream.indirect_vreg.gather [hbm4b:s10+s6], $0x80, v4, vm0, $0xb8;
	[tilespmem:$0x1C100] =	vst v63  }
0x2da: {  	s12 =	simm.s32 $0x12100  }
0x2db: {  	[tilespmem:s12], [sflag:$0x5] =	stream.indirect_vreg.gather [hbm4b:s2+s6], $0x80, v3, vm0, $0xb8;
	[tilespmem:$0x1C100] =	vst v63  }
0x2dc: {  	s13 =	simm.s32 $0x12900  }
0x2dd: {  	[tilespmem:s13], [sflag:$0x5] =	stream.indirect_vreg.gather [hbm4b:s8+s6], $0x80, v3, vm0, $0xb8;
	[tilespmem:$0x1C100] =	vst v63  }
0x2de: {  	s14 =	simm.s32 $0x13100  }
0x2df: {  	[tilespmem:s14], [sflag:$0x5] =	stream.indirect_vreg.gather [hbm4b:s9+s6], $0x80, v3, vm0, $0xb8;
	[tilespmem:$0x1C100] =	vst v63  }
0x2e0: {  	s15 =	simm.s32 $0x13900  }
0x2e1: {  	[tilespmem:s15], [sflag:$0x5] =	stream.indirect_vreg.gather [hbm4b:s10+s6], $0x80, v3, vm0, $0xb8;
	[tilespmem:$0x1C100] =	vst v63  }
0x2e2: {  	s16 =	sand.u32 $0x2000, s6;
	s12 =	sand.u32 $0x1C00, s6;
	_ =	swait.ge [sflag:s18], $0x4000  }
0x2e3: {  	s7 =	sor.u32 s12, s16;
	s6 =	sand.u32 $0x380, s6;
	[sflag:s18] =	ssyncset.done $0x0  }
0x2e4: {  	s6 =	sor.u32 s6, s7;
	[sflag:s18] =	ssyncadd.s32 $0xFFFFC000  }
0x2e5: {  	v3 =	vld [tilespmem:s6+$0x170]  }
0x2e6: {  	v6 =	vld [tilespmem:s6+$0x100]  }
0x2e7: {  	v7 =	vld [tilespmem:s6+$0x110]  }
0x2e8: {  	v8 =	vld [tilespmem:s6+$0x120]  }
0x2e9: {  	v9 =	vld [tilespmem:s6+$0x130]  }
0x2ea: {  	v5 =	vld [tilespmem:s6+$0x140]  }
0x2eb: {  	v4 =	vld [tilespmem:s6+$0x160]  }
0x2ec: {  	[tilespmem:s6+$0x8170] =	vst.add.f32.msk $0xffff, v3  }
0x2ed: {  	v3 =	vld [tilespmem:s6+$0x150]  }
0x2ee: {  	[tilespmem:s6+$0x8100] =	vst.add.f32.msk $0xffff, v6  }
0x2ef: {  	[tilespmem:s6+$0x8110] =	vst.add.f32.msk $0xffff, v7  }
0x2f0: {  	s12 =	simm.s32 $0x10;
	[tilespmem:s6+$0x8120] =	vst.add.f32.msk $0xffff, v8  }
0x2f1: {  	s13 =	simm.s32 $0x80;
	s14 =	simm.s32 $0x400;
	s7 =	simm.s32 $0x0;
	[tilespmem:s6+$0x8130] =	vst.add.f32.msk $0xffff, v9  }
.LBB2_22:
0x2f2: {  	s15 =	sand.u32 $0x2000, s13;
	s16 =	sand.u32 $0x1C00, s14;
	s7 =	sadd.s32 $0x4, s7;
	[tilespmem:s6+$0x8140] =	vst.add.f32.msk $0xffff, v5  }
0x2f3: {  	s15 =	sor.u32 s16, s15;
	s16 =	sand.u32 $0x380, s12;
	p0 =	slt.u32 s7, $0x1FC;
	[tilespmem:s6+$0x8150] =	vst.add.f32.msk $0xffff, v3  }
0x2f4: {  	[tilespmem:s6+$0x8160] =	vst.add.f32.msk $0xffff, v4;
	s6 =	sor.u32 s16, s15  }
0x2f5: {  	v3 =	vld [tilespmem:s6+$0x170]  }
0x2f6: {  	v6 =	vld [tilespmem:s6+$0x100]  }
0x2f7: {  	v7 =	vld [tilespmem:s6+$0x110]  }
0x2f8: {  	v8 =	vld [tilespmem:s6+$0x120]  }
0x2f9: {  	v9 =	vld [tilespmem:s6+$0x130]  }
0x2fa: {  	[tilespmem:s6+$0x8170] =	vst.add.f32.msk $0xffff, v3  }
0x2fb: {  	v5 =	vld [tilespmem:s6+$0x140]  }
0x2fc: {  	v3 =	vld [tilespmem:s6+$0x150]  }
.Ltmp10:
0x2fd: {  	v4 =	vld [tilespmem:s6+$0x160];
	(pc) =	sbr.rel @p0 .LBB2_22-.Ltmp10, $4  }
0x2fe: {  	[tilespmem:s6+$0x8100] =	vst.add.f32.msk $0xffff, v6  }
0x2ff: {  	[tilespmem:s6+$0x8110] =	vst.add.f32.msk $0xffff, v7  }
0x300: {  	[tilespmem:s6+$0x8120] =	vst.add.f32.msk $0xffff, v8  }
0x301: {  	s13 =	sadd.s32 $0x80, s13;
	s14 =	sadd.s32 $0x400, s14;
	s12 =	sadd.s32 $0x10, s12;
	[tilespmem:s6+$0x8130] =	vst.add.f32.msk $0xffff, v9  }
0x302: {  	[tilespmem:s6+$0x8140] =	vst.add.f32.msk $0xffff, v5  }
0x303: {  	[tilespmem:s6+$0x8150] =	vst.add.f32.msk $0xffff, v3  }
0x304: {  	[tilespmem:s6+$0x8160] =	vst.add.f32.msk $0xffff, v4  }
0x305: {  	s6 =	simm.s32 $0x0;
	s7 =	rddreg [dreg:$0x19]  }
0x306: {  	[hbm4b:s7+s6] =	stream.linear.scatter [tilespmem:s5], [sflag:$0x8], $0x4000, $0x38;
	[tilespmem:$0x1C100] =	vst v63  }
0x307: {  	_ =	swait.ge [sflag:s21], $0x4000  }
0x308: {  	[sflag:s21] =	ssyncset.done $0x0  }
0x309: {  	[sflag:s21] =	ssyncadd.s32 $0xFFFFC000  }
0x30a: {  	v3 =	vld [tilespmem:$0x70];
	_ =	sdelay $0x4  }
0x30b: {  	v4 =	vshll.u32 v3, $0x3  }
0x30c: {  	v3 =	vand.u32 $0x7, v3;
	v4 =	vand.u32 $0xFFFFFFC0, v4  }
0x30d: {  	v3 =	vor.u32 v3, v4  }
0x30e: {  	v4 =	vperm.xlane v3, v0;
	_ =	sdelay $0x1  }
0x30f: {  	v4 =	vadd.s32 v1, v4;
	_ =	sdelay $0x4  }
0x310: {  	[tilespmem:s19], [sflag:$0x6] =	stream.indirect_vreg.gather [hbm4b:s2+s6], $0x80, v4, vm0, $0xb8;
	[tilespmem:$0x1C100] =	vst v63  }
0x311: {  	s14 =	simm.s32 $0x14900;
	v3 =	vperm.xlane v3, v2  }
0x312: {  	[tilespmem:s14], [sflag:$0x6] =	stream.indirect_vreg.gather [hbm4b:s8+s6], $0x80, v4, vm0, $0xb8;
	[tilespmem:$0x1C100] =	vst v63  }
0x313: {  	s15 =	simm.s32 $0x15100;
	v3 =	vadd.s32 v1, v3  }
0x314: {  	[tilespmem:s15], [sflag:$0x6] =	stream.indirect_vreg.gather [hbm4b:s9+s6], $0x80, v4, vm0, $0xb8;
	[tilespmem:$0x1C100] =	vst v63  }
0x315: {  	s16 =	simm.s32 $0x15900  }
0x316: {  	[tilespmem:s16], [sflag:$0x6] =	stream.indirect_vreg.gather [hbm4b:s10+s6], $0x80, v4, vm0, $0xb8;
	[tilespmem:$0x1C100] =	vst v63  }
0x317: {  	s12 =	simm.s32 $0x16100  }
0x318: {  	[tilespmem:s12], [sflag:$0x6] =	stream.indirect_vreg.gather [hbm4b:s2+s6], $0x80, v3, vm0, $0xb8;
	[tilespmem:$0x1C100] =	vst v63  }
0x319: {  	s13 =	simm.s32 $0x16900  }
0x31a: {  	[tilespmem:s13], [sflag:$0x6] =	stream.indirect_vreg.gather [hbm4b:s8+s6], $0x80, v3, vm0, $0xb8;
	[tilespmem:$0x1C100] =	vst v63  }
0x31b: {  	s14 =	simm.s32 $0x17100  }
0x31c: {  	[tilespmem:s14], [sflag:$0x6] =	stream.indirect_vreg.gather [hbm4b:s9+s6], $0x80, v3, vm0, $0xb8;
	[tilespmem:$0x1C100] =	vst v63  }
0x31d: {  	s15 =	simm.s32 $0x17900  }
0x31e: {  	[tilespmem:s15], [sflag:$0x6] =	stream.indirect_vreg.gather [hbm4b:s10+s6], $0x80, v3, vm0, $0xb8;
	[tilespmem:$0x1C100] =	vst v63  }
0x31f: {  	s16 =	sand.u32 $0x2000, s6;
	s12 =	sand.u32 $0x1C00, s6;
	_ =	swait.ge [sflag:s29], $0x4000  }
0x320: {  	s7 =	sor.u32 s12, s16;
	s6 =	sand.u32 $0x380, s6;
	[sflag:s29] =	ssyncset.done $0x0  }
0x321: {  	s6 =	sor.u32 s6, s7;
	[sflag:s29] =	ssyncadd.s32 $0xFFFFC000  }
0x322: {  	v3 =	vld [tilespmem:s6+$0x170]  }
0x323: {  	v6 =	vld [tilespmem:s6+$0x100]  }
0x324: {  	v7 =	vld [tilespmem:s6+$0x110]  }
0x325: {  	v8 =	vld [tilespmem:s6+$0x120]  }
0x326: {  	v9 =	vld [tilespmem:s6+$0x130]  }
0x327: {  	v5 =	vld [tilespmem:s6+$0x140]  }
0x328: {  	v4 =	vld [tilespmem:s6+$0x160]  }
0x329: {  	[tilespmem:s6+$0xC170] =	vst.add.f32.msk $0xffff, v3  }
0x32a: {  	v3 =	vld [tilespmem:s6+$0x150]  }
0x32b: {  	[tilespmem:s6+$0xC100] =	vst.add.f32.msk $0xffff, v6  }
0x32c: {  	[tilespmem:s6+$0xC110] =	vst.add.f32.msk $0xffff, v7  }
0x32d: {  	s12 =	simm.s32 $0x10;
	[tilespmem:s6+$0xC120] =	vst.add.f32.msk $0xffff, v8  }
0x32e: {  	s13 =	simm.s32 $0x80;
	s14 =	simm.s32 $0x400;
	s7 =	simm.s32 $0x0;
	[tilespmem:s6+$0xC130] =	vst.add.f32.msk $0xffff, v9  }
.LBB2_24:
0x32f: {  	s15 =	sand.u32 $0x2000, s13;
	s16 =	sand.u32 $0x1C00, s14;
	s7 =	sadd.s32 $0x4, s7;
	[tilespmem:s6+$0xC140] =	vst.add.f32.msk $0xffff, v5  }
0x330: {  	s15 =	sor.u32 s16, s15;
	s16 =	sand.u32 $0x380, s12;
	p0 =	slt.u32 s7, $0x1FC;
	[tilespmem:s6+$0xC150] =	vst.add.f32.msk $0xffff, v3  }
0x331: {  	[tilespmem:s6+$0xC160] =	vst.add.f32.msk $0xffff, v4;
	s6 =	sor.u32 s16, s15  }
0x332: {  	v3 =	vld [tilespmem:s6+$0x170]  }
0x333: {  	v6 =	vld [tilespmem:s6+$0x100]  }
0x334: {  	v7 =	vld [tilespmem:s6+$0x110]  }
0x335: {  	v8 =	vld [tilespmem:s6+$0x120]  }
0x336: {  	v9 =	vld [tilespmem:s6+$0x130]  }
0x337: {  	[tilespmem:s6+$0xC170] =	vst.add.f32.msk $0xffff, v3  }
0x338: {  	v5 =	vld [tilespmem:s6+$0x140]  }
0x339: {  	v3 =	vld [tilespmem:s6+$0x150]  }
.Ltmp11:
0x33a: {  	v4 =	vld [tilespmem:s6+$0x160];
	(pc) =	sbr.rel @p0 .LBB2_24-.Ltmp11, $4  }
0x33b: {  	[tilespmem:s6+$0xC100] =	vst.add.f32.msk $0xffff, v6  }
0x33c: {  	[tilespmem:s6+$0xC110] =	vst.add.f32.msk $0xffff, v7  }
0x33d: {  	[tilespmem:s6+$0xC120] =	vst.add.f32.msk $0xffff, v8  }
0x33e: {  	s13 =	sadd.s32 $0x80, s13;
	s14 =	sadd.s32 $0x400, s14;
	s12 =	sadd.s32 $0x10, s12;
	[tilespmem:s6+$0xC130] =	vst.add.f32.msk $0xffff, v9  }
0x33f: {  	[tilespmem:s6+$0xC140] =	vst.add.f32.msk $0xffff, v5  }
0x340: {  	[tilespmem:s6+$0xC150] =	vst.add.f32.msk $0xffff, v3  }
0x341: {  	[tilespmem:s6+$0xC160] =	vst.add.f32.msk $0xffff, v4  }
0x342: {  	s6 =	simm.s32 $0x0;
	s7 =	rddreg [dreg:$0x1a]  }
0x343: {  	[hbm4b:s7+s6] =	stream.linear.scatter [tilespmem:s17], [sflag:$0x9], $0x4000, $0x38;
	[tilespmem:$0x1C100] =	vst v63  }
0x344: {  	_ =	swait.ge [sflag:s22], $0x4000  }
0x345: {  	[sflag:s22] =	ssyncset.done $0x0  }
0x346: {  	[sflag:s22] =	ssyncadd.s32 $0xFFFFC000  }
0x347: {  	v3 =	vld [tilespmem:$0xB0];
	_ =	sdelay $0x4  }
0x348: {  	v4 =	vshll.u32 v3, $0x3  }
0x349: {  	v3 =	vand.u32 $0x7, v3;
	v4 =	vand.u32 $0xFFFFFFC0, v4  }
0x34a: {  	v3 =	vor.u32 v3, v4  }
0x34b: {  	v4 =	vperm.xlane v3, v0;
	_ =	sdelay $0x1  }
0x34c: {  	v4 =	vadd.s32 v1, v4;
	_ =	sdelay $0x4  }
0x34d: {  	[tilespmem:s30], [sflag:$0x7] =	stream.indirect_vreg.gather [hbm4b:s2+s6], $0x80, v4, vm0, $0xb8;
	[tilespmem:$0x1C100] =	vst v63  }
0x34e: {  	s14 =	simm.s32 $0x18900;
	v3 =	vperm.xlane v3, v2  }
0x34f: {  	[tilespmem:s14], [sflag:$0x7] =	stream.indirect_vreg.gather [hbm4b:s8+s6], $0x80, v4, vm0, $0xb8;
	[tilespmem:$0x1C100] =	vst v63  }
0x350: {  	s15 =	simm.s32 $0x19100;
	v3 =	vadd.s32 v1, v3  }
0x351: {  	[tilespmem:s15], [sflag:$0x7] =	stream.indirect_vreg.gather [hbm4b:s9+s6], $0x80, v4, vm0, $0xb8;
	[tilespmem:$0x1C100] =	vst v63  }
0x352: {  	s16 =	simm.s32 $0x19900  }
0x353: {  	[tilespmem:s16], [sflag:$0x7] =	stream.indirect_vreg.gather [hbm4b:s10+s6], $0x80, v4, vm0, $0xb8;
	[tilespmem:$0x1C100] =	vst v63  }
0x354: {  	s12 =	simm.s32 $0x1A100  }
0x355: {  	[tilespmem:s12], [sflag:$0x7] =	stream.indirect_vreg.gather [hbm4b:s2+s6], $0x80, v3, vm0, $0xb8;
	[tilespmem:$0x1C100] =	vst v63  }
0x356: {  	s13 =	simm.s32 $0x1A900  }
0x357: {  	[tilespmem:s13], [sflag:$0x7] =	stream.indirect_vreg.gather [hbm4b:s8+s6], $0x80, v3, vm0, $0xb8;
	[tilespmem:$0x1C100] =	vst v63  }
0x358: {  	s14 =	simm.s32 $0x1B100  }
0x359: {  	[tilespmem:s14], [sflag:$0x7] =	stream.indirect_vreg.gather [hbm4b:s9+s6], $0x80, v3, vm0, $0xb8;
	[tilespmem:$0x1C100] =	vst v63  }
0x35a: {  	s15 =	simm.s32 $0x1B900  }
0x35b: {  	[tilespmem:s15], [sflag:$0x7] =	stream.indirect_vreg.gather [hbm4b:s10+s6], $0x80, v3, vm0, $0xb8;
	[tilespmem:$0x1C100] =	vst v63  }
0x35c: {  	_ =	swait.ge [sflag:s0], $0x4000  }
0x35d: {  	[sflag:s0] =	ssyncset.done $0x0  }
0x35e: {  	[sflag:s0] =	ssyncadd.s32 $0xFFFFC000  }
0x35f: {  	s16 =	sand.u32 $0x2000, s6;
	s12 =	sand.u32 $0x1C00, s6;
	_ =	swait.ge [sflag:s24], $0x4000  }
0x360: {  	s7 =	sor.u32 s12, s16;
	s6 =	sand.u32 $0x380, s6;
	[sflag:s24] =	ssyncset.done $0x0  }
0x361: {  	s6 =	sor.u32 s6, s7;
	[sflag:s24] =	ssyncadd.s32 $0xFFFFC000  }
0x362: {  	v3 =	vld [tilespmem:s6+$0x4170]  }
0x363: {  	v6 =	vld [tilespmem:s6+$0x4100]  }
0x364: {  	v7 =	vld [tilespmem:s6+$0x4110]  }
0x365: {  	v8 =	vld [tilespmem:s6+$0x4120]  }
0x366: {  	v9 =	vld [tilespmem:s6+$0x4130]  }
0x367: {  	v5 =	vld [tilespmem:s6+$0x4140]  }
0x368: {  	v4 =	vld [tilespmem:s6+$0x4160]  }
0x369: {  	[tilespmem:s6+$0x10170] =	vst.add.f32.msk $0xffff, v3  }
0x36a: {  	v3 =	vld [tilespmem:s6+$0x4150]  }
0x36b: {  	[tilespmem:s6+$0x10100] =	vst.add.f32.msk $0xffff, v6  }
0x36c: {  	[tilespmem:s6+$0x10110] =	vst.add.f32.msk $0xffff, v7  }
0x36d: {  	s12 =	simm.s32 $0x10;
	[tilespmem:s6+$0x10120] =	vst.add.f32.msk $0xffff, v8  }
0x36e: {  	s13 =	simm.s32 $0x80;
	s14 =	simm.s32 $0x400;
	s7 =	simm.s32 $0x0;
	[tilespmem:s6+$0x10130] =	vst.add.f32.msk $0xffff, v9  }
.LBB2_26:
0x36f: {  	s15 =	sand.u32 $0x2000, s13;
	s16 =	sand.u32 $0x1C00, s14;
	s7 =	sadd.s32 $0x4, s7;
	[tilespmem:s6+$0x10140] =	vst.add.f32.msk $0xffff, v5  }
0x370: {  	s15 =	sor.u32 s16, s15;
	s16 =	sand.u32 $0x380, s12;
	p0 =	slt.u32 s7, $0x1FC;
	[tilespmem:s6+$0x10150] =	vst.add.f32.msk $0xffff, v3  }
0x371: {  	[tilespmem:s6+$0x10160] =	vst.add.f32.msk $0xffff, v4;
	s6 =	sor.u32 s16, s15  }
0x372: {  	v3 =	vld [tilespmem:s6+$0x4170]  }
0x373: {  	v6 =	vld [tilespmem:s6+$0x4100]  }
0x374: {  	v7 =	vld [tilespmem:s6+$0x4110]  }
0x375: {  	v8 =	vld [tilespmem:s6+$0x4120]  }
0x376: {  	v9 =	vld [tilespmem:s6+$0x4130]  }
0x377: {  	[tilespmem:s6+$0x10170] =	vst.add.f32.msk $0xffff, v3  }
0x378: {  	v5 =	vld [tilespmem:s6+$0x4140]  }
0x379: {  	v3 =	vld [tilespmem:s6+$0x4150]  }
.Ltmp12:
0x37a: {  	v4 =	vld [tilespmem:s6+$0x4160];
	(pc) =	sbr.rel @p0 .LBB2_26-.Ltmp12, $4  }
0x37b: {  	[tilespmem:s6+$0x10100] =	vst.add.f32.msk $0xffff, v6  }
0x37c: {  	[tilespmem:s6+$0x10110] =	vst.add.f32.msk $0xffff, v7  }
0x37d: {  	[tilespmem:s6+$0x10120] =	vst.add.f32.msk $0xffff, v8  }
0x37e: {  	s13 =	sadd.s32 $0x80, s13;
	s14 =	sadd.s32 $0x400, s14;
	s12 =	sadd.s32 $0x10, s12;
	[tilespmem:s6+$0x10130] =	vst.add.f32.msk $0xffff, v9  }
0x37f: {  	[tilespmem:s6+$0x10140] =	vst.add.f32.msk $0xffff, v5  }
0x380: {  	[tilespmem:s6+$0x10150] =	vst.add.f32.msk $0xffff, v3  }
0x381: {  	[tilespmem:s6+$0x10160] =	vst.add.f32.msk $0xffff, v4  }
0x382: {  	s6 =	simm.s32 $0x0;
	s7 =	rddreg [dreg:$0x15]  }
0x383: {  	[hbm4b:s7+s6] =	stream.linear.scatter [tilespmem:s25], [sflag:$0xA], $0x4000, $0x38;
	[tilespmem:$0x1C100] =	vst v63  }
0x384: {  	_ =	swait.ge [sflag:s26], $0x4000  }
0x385: {  	[sflag:s26] =	ssyncset.done $0x0  }
0x386: {  	[sflag:s26] =	ssyncadd.s32 $0xFFFFC000  }
0x387: {  	v3 =	vld [tilespmem:$0xF0];
	_ =	sdelay $0x4  }
0x388: {  	v4 =	vshll.u32 v3, $0x3  }
0x389: {  	v3 =	vand.u32 $0x7, v3;
	v4 =	vand.u32 $0xFFFFFFC0, v4  }
0x38a: {  	v3 =	vor.u32 v3, v4  }
0x38b: {  	v4 =	vperm.xlane v3, v0;
	_ =	sdelay $0x1  }
0x38c: {  	v4 =	vadd.s32 v1, v4;
	_ =	sdelay $0x4  }
0x38d: {  	[tilespmem:s5], [sflag:$0x3] =	stream.indirect_vreg.gather [hbm4b:s2+s6], $0x80, v4, vm0, $0xb8;
	[tilespmem:$0x1C100] =	vst v63  }
0x38e: {  	s14 =	simm.s32 $0x8900;
	v3 =	vperm.xlane v3, v2  }
0x38f: {  	[tilespmem:s14], [sflag:$0x3] =	stream.indirect_vreg.gather [hbm4b:s8+s6], $0x80, v4, vm0, $0xb8;
	[tilespmem:$0x1C100] =	vst v63  }
0x390: {  	s15 =	simm.s32 $0x9100;
	v3 =	vadd.s32 v1, v3  }
0x391: {  	[tilespmem:s15], [sflag:$0x3] =	stream.indirect_vreg.gather [hbm4b:s9+s6], $0x80, v4, vm0, $0xb8;
	[tilespmem:$0x1C100] =	vst v63  }
0x392: {  	s16 =	simm.s32 $0x9900  }
0x393: {  	[tilespmem:s16], [sflag:$0x3] =	stream.indirect_vreg.gather [hbm4b:s10+s6], $0x80, v4, vm0, $0xb8;
	[tilespmem:$0x1C100] =	vst v63  }
0x394: {  	s12 =	simm.s32 $0xA100  }
0x395: {  	[tilespmem:s12], [sflag:$0x3] =	stream.indirect_vreg.gather [hbm4b:s2+s6], $0x80, v3, vm0, $0xb8;
	[tilespmem:$0x1C100] =	vst v63  }
0x396: {  	s13 =	simm.s32 $0xA900  }
0x397: {  	[tilespmem:s13], [sflag:$0x3] =	stream.indirect_vreg.gather [hbm4b:s8+s6], $0x80, v3, vm0, $0xb8;
	[tilespmem:$0x1C100] =	vst v63  }
0x398: {  	s14 =	simm.s32 $0xB100  }
0x399: {  	[tilespmem:s14], [sflag:$0x3] =	stream.indirect_vreg.gather [hbm4b:s9+s6], $0x80, v3, vm0, $0xb8;
	[tilespmem:$0x1C100] =	vst v63  }
0x39a: {  	s15 =	simm.s32 $0xB900  }
0x39b: {  	[tilespmem:s15], [sflag:$0x3] =	stream.indirect_vreg.gather [hbm4b:s10+s6], $0x80, v3, vm0, $0xb8;
	[tilespmem:$0x1C100] =	vst v63  }
0x39c: {  	s16 =	sand.u32 $0x2000, s6;
	s12 =	sand.u32 $0x1C00, s6;
	_ =	swait.ge [sflag:s28], $0x4000  }
0x39d: {  	s7 =	sor.u32 s12, s16;
	s6 =	sand.u32 $0x380, s6;
	[sflag:s28] =	ssyncset.done $0x0  }
0x39e: {  	s6 =	sor.u32 s6, s7;
	[sflag:s28] =	ssyncadd.s32 $0xFFFFC000  }
0x39f: {  	v3 =	vld [tilespmem:s6+$0x4170]  }
0x3a0: {  	v6 =	vld [tilespmem:s6+$0x4100]  }
0x3a1: {  	v7 =	vld [tilespmem:s6+$0x4110]  }
0x3a2: {  	v8 =	vld [tilespmem:s6+$0x4120]  }
0x3a3: {  	v9 =	vld [tilespmem:s6+$0x4130]  }
0x3a4: {  	v5 =	vld [tilespmem:s6+$0x4140]  }
0x3a5: {  	v4 =	vld [tilespmem:s6+$0x4160]  }
0x3a6: {  	[tilespmem:s6+$0x14170] =	vst.add.f32.msk $0xffff, v3  }
0x3a7: {  	v3 =	vld [tilespmem:s6+$0x4150]  }
0x3a8: {  	[tilespmem:s6+$0x14100] =	vst.add.f32.msk $0xffff, v6  }
0x3a9: {  	[tilespmem:s6+$0x14110] =	vst.add.f32.msk $0xffff, v7  }
0x3aa: {  	s12 =	simm.s32 $0x10;
	[tilespmem:s6+$0x14120] =	vst.add.f32.msk $0xffff, v8  }
0x3ab: {  	s13 =	simm.s32 $0x80;
	s14 =	simm.s32 $0x400;
	s7 =	simm.s32 $0x0;
	[tilespmem:s6+$0x14130] =	vst.add.f32.msk $0xffff, v9  }
.LBB2_28:
0x3ac: {  	s15 =	sand.u32 $0x2000, s13;
	s16 =	sand.u32 $0x1C00, s14;
	s7 =	sadd.s32 $0x4, s7;
	[tilespmem:s6+$0x14140] =	vst.add.f32.msk $0xffff, v5  }
0x3ad: {  	s15 =	sor.u32 s16, s15;
	s16 =	sand.u32 $0x380, s12;
	p0 =	slt.u32 s7, $0x1FC;
	[tilespmem:s6+$0x14150] =	vst.add.f32.msk $0xffff, v3  }
0x3ae: {  	[tilespmem:s6+$0x14160] =	vst.add.f32.msk $0xffff, v4;
	s6 =	sor.u32 s16, s15  }
0x3af: {  	v3 =	vld [tilespmem:s6+$0x4170]  }
0x3b0: {  	v6 =	vld [tilespmem:s6+$0x4100]  }
0x3b1: {  	v7 =	vld [tilespmem:s6+$0x4110]  }
0x3b2: {  	v8 =	vld [tilespmem:s6+$0x4120]  }
0x3b3: {  	v9 =	vld [tilespmem:s6+$0x4130]  }
0x3b4: {  	[tilespmem:s6+$0x14170] =	vst.add.f32.msk $0xffff, v3  }
0x3b5: {  	v5 =	vld [tilespmem:s6+$0x4140]  }
0x3b6: {  	v3 =	vld [tilespmem:s6+$0x4150]  }
.Ltmp13:
0x3b7: {  	v4 =	vld [tilespmem:s6+$0x4160];
	(pc) =	sbr.rel @p0 .LBB2_28-.Ltmp13, $4  }
0x3b8: {  	[tilespmem:s6+$0x14100] =	vst.add.f32.msk $0xffff, v6  }
0x3b9: {  	[tilespmem:s6+$0x14110] =	vst.add.f32.msk $0xffff, v7  }
0x3ba: {  	[tilespmem:s6+$0x14120] =	vst.add.f32.msk $0xffff, v8  }
0x3bb: {  	s13 =	sadd.s32 $0x80, s13;
	s14 =	sadd.s32 $0x400, s14;
	s12 =	sadd.s32 $0x10, s12;
	[tilespmem:s6+$0x14130] =	vst.add.f32.msk $0xffff, v9  }
0x3bc: {  	[tilespmem:s6+$0x14140] =	vst.add.f32.msk $0xffff, v5  }
0x3bd: {  	[tilespmem:s6+$0x14150] =	vst.add.f32.msk $0xffff, v3  }
0x3be: {  	[tilespmem:s6+$0x14160] =	vst.add.f32.msk $0xffff, v4  }
0x3bf: {  	s15 =	simm.s32 $0x0;
	s7 =	rddreg [dreg:$0x1b]  }
0x3c0: {  	[hbm4b:s7+s15] =	stream.linear.scatter [tilespmem:s19], [sflag:$0xB], $0x4000, $0x38;
	[tilespmem:$0x1C100] =	vst v63  }
0x3c1: {  	s16 =	sand.u32 $0x2000, s15;
	s12 =	sand.u32 $0x1C00, s15;
	_ =	swait.ge [sflag:s4], $0x4000  }
0x3c2: {  	s6 =	sand.u32 $0x380, s15;
	s7 =	sor.u32 s12, s16;
	[sflag:s4] =	ssyncset.done $0x0  }
0x3c3: {  	s6 =	sor.u32 s6, s7;
	[sflag:s4] =	ssyncadd.s32 $0xFFFFC000  }
0x3c4: {  	v3 =	vld [tilespmem:s6+$0x4170]  }
0x3c5: {  	v6 =	vld [tilespmem:s6+$0x4100]  }
0x3c6: {  	v7 =	vld [tilespmem:s6+$0x4110]  }
0x3c7: {  	v8 =	vld [tilespmem:s6+$0x4120]  }
0x3c8: {  	v9 =	vld [tilespmem:s6+$0x4130]  }
0x3c9: {  	v5 =	vld [tilespmem:s6+$0x4140]  }
0x3ca: {  	v4 =	vld [tilespmem:s6+$0x4160]  }
0x3cb: {  	[tilespmem:s6+$0x18170] =	vst.add.f32.msk $0xffff, v3  }
0x3cc: {  	v3 =	vld [tilespmem:s6+$0x4150]  }
0x3cd: {  	[tilespmem:s6+$0x18100] =	vst.add.f32.msk $0xffff, v6  }
0x3ce: {  	[tilespmem:s6+$0x18110] =	vst.add.f32.msk $0xffff, v7  }
0x3cf: {  	s13 =	simm.s32 $0x80;
	[tilespmem:s6+$0x18120] =	vst.add.f32.msk $0xffff, v8  }
0x3d0: {  	s14 =	simm.s32 $0x400;
	s12 =	simm.s32 $0x10;
	s7 =	simm.s32 $0x0;
	[tilespmem:s6+$0x18130] =	vst.add.f32.msk $0xffff, v9  }
.LBB2_30:
0x3d1: {  	s15 =	sand.u32 $0x2000, s13;
	s16 =	sand.u32 $0x1C00, s14;
	s7 =	sadd.s32 $0x4, s7;
	[tilespmem:s6+$0x18140] =	vst.add.f32.msk $0xffff, v5  }
0x3d2: {  	s15 =	sor.u32 s16, s15;
	s16 =	sand.u32 $0x380, s12;
	p0 =	slt.u32 s7, $0x1FC;
	[tilespmem:s6+$0x18150] =	vst.add.f32.msk $0xffff, v3  }
0x3d3: {  	[tilespmem:s6+$0x18160] =	vst.add.f32.msk $0xffff, v4;
	s6 =	sor.u32 s16, s15  }
0x3d4: {  	v3 =	vld [tilespmem:s6+$0x4170]  }
0x3d5: {  	v6 =	vld [tilespmem:s6+$0x4100]  }
0x3d6: {  	v7 =	vld [tilespmem:s6+$0x4110]  }
0x3d7: {  	v8 =	vld [tilespmem:s6+$0x4120]  }
0x3d8: {  	v9 =	vld [tilespmem:s6+$0x4130]  }
0x3d9: {  	[tilespmem:s6+$0x18170] =	vst.add.f32.msk $0xffff, v3  }
0x3da: {  	v5 =	vld [tilespmem:s6+$0x4140]  }
0x3db: {  	v3 =	vld [tilespmem:s6+$0x4150]  }
.Ltmp14:
0x3dc: {  	v4 =	vld [tilespmem:s6+$0x4160];
	(pc) =	sbr.rel @p0 .LBB2_30-.Ltmp14, $4  }
0x3dd: {  	[tilespmem:s6+$0x18100] =	vst.add.f32.msk $0xffff, v6  }
0x3de: {  	[tilespmem:s6+$0x18110] =	vst.add.f32.msk $0xffff, v7  }
0x3df: {  	[tilespmem:s6+$0x18120] =	vst.add.f32.msk $0xffff, v8  }
0x3e0: {  	s13 =	sadd.s32 $0x80, s13;
	s14 =	sadd.s32 $0x400, s14;
	s12 =	sadd.s32 $0x10, s12;
	[tilespmem:s6+$0x18130] =	vst.add.f32.msk $0xffff, v9  }
0x3e1: {  	[tilespmem:s6+$0x18140] =	vst.add.f32.msk $0xffff, v5  }
0x3e2: {  	[tilespmem:s6+$0x18150] =	vst.add.f32.msk $0xffff, v3  }
0x3e3: {  	[tilespmem:s6+$0x18160] =	vst.add.f32.msk $0xffff, v4  }
0x3e4: {  	s15 =	simm.s32 $0x0;
	s7 =	rddreg [dreg:$0x1c]  }
0x3e5: {  	[hbm4b:s7+s15] =	stream.linear.scatter [tilespmem:s30], [sflag:$0xC], $0x4000, $0x38;
	[tilespmem:$0x1C100] =	vst v63  }
0x3e6: {  	s16 =	sand.u32 $0x2000, s15;
	s12 =	sand.u32 $0x1C00, s15;
	_ =	swait.ge [sflag:s18], $0x4000  }
0x3e7: {  	s6 =	sand.u32 $0x380, s15;
	s7 =	sor.u32 s12, s16;
	[sflag:s18] =	ssyncset.done $0x0  }
0x3e8: {  	s6 =	sor.u32 s6, s7;
	[sflag:s18] =	ssyncadd.s32 $0xFFFFC000  }
0x3e9: {  	v3 =	vld [tilespmem:s6+$0x4170]  }
0x3ea: {  	v6 =	vld [tilespmem:s6+$0x4100]  }
0x3eb: {  	v7 =	vld [tilespmem:s6+$0x4110]  }
0x3ec: {  	v8 =	vld [tilespmem:s6+$0x4120]  }
0x3ed: {  	v9 =	vld [tilespmem:s6+$0x4130]  }
0x3ee: {  	v5 =	vld [tilespmem:s6+$0x4140]  }
0x3ef: {  	v4 =	vld [tilespmem:s6+$0x4160]  }
0x3f0: {  	[tilespmem:s6+$0x8170] =	vst.add.f32.msk $0xffff, v3  }
0x3f1: {  	v3 =	vld [tilespmem:s6+$0x4150]  }
0x3f2: {  	[tilespmem:s6+$0x8100] =	vst.add.f32.msk $0xffff, v6  }
0x3f3: {  	[tilespmem:s6+$0x8110] =	vst.add.f32.msk $0xffff, v7  }
0x3f4: {  	s13 =	simm.s32 $0x80;
	[tilespmem:s6+$0x8120] =	vst.add.f32.msk $0xffff, v8  }
0x3f5: {  	s14 =	simm.s32 $0x400;
	s12 =	simm.s32 $0x10;
	s7 =	simm.s32 $0x0;
	[tilespmem:s6+$0x8130] =	vst.add.f32.msk $0xffff, v9  }
.LBB2_32:
0x3f6: {  	s15 =	sand.u32 $0x2000, s13;
	s16 =	sand.u32 $0x1C00, s14;
	s7 =	sadd.s32 $0x4, s7;
	[tilespmem:s6+$0x8140] =	vst.add.f32.msk $0xffff, v5  }
0x3f7: {  	s15 =	sor.u32 s16, s15;
	s16 =	sand.u32 $0x380, s12;
	p0 =	slt.u32 s7, $0x1FC;
	[tilespmem:s6+$0x8150] =	vst.add.f32.msk $0xffff, v3  }
0x3f8: {  	[tilespmem:s6+$0x8160] =	vst.add.f32.msk $0xffff, v4;
	s6 =	sor.u32 s16, s15  }
0x3f9: {  	v3 =	vld [tilespmem:s6+$0x4170]  }
0x3fa: {  	v6 =	vld [tilespmem:s6+$0x4100]  }
0x3fb: {  	v7 =	vld [tilespmem:s6+$0x4110]  }
0x3fc: {  	v8 =	vld [tilespmem:s6+$0x4120]  }
0x3fd: {  	v9 =	vld [tilespmem:s6+$0x4130]  }
0x3fe: {  	[tilespmem:s6+$0x8170] =	vst.add.f32.msk $0xffff, v3  }
0x3ff: {  	v5 =	vld [tilespmem:s6+$0x4140]  }
0x400: {  	v3 =	vld [tilespmem:s6+$0x4150]  }
.Ltmp15:
0x401: {  	v4 =	vld [tilespmem:s6+$0x4160];
	(pc) =	sbr.rel @p0 .LBB2_32-.Ltmp15, $4  }
0x402: {  	[tilespmem:s6+$0x8100] =	vst.add.f32.msk $0xffff, v6  }
0x403: {  	[tilespmem:s6+$0x8110] =	vst.add.f32.msk $0xffff, v7  }
0x404: {  	[tilespmem:s6+$0x8120] =	vst.add.f32.msk $0xffff, v8  }
0x405: {  	s13 =	sadd.s32 $0x80, s13;
	s14 =	sadd.s32 $0x400, s14;
	s12 =	sadd.s32 $0x10, s12;
	[tilespmem:s6+$0x8130] =	vst.add.f32.msk $0xffff, v9  }
0x406: {  	[tilespmem:s6+$0x8140] =	vst.add.f32.msk $0xffff, v5  }
0x407: {  	[tilespmem:s6+$0x8150] =	vst.add.f32.msk $0xffff, v3  }
0x408: {  	[tilespmem:s6+$0x8160] =	vst.add.f32.msk $0xffff, v4  }
0x409: {  	s6 =	rddreg [dreg:$0x1d]  }
0x40a: {  	[hbm4b:s6+s3] =	stream.linear.scatter [tilespmem:s5], [sflag:$0x8], $0x4000, $0x38;
	[tilespmem:$0x1C100] =	vst v63  }
0x40b: {  	_ =	swait.ge [sflag:s31], $0x4000  }
0x40c: {  	[sflag:s31] =	ssyncset.done $0x0  }
0x40d: {  	[sflag:s31] =	ssyncadd.s32 $0xFFFFC000  }
0x40e: {  	_ =	swait.ge [sflag:s20], $0x4000  }
0x40f: {  	[sflag:s20] =	ssyncset.done $0x0  }
0x410: {  	[sflag:s20] =	ssyncadd.s32 $0xFFFFC000  }
0x411: {  	_ =	swait.ge [sflag:s21], $0x4000  }
0x412: {  	[sflag:s21] =	ssyncset.done $0x0  }
0x413: {  	[sflag:s21] =	ssyncadd.s32 $0xFFFFC000  }
0x414: {  	_ =	swait.ge [sflag:s22], $0x4000  }
0x415: {  	[sflag:s22] =	ssyncset.done $0x0  }
0x416: {  	[sflag:s22] =	ssyncadd.s32 $0xFFFFC000  }
0x417: {  	_ =	swait.ge [sflag:s26], $0x4000  }
0x418: {  	s23 =	sadd.s32 $0x1, s23;
	s16 =	rddreg [dreg:$0x17]  }
0x419: {  	p0 =	sne.s32 s23, s16  }
.Ltmp16:
0x41a: {  	_ = 	snop;
	(pc) =	sbr.rel @p0 .LBB2_1-.Ltmp16, $3  }
0x41b: {  	_ =	sdelay $0x1  }
0x41c: {  	[sflag:s26] =	ssyncset.done $0x0  }
0x41d: {  	[sflag:s26] =	ssyncadd.s32 $0xFFFFC000  }
0x41e: {  	_ =	sfence.sel $0x180000  }
0x41f: {  	[bflag:$0x0] =	sbarrier.arrive $0xFFFF  }
0x420: {  	_ =	strace $0x90000047  }
0x421: {  	s0 =	stileid.u32;
	[bflag:$0x2] =	sbarrier.arrive $0xFFFF  }
0x422: {  	p0 =	sne.s32 s0, $0x0;
	s0 =	rddreg [dreg:$0x4]  }
0x423: {  	s0 =	sadd.s32 @!p0 $0x100000, s0  }
0x424: {  	[sflag:s0] =	ssyncadd.tile.s32 @!p0 $0x1;
	_ =	shalt  }
.Lfunc_end2:
_tile_overlayer_lowered:
.L_overlay_start_2:
0x425: {  	(tag) =	ssettag $0x2  }
0x426: {  	s0 =	rddreg [dreg:$0x0];
	s2 =	stileid.u32  }
0x427: {  	s1 =	rddreg [dreg:$0x1];
	p0 =	sne.s32 s2, $0x0  }
0x428: {  	s3 =	rddreg [dreg:$0x2];
	[bflag:$0x3] =	sbarrier.arrive $0xFFFF;
	s2 =	simm.s32 @!p0 $0x1C0D  }
0x429: {  	[timem:s3], [sflag:s2] =	dma.local @!p0 [hbm:s0], s1  }
0x42a: {  	s0 =	simm.s32 @!p0 $0xD  }
0x42b: {  	_ =	swait.ge @!p0 [sflag:s0], s1  }
0x42c: {  	s1 =	ssub.s32 @!p0 $0x0, s1;
	[sflag:s0] =	ssyncset.done @!p0 $0x0  }
0x42d: {  	[sflag:s0] =	ssyncadd.s32 @!p0 s1  }
0x42e: {  	[bflag:$0x3] =	sbarrier.arrive $0xFFFF  }
0x42f: {  	_ =	shalt  }

</sc_bundles>
